<compile_context>
chip_gen: v7x
topology: tpu7x:2x2x1
jax: 0.10.2.dev20260603
libtpu: 0.0.44.dev20260713+nightly
codegen_flags: <defaults>
</compile_context>

<pallas_src>
import functools

import jax
import jax.numpy as jnp
from jax import lax
from jax.experimental import pallas as pl
from jax.experimental.pallas import tpu as pltpu
from jax.experimental.pallas import tpu_sc as plsc

NUM_CORES = 2
NUM_SUBCORES = 16
NUM_WORKERS = NUM_CORES * NUM_SUBCORES
LANES = 16
CHUNK = 80

_GATHER_DN = lax.GatherDimensionNumbers(
    offset_dims=(), collapsed_slice_dims=(0,), start_index_map=(0,))


def _vgather(v, idx):
    return lax.gather(v, idx[:, None], _GATHER_DN, slice_sizes=(1,),
                      mode=lax.GatherScatterMode.PROMISE_IN_BOUNDS)


def _sc_body(x_hbm, src_hbm, dst_hbm, wb_hbm, out_hbm,
             wb_v, src_ix, dst_ix, out_all,
             srows0, drows0, srows1, drows1, sem0, sem1):
    d = x_hbm.shape[1]
    n_sub = d // LANES
    wid = lax.axis_index("s") * NUM_CORES + lax.axis_index("c")
    e_per_w = src_hbm.shape[0] // NUM_WORKERS
    base = wid * e_per_w
    n_chunks = e_per_w // CHUNK

    pltpu.sync_copy(wb_hbm, wb_v)
    pltpu.sync_copy(src_hbm.at[pl.ds(base, e_per_w)], src_ix)
    pltpu.sync_copy(dst_hbm.at[pl.ds(base, e_per_w)], dst_ix)

    b_vec = wb_v[pl.ds(d, LANES)]
    lane_iota = lax.iota(jnp.int32, LANES)

    def issue(i, srows, drows, sem):
        sl = pl.ds(i * CHUNK, CHUNK)
        pltpu.async_copy(x_hbm.at[src_ix.at[sl]], srows, sem)
        pltpu.async_copy(x_hbm.at[dst_ix.at[sl]], drows, sem)

    def wait(i, srows, drows, sem):
        sl = pl.ds(i * CHUNK, CHUNK)
        pltpu.make_async_copy(x_hbm.at[src_ix.at[sl]], srows, sem).wait()
        pltpu.make_async_copy(x_hbm.at[dst_ix.at[sl]], drows, sem).wait()

    def compute(i, srows, drows):
        obase = i * CHUNK

        def group_body(g, c):
            ebase = g * LANES
            w0 = wb_v[pl.ds(0, LANES)]
            init = tuple(srows[ebase + j, pl.ds(0, LANES)]
                         * drows[ebase + j, pl.ds(0, LANES)] * w0
                         for j in range(LANES))

            def kbody(k, accs):
                off = k * LANES
                wk = wb_v[pl.ds(off, LANES)]
                return tuple(
                    accs[j] + (srows[ebase + j, pl.ds(off, LANES)]
                               * drows[ebase + j, pl.ds(off, LANES)]) * wk
                    for j in range(LANES))

            accs = list(lax.fori_loop(1, n_sub, kbody, init, unroll=False))
            for dd in (1, 2, 4, 8):
                m = (lane_iota & dd) != 0
                rot_idx = lane_iota ^ dd
                nxt = []
                for t in range(0, len(accs), 2):
                    a, bb = accs[t], accs[t + 1]
                    sel = jnp.where(m, bb, a)
                    rot = _vgather(jnp.where(m, a, bb), rot_idx)
                    nxt.append(sel + rot)
                accs = nxt
            out_all[pl.ds(obase + ebase, LANES)] = accs[0] + b_vec
            return c

        lax.fori_loop(0, CHUNK // LANES, group_body, 0, unroll=False)

    issue(0, srows0, drows0, sem0)

    def pair_body(p, carry):
        c0 = 2 * p
        c1 = c0 + 1
        issue(c1, srows1, drows1, sem1)
        wait(c0, srows0, drows0, sem0)
        compute(c0, srows0, drows0)

        @pl.when(c1 + 1 < n_chunks)
        def _():
            issue(c1 + 1, srows0, drows0, sem0)

        wait(c1, srows1, drows1, sem1)
        compute(c1, srows1, drows1)
        return carry

    lax.fori_loop(0, n_chunks // 2, pair_body, 0, unroll=False)

    if n_chunks % 2 == 1:
        wait(n_chunks - 1, srows0, drows0, sem0)
        compute(n_chunks - 1, srows0, drows0)

    pltpu.sync_copy(out_all, out_hbm.at[pl.ds(base, e_per_w)])


def _make_sc_call(n_edges, d):
    mesh = plsc.VectorSubcoreMesh(core_axis_name="c", subcore_axis_name="s")
    e_per_w = n_edges // NUM_WORKERS
    return pl.kernel(
        _sc_body,
        out_type=jax.ShapeDtypeStruct((n_edges,), jnp.float32),
        mesh=mesh,
        scratch_types=[
            pltpu.VMEM((d + LANES,), jnp.float32),
            pltpu.VMEM((e_per_w,), jnp.int32),
            pltpu.VMEM((e_per_w,), jnp.int32),
            pltpu.VMEM((e_per_w,), jnp.float32),
            pltpu.VMEM((CHUNK, d), jnp.float32),
            pltpu.VMEM((CHUNK, d), jnp.float32),
            pltpu.VMEM((CHUNK, d), jnp.float32),
            pltpu.VMEM((CHUNK, d), jnp.float32),
            pltpu.SemaphoreType.DMA,
            pltpu.SemaphoreType.DMA,
        ],
    )


def kernel(x, edge_index, W, b):
    n_edges = edge_index.shape[1]
    d = x.shape[1]
    src = edge_index[0].astype(jnp.int32)
    dst = edge_index[1].astype(jnp.int32)
    wb = jnp.concatenate(
        [W[0].astype(jnp.float32),
         jnp.broadcast_to(b.astype(jnp.float32), (LANES,))])
    out = _make_sc_call(n_edges, d)(x, src, dst, wb)
    return out.reshape(n_edges, 1)

# --- scband reference (transcript-rebuilt; emitter-appended) ---
"""Pipeline reference for scband-edge-regresion-scorer-71648644432151 (READ-ONLY COPY).

The authoritative reference and input builder live on the scoring server;
editing this copy changes nothing except your own understanding.
"""

import jax, jax.numpy as jnp
import numpy as np

N_NODES = 10000
N_EDGES = 320000
D_FEAT = 128


def setup_inputs(seed: int = 0) -> dict:
    key = jax.random.key(seed)
    k1, k2, k3, k4 = jax.random.split(key, 4)
    x = jax.random.normal(k1, (N_NODES, D_FEAT), dtype=jnp.float32)
    edge_index = jax.random.randint(k2, (2, N_EDGES), 0, N_NODES, dtype=jnp.int64)
    # nn.Linear(in_features=128, out_features=1) params
    bound = 1.0 / np.sqrt(D_FEAT)
    W = jax.random.uniform(k3, (1, D_FEAT), dtype=jnp.float32, minval=-bound, maxval=bound)
    b = jax.random.uniform(k4, (1,), dtype=jnp.float32, minval=-bound, maxval=bound)
    return {"x": x, "edge_index": edge_index, "W": W, "b": b}


def reference(x, edge_index, W, b):
    # DGL apply_edges: score = Linear(src_feat * dst_feat)
    src = edge_index[0]
    dst = edge_index[1]
    h_src = jnp.take(x, src, axis=0)   # gather [E, d]
    h_dst = jnp.take(x, dst, axis=0)   # gather [E, d]
    h = h_src * h_dst                  # elementwise product [E, d]
    score = h @ W.T + b                # [E, 1]
    return score

if __name__ == "__main__":
    import jax
    _d = setup_inputs()
    print(jax.jit(kernel)(*tuple(_d.values())))

</pallas_src>

<mosaic_0001>
#map = affine_map<(d0, d1) -> (0, 0)>
#map1 = affine_map<(d0, d1) -> (0)>
module attributes {stable_mosaic.version = 14 : i64} {
  func.func @_sc_body(%arg0: i32, %arg1: i32, %arg2: memref<10000x128xf32, #tpu.memory_space<hbm>>, %arg3: memref<320000xi32, #tpu.memory_space<hbm>>, %arg4: memref<320000xi32, #tpu.memory_space<hbm>>, %arg5: memref<144xf32, #tpu.memory_space<hbm>>, %arg6: memref<320000xf32, #tpu.memory_space<hbm>>, %arg7: memref<144xf32, #tpu.memory_space<vmem>>, %arg8: memref<10000xi32, #tpu.memory_space<vmem>>, %arg9: memref<10000xi32, #tpu.memory_space<vmem>>, %arg10: memref<10000xf32, #tpu.memory_space<vmem>>, %arg11: memref<80x128xf32, #tpu.memory_space<vmem>>, %arg12: memref<80x128xf32, #tpu.memory_space<vmem>>, %arg13: memref<80x128xf32, #tpu.memory_space<vmem>>, %arg14: memref<80x128xf32, #tpu.memory_space<vmem>>, %arg15: memref<!tpu.dma_semaphore, #tpu.memory_space<semaphore_mem>>, %arg16: memref<!tpu.dma_semaphore, #tpu.memory_space<semaphore_mem>>) attributes {dimension_semantics = [#tpu.dimension_semantics<core_parallel>, #tpu.dimension_semantics<subcore_parallel>], iteration_bounds = array<i64: 2, 16>, scalar_prefetch = 0 : i64, scratch_operands = 10 : i64, tpu.core_type = #tpu.core_type<sc_vector_subcore>, window_params = [{transform_indices = #map}, {transform_indices = #map1}, {transform_indices = #map1}, {transform_indices = #map1}, {transform_indices = #map1}]} {
    %mul3A = arith.constant 2 : i32
    %mul3A_0 = arith.muli %arg1, %mul3A : i32
    %add3A = arith.addi %mul3A_0, %arg0 : i32
    %mul3A_1 = arith.constant 10000 : i32
    %mul3A_2 = arith.muli %add3A, %mul3A_1 : i32
    "tpu.region"() ({
      %run_scoped3A = tpu.sem_alloc : memref<!tpu.dma_semaphore, #tpu.memory_space<semaphore_mem>>
      tpu.enqueue_dma source(%arg5 : memref<144xf32, #tpu.memory_space<hbm>>) target(%arg7 : memref<144xf32, #tpu.memory_space<vmem>>) target_semaphore(%run_scoped3A : memref<!tpu.dma_semaphore, #tpu.memory_space<semaphore_mem>>)
      tpu.wait_dma2 semaphore(%run_scoped3A : memref<!tpu.dma_semaphore, #tpu.memory_space<semaphore_mem>>) src(%arg5 : memref<144xf32, #tpu.memory_space<hbm>>) dst(%arg7 : memref<144xf32, #tpu.memory_space<vmem>>)
      tpu.yield
    }) : () -> ()
    "tpu.region"() ({
      %run_scoped3A = tpu.sem_alloc : memref<!tpu.dma_semaphore, #tpu.memory_space<semaphore_mem>>
      %dma_start3A_34 = tpu.memref_slice %arg3[%mul3A_2] : memref<320000xi32, #tpu.memory_space<hbm>> -> memref<10000xi32, #tpu.memory_space<hbm>>
      %dma_start3A_35 = tpu.memref_slice %arg3[%mul3A_2] : memref<320000xi32, #tpu.memory_space<hbm>> -> memref<10000xi32, #tpu.memory_space<hbm>>
      tpu.enqueue_dma source(%dma_start3A_35 : memref<10000xi32, #tpu.memory_space<hbm>>) target(%arg8 : memref<10000xi32, #tpu.memory_space<vmem>>) target_semaphore(%run_scoped3A : memref<!tpu.dma_semaphore, #tpu.memory_space<semaphore_mem>>)
      %dma_wait3A_36 = tpu.memref_slice %arg3[%mul3A_2] : memref<320000xi32, #tpu.memory_space<hbm>> -> memref<10000xi32, #tpu.memory_space<hbm>>
      %dma_wait3A_37 = tpu.memref_slice %arg3[%mul3A_2] : memref<320000xi32, #tpu.memory_space<hbm>> -> memref<10000xi32, #tpu.memory_space<hbm>>
      tpu.wait_dma2 semaphore(%run_scoped3A : memref<!tpu.dma_semaphore, #tpu.memory_space<semaphore_mem>>) src(%dma_wait3A_37 : memref<10000xi32, #tpu.memory_space<hbm>>) dst(%arg8 : memref<10000xi32, #tpu.memory_space<vmem>>)
      tpu.yield
    }) : () -> ()
    "tpu.region"() ({
      %run_scoped3A = tpu.sem_alloc : memref<!tpu.dma_semaphore, #tpu.memory_space<semaphore_mem>>
      %dma_start3A_34 = tpu.memref_slice %arg4[%mul3A_2] : memref<320000xi32, #tpu.memory_space<hbm>> -> memref<10000xi32, #tpu.memory_space<hbm>>
      %dma_start3A_35 = tpu.memref_slice %arg4[%mul3A_2] : memref<320000xi32, #tpu.memory_space<hbm>> -> memref<10000xi32, #tpu.memory_space<hbm>>
      tpu.enqueue_dma source(%dma_start3A_35 : memref<10000xi32, #tpu.memory_space<hbm>>) target(%arg9 : memref<10000xi32, #tpu.memory_space<vmem>>) target_semaphore(%run_scoped3A : memref<!tpu.dma_semaphore, #tpu.memory_space<semaphore_mem>>)
      %dma_wait3A_36 = tpu.memref_slice %arg4[%mul3A_2] : memref<320000xi32, #tpu.memory_space<hbm>> -> memref<10000xi32, #tpu.memory_space<hbm>>
      %dma_wait3A_37 = tpu.memref_slice %arg4[%mul3A_2] : memref<320000xi32, #tpu.memory_space<hbm>> -> memref<10000xi32, #tpu.memory_space<hbm>>
      tpu.wait_dma2 semaphore(%run_scoped3A : memref<!tpu.dma_semaphore, #tpu.memory_space<semaphore_mem>>) src(%dma_wait3A_37 : memref<10000xi32, #tpu.memory_space<hbm>>) dst(%arg9 : memref<10000xi32, #tpu.memory_space<vmem>>)
      tpu.yield
    }) : () -> ()
    %get3A = arith.constant 128 : index
    %get3A_3 = tpu.vector_load %arg7[%get3A] {strides = array<i32>} : memref<144xf32, #tpu.memory_space<vmem>>, vector<16xf32>,
    %get3A_4 = vector.shape_cast %get3A_3 : vector<16xf32> to vector<16xf32>
    %iota3A = tpu.iota {dimensions = array<i32: 0>} : vector<16xi32>
    %dma_start3A = arith.constant 0 : i32
    %dma_start3A_5 = tpu.memref_slice %arg8[%dma_start3A] : memref<10000xi32, #tpu.memory_space<vmem>> -> memref<80xi32, #tpu.memory_space<vmem>>
    %dma_start3A_6 = arith.constant 0 : i32
    %dma_start3A_7 = arith.constant 0 : i32
    %dma_start3A_8 = tpu.memref_slice %arg2[%dma_start3A_6, %dma_start3A_7] : memref<10000x128xf32, #tpu.memory_space<hbm>> -> memref<10000x128xf32, #tpu.memory_space<hbm>>
    tpu.enqueue_indirect_dma source(%dma_start3A_8 : memref<10000x128xf32, #tpu.memory_space<hbm>>) target(%arg11 : memref<80x128xf32, #tpu.memory_space<vmem>>) offsets(%dma_start3A_5 : memref<80xi32, #tpu.memory_space<vmem>>) semaphore(%arg15 : memref<!tpu.dma_semaphore, #tpu.memory_space<semaphore_mem>>)
    %dma_start3A_9 = arith.constant 0 : i32
    %dma_start3A_10 = tpu.memref_slice %arg9[%dma_start3A_9] : memref<10000xi32, #tpu.memory_space<vmem>> -> memref<80xi32, #tpu.memory_space<vmem>>
    %dma_start3A_11 = arith.constant 0 : i32
    %dma_start3A_12 = arith.constant 0 : i32
    %dma_start3A_13 = tpu.memref_slice %arg2[%dma_start3A_11, %dma_start3A_12] : memref<10000x128xf32, #tpu.memory_space<hbm>> -> memref<10000x128xf32, #tpu.memory_space<hbm>>
    tpu.enqueue_indirect_dma source(%dma_start3A_13 : memref<10000x128xf32, #tpu.memory_space<hbm>>) target(%arg12 : memref<80x128xf32, #tpu.memory_space<vmem>>) offsets(%dma_start3A_10 : memref<80xi32, #tpu.memory_space<vmem>>) semaphore(%arg15 : memref<!tpu.dma_semaphore, #tpu.memory_space<semaphore_mem>>)
    %scan3A = arith.constant 0 : i32
    %scan3A_14 = arith.constant 0 : i32
    %scan3A_15 = arith.constant 62 : i32
    %scan3A_16 = arith.addi %scan3A_14, %scan3A_15 : i32
    %scan3A_17 = arith.constant 1 : i32
    scf.for %scan3A_34 = %scan3A_14 to %scan3A_16 step %scan3A_17  : i32 {
      %mul3A_35 = arith.constant 2 : i32
      %mul3A_36 = arith.muli %mul3A_35, %scan3A_34 : i32
      %add3A_37 = arith.constant 1 : i32
      %add3A_38 = arith.addi %mul3A_36, %add3A_37 : i32
      %mul3A_39 = arith.constant 80 : i32
      %mul3A_40 = arith.muli %add3A_38, %mul3A_39 : i32
      %dma_start3A_41 = tpu.memref_slice %arg8[%mul3A_40] : memref<10000xi32, #tpu.memory_space<vmem>> -> memref<80xi32, #tpu.memory_space<vmem>>
      %dma_start3A_42 = arith.constant 0 : i32
      %dma_start3A_43 = arith.constant 0 : i32
      %dma_start3A_44 = tpu.memref_slice %arg2[%dma_start3A_42, %dma_start3A_43] : memref<10000x128xf32, #tpu.memory_space<hbm>> -> memref<10000x128xf32, #tpu.memory_space<hbm>>
      tpu.enqueue_indirect_dma source(%dma_start3A_44 : memref<10000x128xf32, #tpu.memory_space<hbm>>) target(%arg13 : memref<80x128xf32, #tpu.memory_space<vmem>>) offsets(%dma_start3A_41 : memref<80xi32, #tpu.memory_space<vmem>>) semaphore(%arg16 : memref<!tpu.dma_semaphore, #tpu.memory_space<semaphore_mem>>)
      %dma_start3A_45 = tpu.memref_slice %arg9[%mul3A_40] : memref<10000xi32, #tpu.memory_space<vmem>> -> memref<80xi32, #tpu.memory_space<vmem>>
      %dma_start3A_46 = arith.constant 0 : i32
      %dma_start3A_47 = arith.constant 0 : i32
      %dma_start3A_48 = tpu.memref_slice %arg2[%dma_start3A_46, %dma_start3A_47] : memref<10000x128xf32, #tpu.memory_space<hbm>> -> memref<10000x128xf32, #tpu.memory_space<hbm>>
      tpu.enqueue_indirect_dma source(%dma_start3A_48 : memref<10000x128xf32, #tpu.memory_space<hbm>>) target(%arg14 : memref<80x128xf32, #tpu.memory_space<vmem>>) offsets(%dma_start3A_45 : memref<80xi32, #tpu.memory_space<vmem>>) semaphore(%arg16 : memref<!tpu.dma_semaphore, #tpu.memory_space<semaphore_mem>>)
      %mul3A_49 = arith.constant 80 : i32
      %mul3A_50 = arith.muli %mul3A_36, %mul3A_49 : i32
      %dma_wait3A_51 = tpu.memref_slice %arg8[%mul3A_50] : memref<10000xi32, #tpu.memory_space<vmem>> -> memref<80xi32, #tpu.memory_space<vmem>>
      %dma_wait3A_52 = arith.constant 0 : i32
      %dma_wait3A_53 = arith.constant 0 : i32
      %dma_wait3A_54 = tpu.memref_slice %arg2[%dma_wait3A_52, %dma_wait3A_53] : memref<10000x128xf32, #tpu.memory_space<hbm>> -> memref<10000x128xf32, #tpu.memory_space<hbm>>
      tpu.wait_indirect_dma semaphore(%arg15 : memref<!tpu.dma_semaphore, #tpu.memory_space<semaphore_mem>>) src(%dma_wait3A_54 : memref<10000x128xf32, #tpu.memory_space<hbm>>) dst(%arg11 : memref<80x128xf32, #tpu.memory_space<vmem>>)
      %dma_wait3A_55 = tpu.memref_slice %arg9[%mul3A_50] : memref<10000xi32, #tpu.memory_space<vmem>> -> memref<80xi32, #tpu.memory_space<vmem>>
      %dma_wait3A_56 = arith.constant 0 : i32
      %dma_wait3A_57 = arith.constant 0 : i32
      %dma_wait3A_58 = tpu.memref_slice %arg2[%dma_wait3A_56, %dma_wait3A_57] : memref<10000x128xf32, #tpu.memory_space<hbm>> -> memref<10000x128xf32, #tpu.memory_space<hbm>>
      tpu.wait_indirect_dma semaphore(%arg15 : memref<!tpu.dma_semaphore, #tpu.memory_space<semaphore_mem>>) src(%dma_wait3A_58 : memref<10000x128xf32, #tpu.memory_space<hbm>>) dst(%arg12 : memref<80x128xf32, #tpu.memory_space<vmem>>)
      %mul3A_59 = arith.constant 80 : i32
      %mul3A_60 = arith.muli %mul3A_36, %mul3A_59 : i32
      %scan3A_61 = arith.constant 0 : i32
      %scan3A_62 = arith.constant 0 : i32
      %scan3A_63 = arith.constant 5 : i32
      %scan3A_64 = arith.addi %scan3A_62, %scan3A_63 : i32
      %scan3A_65 = arith.constant 1 : i32
      scf.for %scan3A_89 = %scan3A_62 to %scan3A_64 step %scan3A_65  : i32 {
        %mul3A_90 = arith.constant 16 : i32
        %mul3A_91 = arith.muli %scan3A_89, %mul3A_90 : i32
        %get3A_92 = arith.constant 0 : index
        %get3A_93 = tpu.vector_load %arg7[%get3A_92] {strides = array<i32>} : memref<144xf32, #tpu.memory_space<vmem>>, vector<16xf32>,
        %get3A_94 = vector.shape_cast %get3A_93 : vector<16xf32> to vector<16xf32>
        %add3A_95 = arith.constant 0 : i32
        %add3A_96 = arith.addi %mul3A_91, %add3A_95 : i32
        %get3A_97 = arith.index_cast %add3A_96 : i32 to index
        %get3A_98 = arith.constant 0 : index
        %get3A_99 = tpu.vector_load %arg11[%get3A_97, %get3A_98] {strides = array<i32>} : memref<80x128xf32, #tpu.memory_space<vmem>>, vector<1x16xf32>,
        %get3A_100 = vector.shape_cast %get3A_99 : vector<1x16xf32> to vector<16xf32>
        %add3A_101 = arith.constant 0 : i32
        %add3A_102 = arith.addi %mul3A_91, %add3A_101 : i32
        %get3A_103 = arith.index_cast %add3A_102 : i32 to index
        %get3A_104 = arith.constant 0 : index
        %get3A_105 = tpu.vector_load %arg12[%get3A_103, %get3A_104] {strides = array<i32>} : memref<80x128xf32, #tpu.memory_space<vmem>>, vector<1x16xf32>,
        %get3A_106 = vector.shape_cast %get3A_105 : vector<1x16xf32> to vector<16xf32>
        %mul3A_107 = arith.mulf %get3A_100, %get3A_106 : vector<16xf32>
        %mul3A_108 = arith.mulf %mul3A_107, %get3A_94 : vector<16xf32>
        %add3A_109 = arith.constant 1 : i32
        %add3A_110 = arith.addi %mul3A_91, %add3A_109 : i32
        %get3A_111 = arith.index_cast %add3A_110 : i32 to index
        %get3A_112 = arith.constant 0 : index
        %get3A_113 = tpu.vector_load %arg11[%get3A_111, %get3A_112] {strides = array<i32>} : memref<80x128xf32, #tpu.memory_space<vmem>>, vector<1x16xf32>,
        %get3A_114 = vector.shape_cast %get3A_113 : vector<1x16xf32> to vector<16xf32>
        %add3A_115 = arith.constant 1 : i32
        %add3A_116 = arith.addi %mul3A_91, %add3A_115 : i32
        %get3A_117 = arith.index_cast %add3A_116 : i32 to index
        %get3A_118 = arith.constant 0 : index
        %get3A_119 = tpu.vector_load %arg12[%get3A_117, %get3A_118] {strides = array<i32>} : memref<80x128xf32, #tpu.memory_space<vmem>>, vector<1x16xf32>,
        %get3A_120 = vector.shape_cast %get3A_119 : vector<1x16xf32> to vector<16xf32>
        %mul3A_121 = arith.mulf %get3A_114, %get3A_120 : vector<16xf32>
        %mul3A_122 = arith.mulf %mul3A_121, %get3A_94 : vector<16xf32>
        %add3A_123 = arith.constant 2 : i32
        %add3A_124 = arith.addi %mul3A_91, %add3A_123 : i32
        %get3A_125 = arith.index_cast %add3A_124 : i32 to index
        %get3A_126 = arith.constant 0 : index
        %get3A_127 = tpu.vector_load %arg11[%get3A_125, %get3A_126] {strides = array<i32>} : memref<80x128xf32, #tpu.memory_space<vmem>>, vector<1x16xf32>,
        %get3A_128 = vector.shape_cast %get3A_127 : vector<1x16xf32> to vector<16xf32>
        %add3A_129 = arith.constant 2 : i32
        %add3A_130 = arith.addi %mul3A_91, %add3A_129 : i32
        %get3A_131 = arith.index_cast %add3A_130 : i32 to index
        %get3A_132 = arith.constant 0 : index
        %get3A_133 = tpu.vector_load %arg12[%get3A_131, %get3A_132] {strides = array<i32>} : memref<80x128xf32, #tpu.memory_space<vmem>>, vector<1x16xf32>,
        %get3A_134 = vector.shape_cast %get3A_133 : vector<1x16xf32> to vector<16xf32>
        %mul3A_135 = arith.mulf %get3A_128, %get3A_134 : vector<16xf32>
        %mul3A_136 = arith.mulf %mul3A_135, %get3A_94 : vector<16xf32>
        %add3A_137 = arith.constant 3 : i32
        %add3A_138 = arith.addi %mul3A_91, %add3A_137 : i32
        %get3A_139 = arith.index_cast %add3A_138 : i32 to index
        %get3A_140 = arith.constant 0 : index
        %get3A_141 = tpu.vector_load %arg11[%get3A_139, %get3A_140] {strides = array<i32>} : memref<80x128xf32, #tpu.memory_space<vmem>>, vector<1x16xf32>,
        %get3A_142 = vector.shape_cast %get3A_141 : vector<1x16xf32> to vector<16xf32>
        %add3A_143 = arith.constant 3 : i32
        %add3A_144 = arith.addi %mul3A_91, %add3A_143 : i32
        %get3A_145 = arith.index_cast %add3A_144 : i32 to index
        %get3A_146 = arith.constant 0 : index
        %get3A_147 = tpu.vector_load %arg12[%get3A_145, %get3A_146] {strides = array<i32>} : memref<80x128xf32, #tpu.memory_space<vmem>>, vector<1x16xf32>,
        %get3A_148 = vector.shape_cast %get3A_147 : vector<1x16xf32> to vector<16xf32>
        %mul3A_149 = arith.mulf %get3A_142, %get3A_148 : vector<16xf32>
        %mul3A_150 = arith.mulf %mul3A_149, %get3A_94 : vector<16xf32>
        %add3A_151 = arith.constant 4 : i32
        %add3A_152 = arith.addi %mul3A_91, %add3A_151 : i32
        %get3A_153 = arith.index_cast %add3A_152 : i32 to index
        %get3A_154 = arith.constant 0 : index
        %get3A_155 = tpu.vector_load %arg11[%get3A_153, %get3A_154] {strides = array<i32>} : memref<80x128xf32, #tpu.memory_space<vmem>>, vector<1x16xf32>,
        %get3A_156 = vector.shape_cast %get3A_155 : vector<1x16xf32> to vector<16xf32>
        %add3A_157 = arith.constant 4 : i32
        %add3A_158 = arith.addi %mul3A_91, %add3A_157 : i32
        %get3A_159 = arith.index_cast %add3A_158 : i32 to index
        %get3A_160 = arith.constant 0 : index
        %get3A_161 = tpu.vector_load %arg12[%get3A_159, %get3A_160] {strides = array<i32>} : memref<80x128xf32, #tpu.memory_space<vmem>>, vector<1x16xf32>,
        %get3A_162 = vector.shape_cast %get3A_161 : vector<1x16xf32> to vector<16xf32>
        %mul3A_163 = arith.mulf %get3A_156, %get3A_162 : vector<16xf32>
        %mul3A_164 = arith.mulf %mul3A_163, %get3A_94 : vector<16xf32>
        %add3A_165 = arith.constant 5 : i32
        %add3A_166 = arith.addi %mul3A_91, %add3A_165 : i32
        %get3A_167 = arith.index_cast %add3A_166 : i32 to index
        %get3A_168 = arith.constant 0 : index
        %get3A_169 = tpu.vector_load %arg11[%get3A_167, %get3A_168] {strides = array<i32>} : memref<80x128xf32, #tpu.memory_space<vmem>>, vector<1x16xf32>,
        %get3A_170 = vector.shape_cast %get3A_169 : vector<1x16xf32> to vector<16xf32>
        %add3A_171 = arith.constant 5 : i32
        %add3A_172 = arith.addi %mul3A_91, %add3A_171 : i32
        %get3A_173 = arith.index_cast %add3A_172 : i32 to index
        %get3A_174 = arith.constant 0 : index
        %get3A_175 = tpu.vector_load %arg12[%get3A_173, %get3A_174] {strides = array<i32>} : memref<80x128xf32, #tpu.memory_space<vmem>>, vector<1x16xf32>,
        %get3A_176 = vector.shape_cast %get3A_175 : vector<1x16xf32> to vector<16xf32>
        %mul3A_177 = arith.mulf %get3A_170, %get3A_176 : vector<16xf32>
        %mul3A_178 = arith.mulf %mul3A_177, %get3A_94 : vector<16xf32>
        %add3A_179 = arith.constant 6 : i32
        %add3A_180 = arith.addi %mul3A_91, %add3A_179 : i32
        %get3A_181 = arith.index_cast %add3A_180 : i32 to index
        %get3A_182 = arith.constant 0 : index
        %get3A_183 = tpu.vector_load %arg11[%get3A_181, %get3A_182] {strides = array<i32>} : memref<80x128xf32, #tpu.memory_space<vmem>>, vector<1x16xf32>,
        %get3A_184 = vector.shape_cast %get3A_183 : vector<1x16xf32> to vector<16xf32>
        %add3A_185 = arith.constant 6 : i32
        %add3A_186 = arith.addi %mul3A_91, %add3A_185 : i32
        %get3A_187 = arith.index_cast %add3A_186 : i32 to index
        %get3A_188 = arith.constant 0 : index
        %get3A_189 = tpu.vector_load %arg12[%get3A_187, %get3A_188] {strides = array<i32>} : memref<80x128xf32, #tpu.memory_space<vmem>>, vector<1x16xf32>,
        %get3A_190 = vector.shape_cast %get3A_189 : vector<1x16xf32> to vector<16xf32>
        %mul3A_191 = arith.mulf %get3A_184, %get3A_190 : vector<16xf32>
        %mul3A_192 = arith.mulf %mul3A_191, %get3A_94 : vector<16xf32>
        %add3A_193 = arith.constant 7 : i32
        %add3A_194 = arith.addi %mul3A_91, %add3A_193 : i32
        %get3A_195 = arith.index_cast %add3A_194 : i32 to index
        %get3A_196 = arith.constant 0 : index
        %get3A_197 = tpu.vector_load %arg11[%get3A_195, %get3A_196] {strides = array<i32>} : memref<80x128xf32, #tpu.memory_space<vmem>>, vector<1x16xf32>,
        %get3A_198 = vector.shape_cast %get3A_197 : vector<1x16xf32> to vector<16xf32>
        %add3A_199 = arith.constant 7 : i32
        %add3A_200 = arith.addi %mul3A_91, %add3A_199 : i32
        %get3A_201 = arith.index_cast %add3A_200 : i32 to index
        %get3A_202 = arith.constant 0 : index
        %get3A_203 = tpu.vector_load %arg12[%get3A_201, %get3A_202] {strides = array<i32>} : memref<80x128xf32, #tpu.memory_space<vmem>>, vector<1x16xf32>,
        %get3A_204 = vector.shape_cast %get3A_203 : vector<1x16xf32> to vector<16xf32>
        %mul3A_205 = arith.mulf %get3A_198, %get3A_204 : vector<16xf32>
        %mul3A_206 = arith.mulf %mul3A_205, %get3A_94 : vector<16xf32>
        %add3A_207 = arith.constant 8 : i32
        %add3A_208 = arith.addi %mul3A_91, %add3A_207 : i32
        %get3A_209 = arith.index_cast %add3A_208 : i32 to index
        %get3A_210 = arith.constant 0 : index
        %get3A_211 = tpu.vector_load %arg11[%get3A_209, %get3A_210] {strides = array<i32>} : memref<80x128xf32, #tpu.memory_space<vmem>>, vector<1x16xf32>,
        %get3A_212 = vector.shape_cast %get3A_211 : vector<1x16xf32> to vector<16xf32>
        %add3A_213 = arith.constant 8 : i32
        %add3A_214 = arith.addi %mul3A_91, %add3A_213 : i32
        %get3A_215 = arith.index_cast %add3A_214 : i32 to index
        %get3A_216 = arith.constant 0 : index
        %get3A_217 = tpu.vector_load %arg12[%get3A_215, %get3A_216] {strides = array<i32>} : memref<80x128xf32, #tpu.memory_space<vmem>>, vector<1x16xf32>,
        %get3A_218 = vector.shape_cast %get3A_217 : vector<1x16xf32> to vector<16xf32>
        %mul3A_219 = arith.mulf %get3A_212, %get3A_218 : vector<16xf32>
        %mul3A_220 = arith.mulf %mul3A_219, %get3A_94 : vector<16xf32>
        %add3A_221 = arith.constant 9 : i32
        %add3A_222 = arith.addi %mul3A_91, %add3A_221 : i32
        %get3A_223 = arith.index_cast %add3A_222 : i32 to index
        %get3A_224 = arith.constant 0 : index
        %get3A_225 = tpu.vector_load %arg11[%get3A_223, %get3A_224] {strides = array<i32>} : memref<80x128xf32, #tpu.memory_space<vmem>>, vector<1x16xf32>,
        %get3A_226 = vector.shape_cast %get3A_225 : vector<1x16xf32> to vector<16xf32>
        %add3A_227 = arith.constant 9 : i32
        %add3A_228 = arith.addi %mul3A_91, %add3A_227 : i32
        %get3A_229 = arith.index_cast %add3A_228 : i32 to index
        %get3A_230 = arith.constant 0 : index
        %get3A_231 = tpu.vector_load %arg12[%get3A_229, %get3A_230] {strides = array<i32>} : memref<80x128xf32, #tpu.memory_space<vmem>>, vector<1x16xf32>,
        %get3A_232 = vector.shape_cast %get3A_231 : vector<1x16xf32> to vector<16xf32>
        %mul3A_233 = arith.mulf %get3A_226, %get3A_232 : vector<16xf32>
        %mul3A_234 = arith.mulf %mul3A_233, %get3A_94 : vector<16xf32>
        %add3A_235 = arith.constant 10 : i32
        %add3A_236 = arith.addi %mul3A_91, %add3A_235 : i32
        %get3A_237 = arith.index_cast %add3A_236 : i32 to index
        %get3A_238 = arith.constant 0 : index
        %get3A_239 = tpu.vector_load %arg11[%get3A_237, %get3A_238] {strides = array<i32>} : memref<80x128xf32, #tpu.memory_space<vmem>>, vector<1x16xf32>,
        %get3A_240 = vector.shape_cast %get3A_239 : vector<1x16xf32> to vector<16xf32>
        %add3A_241 = arith.constant 10 : i32
        %add3A_242 = arith.addi %mul3A_91, %add3A_241 : i32
        %get3A_243 = arith.index_cast %add3A_242 : i32 to index
        %get3A_244 = arith.constant 0 : index
        %get3A_245 = tpu.vector_load %arg12[%get3A_243, %get3A_244] {strides = array<i32>} : memref<80x128xf32, #tpu.memory_space<vmem>>, vector<1x16xf32>,
        %get3A_246 = vector.shape_cast %get3A_245 : vector<1x16xf32> to vector<16xf32>
        %mul3A_247 = arith.mulf %get3A_240, %get3A_246 : vector<16xf32>
        %mul3A_248 = arith.mulf %mul3A_247, %get3A_94 : vector<16xf32>
        %add3A_249 = arith.constant 11 : i32
        %add3A_250 = arith.addi %mul3A_91, %add3A_249 : i32
        %get3A_251 = arith.index_cast %add3A_250 : i32 to index
        %get3A_252 = arith.constant 0 : index
        %get3A_253 = tpu.vector_load %arg11[%get3A_251, %get3A_252] {strides = array<i32>} : memref<80x128xf32, #tpu.memory_space<vmem>>, vector<1x16xf32>,
        %get3A_254 = vector.shape_cast %get3A_253 : vector<1x16xf32> to vector<16xf32>
        %add3A_255 = arith.constant 11 : i32
        %add3A_256 = arith.addi %mul3A_91, %add3A_255 : i32
        %get3A_257 = arith.index_cast %add3A_256 : i32 to index
        %get3A_258 = arith.constant 0 : index
        %get3A_259 = tpu.vector_load %arg12[%get3A_257, %get3A_258] {strides = array<i32>} : memref<80x128xf32, #tpu.memory_space<vmem>>, vector<1x16xf32>,
        %get3A_260 = vector.shape_cast %get3A_259 : vector<1x16xf32> to vector<16xf32>
        %mul3A_261 = arith.mulf %get3A_254, %get3A_260 : vector<16xf32>
        %mul3A_262 = arith.mulf %mul3A_261, %get3A_94 : vector<16xf32>
        %add3A_263 = arith.constant 12 : i32
        %add3A_264 = arith.addi %mul3A_91, %add3A_263 : i32
        %get3A_265 = arith.index_cast %add3A_264 : i32 to index
        %get3A_266 = arith.constant 0 : index
        %get3A_267 = tpu.vector_load %arg11[%get3A_265, %get3A_266] {strides = array<i32>} : memref<80x128xf32, #tpu.memory_space<vmem>>, vector<1x16xf32>,
        %get3A_268 = vector.shape_cast %get3A_267 : vector<1x16xf32> to vector<16xf32>
        %add3A_269 = arith.constant 12 : i32
        %add3A_270 = arith.addi %mul3A_91, %add3A_269 : i32
        %get3A_271 = arith.index_cast %add3A_270 : i32 to index
        %get3A_272 = arith.constant 0 : index
        %get3A_273 = tpu.vector_load %arg12[%get3A_271, %get3A_272] {strides = array<i32>} : memref<80x128xf32, #tpu.memory_space<vmem>>, vector<1x16xf32>,
        %get3A_274 = vector.shape_cast %get3A_273 : vector<1x16xf32> to vector<16xf32>
        %mul3A_275 = arith.mulf %get3A_268, %get3A_274 : vector<16xf32>
        %mul3A_276 = arith.mulf %mul3A_275, %get3A_94 : vector<16xf32>
        %add3A_277 = arith.constant 13 : i32
        %add3A_278 = arith.addi %mul3A_91, %add3A_277 : i32
        %get3A_279 = arith.index_cast %add3A_278 : i32 to index
        %get3A_280 = arith.constant 0 : index
        %get3A_281 = tpu.vector_load %arg11[%get3A_279, %get3A_280] {strides = array<i32>} : memref<80x128xf32, #tpu.memory_space<vmem>>, vector<1x16xf32>,
        %get3A_282 = vector.shape_cast %get3A_281 : vector<1x16xf32> to vector<16xf32>
        %add3A_283 = arith.constant 13 : i32
        %add3A_284 = arith.addi %mul3A_91, %add3A_283 : i32
        %get3A_285 = arith.index_cast %add3A_284 : i32 to index
        %get3A_286 = arith.constant 0 : index
        %get3A_287 = tpu.vector_load %arg12[%get3A_285, %get3A_286] {strides = array<i32>} : memref<80x128xf32, #tpu.memory_space<vmem>>, vector<1x16xf32>,
        %get3A_288 = vector.shape_cast %get3A_287 : vector<1x16xf32> to vector<16xf32>
        %mul3A_289 = arith.mulf %get3A_282, %get3A_288 : vector<16xf32>
        %mul3A_290 = arith.mulf %mul3A_289, %get3A_94 : vector<16xf32>
        %add3A_291 = arith.constant 14 : i32
        %add3A_292 = arith.addi %mul3A_91, %add3A_291 : i32
        %get3A_293 = arith.index_cast %add3A_292 : i32 to index
        %get3A_294 = arith.constant 0 : index
        %get3A_295 = tpu.vector_load %arg11[%get3A_293, %get3A_294] {strides = array<i32>} : memref<80x128xf32, #tpu.memory_space<vmem>>, vector<1x16xf32>,
        %get3A_296 = vector.shape_cast %get3A_295 : vector<1x16xf32> to vector<16xf32>
        %add3A_297 = arith.constant 14 : i32
        %add3A_298 = arith.addi %mul3A_91, %add3A_297 : i32
        %get3A_299 = arith.index_cast %add3A_298 : i32 to index
        %get3A_300 = arith.constant 0 : index
        %get3A_301 = tpu.vector_load %arg12[%get3A_299, %get3A_300] {strides = array<i32>} : memref<80x128xf32, #tpu.memory_space<vmem>>, vector<1x16xf32>,
        %get3A_302 = vector.shape_cast %get3A_301 : vector<1x16xf32> to vector<16xf32>
        %mul3A_303 = arith.mulf %get3A_296, %get3A_302 : vector<16xf32>
        %mul3A_304 = arith.mulf %mul3A_303, %get3A_94 : vector<16xf32>
        %add3A_305 = arith.constant 15 : i32
        %add3A_306 = arith.addi %mul3A_91, %add3A_305 : i32
        %get3A_307 = arith.index_cast %add3A_306 : i32 to index
        %get3A_308 = arith.constant 0 : index
        %get3A_309 = tpu.vector_load %arg11[%get3A_307, %get3A_308] {strides = array<i32>} : memref<80x128xf32, #tpu.memory_space<vmem>>, vector<1x16xf32>,
        %get3A_310 = vector.shape_cast %get3A_309 : vector<1x16xf32> to vector<16xf32>
        %add3A_311 = arith.constant 15 : i32
        %add3A_312 = arith.addi %mul3A_91, %add3A_311 : i32
        %get3A_313 = arith.index_cast %add3A_312 : i32 to index
        %get3A_314 = arith.constant 0 : index
        %get3A_315 = tpu.vector_load %arg12[%get3A_313, %get3A_314] {strides = array<i32>} : memref<80x128xf32, #tpu.memory_space<vmem>>, vector<1x16xf32>,
        %get3A_316 = vector.shape_cast %get3A_315 : vector<1x16xf32> to vector<16xf32>
        %mul3A_317 = arith.mulf %get3A_310, %get3A_316 : vector<16xf32>
        %mul3A_318 = arith.mulf %mul3A_317, %get3A_94 : vector<16xf32>
        %scan3A_319 = arith.constant 1 : i32
        %scan3A_320 = arith.constant 7 : i32
        %scan3A_321 = arith.addi %scan3A_319, %scan3A_320 : i32
        %scan3A_322 = arith.constant 1 : i32
        %scan3A_323:16 = scf.for %scan3A_450 = %scan3A_319 to %scan3A_321 step %scan3A_322 iter_args(%scan3A_451 = %mul3A_108, %scan3A_452 = %mul3A_122, %scan3A_453 = %mul3A_136, %scan3A_454 = %mul3A_150, %scan3A_455 = %mul3A_164, %scan3A_456 = %mul3A_178, %scan3A_457 = %mul3A_192, %scan3A_458 = %mul3A_206, %scan3A_459 = %mul3A_220, %scan3A_460 = %mul3A_234, %scan3A_461 = %mul3A_248, %scan3A_462 = %mul3A_262, %scan3A_463 = %mul3A_276, %scan3A_464 = %mul3A_290, %scan3A_465 = %mul3A_304, %scan3A_466 = %mul3A_318) -> (vector<16xf32>, vector<16xf32>, vector<16xf32>, vector<16xf32>, vector<16xf32>, vector<16xf32>, vector<16xf32>, vector<16xf32>, vector<16xf32>, vector<16xf32>, vector<16xf32>, vector<16xf32>, vector<16xf32>, vector<16xf32>, vector<16xf32>, vector<16xf32>)  : i32 {
          %mul3A_467 = arith.constant 16 : i32
          %mul3A_468 = arith.muli %scan3A_450, %mul3A_467 : i32
          %get3A_469 = arith.index_cast %mul3A_468 : i32 to index
          %get3A_470 = tpu.vector_load %arg7[%get3A_469] {strides = array<i32>} : memref<144xf32, #tpu.memory_space<vmem>>, vector<16xf32>,
          %get3A_471 = vector.shape_cast %get3A_470 : vector<16xf32> to vector<16xf32>
          %add3A_472 = arith.constant 0 : i32
          %add3A_473 = arith.addi %mul3A_91, %add3A_472 : i32
          %get3A_474 = arith.index_cast %add3A_473 : i32 to index
          %get3A_475 = arith.index_cast %mul3A_468 : i32 to index
          %get3A_476 = tpu.vector_load %arg11[%get3A_474, %get3A_475] {strides = array<i32>} : memref<80x128xf32, #tpu.memory_space<vmem>>, vector<1x16xf32>,
          %get3A_477 = vector.shape_cast %get3A_476 : vector<1x16xf32> to vector<16xf32>
          %add3A_478 = arith.constant 0 : i32
          %add3A_479 = arith.addi %mul3A_91, %add3A_478 : i32
          %get3A_480 = arith.index_cast %add3A_479 : i32 to index
          %get3A_481 = arith.index_cast %mul3A_468 : i32 to index
          %get3A_482 = tpu.vector_load %arg12[%get3A_480, %get3A_481] {strides = array<i32>} : memref<80x128xf32, #tpu.memory_space<vmem>>, vector<1x16xf32>,
          %get3A_483 = vector.shape_cast %get3A_482 : vector<1x16xf32> to vector<16xf32>
          %mul3A_484 = arith.mulf %get3A_477, %get3A_483 : vector<16xf32>
          %mul3A_485 = arith.mulf %mul3A_484, %get3A_471 : vector<16xf32>
          %add3A_486 = arith.addf %scan3A_451, %mul3A_485 : vector<16xf32>
          %add3A_487 = arith.constant 1 : i32
          %add3A_488 = arith.addi %mul3A_91, %add3A_487 : i32
          %get3A_489 = arith.index_cast %add3A_488 : i32 to index
          %get3A_490 = arith.index_cast %mul3A_468 : i32 to index
          %get3A_491 = tpu.vector_load %arg11[%get3A_489, %get3A_490] {strides = array<i32>} : memref<80x128xf32, #tpu.memory_space<vmem>>, vector<1x16xf32>,
          %get3A_492 = vector.shape_cast %get3A_491 : vector<1x16xf32> to vector<16xf32>
          %add3A_493 = arith.constant 1 : i32
          %add3A_494 = arith.addi %mul3A_91, %add3A_493 : i32
          %get3A_495 = arith.index_cast %add3A_494 : i32 to index
          %get3A_496 = arith.index_cast %mul3A_468 : i32 to index
          %get3A_497 = tpu.vector_load %arg12[%get3A_495, %get3A_496] {strides = array<i32>} : memref<80x128xf32, #tpu.memory_space<vmem>>, vector<1x16xf32>,
          %get3A_498 = vector.shape_cast %get3A_497 : vector<1x16xf32> to vector<16xf32>
          %mul3A_499 = arith.mulf %get3A_492, %get3A_498 : vector<16xf32>
          %mul3A_500 = arith.mulf %mul3A_499, %get3A_471 : vector<16xf32>
          %add3A_501 = arith.addf %scan3A_452, %mul3A_500 : vector<16xf32>
          %add3A_502 = arith.constant 2 : i32
          %add3A_503 = arith.addi %mul3A_91, %add3A_502 : i32
          %get3A_504 = arith.index_cast %add3A_503 : i32 to index
          %get3A_505 = arith.index_cast %mul3A_468 : i32 to index
          %get3A_506 = tpu.vector_load %arg11[%get3A_504, %get3A_505] {strides = array<i32>} : memref<80x128xf32, #tpu.memory_space<vmem>>, vector<1x16xf32>,
          %get3A_507 = vector.shape_cast %get3A_506 : vector<1x16xf32> to vector<16xf32>
          %add3A_508 = arith.constant 2 : i32
          %add3A_509 = arith.addi %mul3A_91, %add3A_508 : i32
          %get3A_510 = arith.index_cast %add3A_509 : i32 to index
          %get3A_511 = arith.index_cast %mul3A_468 : i32 to index
          %get3A_512 = tpu.vector_load %arg12[%get3A_510, %get3A_511] {strides = array<i32>} : memref<80x128xf32, #tpu.memory_space<vmem>>, vector<1x16xf32>,
          %get3A_513 = vector.shape_cast %get3A_512 : vector<1x16xf32> to vector<16xf32>
          %mul3A_514 = arith.mulf %get3A_507, %get3A_513 : vector<16xf32>
          %mul3A_515 = arith.mulf %mul3A_514, %get3A_471 : vector<16xf32>
          %add3A_516 = arith.addf %scan3A_453, %mul3A_515 : vector<16xf32>
          %add3A_517 = arith.constant 3 : i32
          %add3A_518 = arith.addi %mul3A_91, %add3A_517 : i32
          %get3A_519 = arith.index_cast %add3A_518 : i32 to index
          %get3A_520 = arith.index_cast %mul3A_468 : i32 to index
          %get3A_521 = tpu.vector_load %arg11[%get3A_519, %get3A_520] {strides = array<i32>} : memref<80x128xf32, #tpu.memory_space<vmem>>, vector<1x16xf32>,
          %get3A_522 = vector.shape_cast %get3A_521 : vector<1x16xf32> to vector<16xf32>
          %add3A_523 = arith.constant 3 : i32
          %add3A_524 = arith.addi %mul3A_91, %add3A_523 : i32
          %get3A_525 = arith.index_cast %add3A_524 : i32 to index
          %get3A_526 = arith.index_cast %mul3A_468 : i32 to index
          %get3A_527 = tpu.vector_load %arg12[%get3A_525, %get3A_526] {strides = array<i32>} : memref<80x128xf32, #tpu.memory_space<vmem>>, vector<1x16xf32>,
          %get3A_528 = vector.shape_cast %get3A_527 : vector<1x16xf32> to vector<16xf32>
          %mul3A_529 = arith.mulf %get3A_522, %get3A_528 : vector<16xf32>
          %mul3A_530 = arith.mulf %mul3A_529, %get3A_471 : vector<16xf32>
          %add3A_531 = arith.addf %scan3A_454, %mul3A_530 : vector<16xf32>
          %add3A_532 = arith.constant 4 : i32
          %add3A_533 = arith.addi %mul3A_91, %add3A_532 : i32
          %get3A_534 = arith.index_cast %add3A_533 : i32 to index
          %get3A_535 = arith.index_cast %mul3A_468 : i32 to index
          %get3A_536 = tpu.vector_load %arg11[%get3A_534, %get3A_535] {strides = array<i32>} : memref<80x128xf32, #tpu.memory_space<vmem>>, vector<1x16xf32>,
          %get3A_537 = vector.shape_cast %get3A_536 : vector<1x16xf32> to vector<16xf32>
          %add3A_538 = arith.constant 4 : i32
          %add3A_539 = arith.addi %mul3A_91, %add3A_538 : i32
          %get3A_540 = arith.index_cast %add3A_539 : i32 to index
          %get3A_541 = arith.index_cast %mul3A_468 : i32 to index
          %get3A_542 = tpu.vector_load %arg12[%get3A_540, %get3A_541] {strides = array<i32>} : memref<80x128xf32, #tpu.memory_space<vmem>>, vector<1x16xf32>,
          %get3A_543 = vector.shape_cast %get3A_542 : vector<1x16xf32> to vector<16xf32>
          %mul3A_544 = arith.mulf %get3A_537, %get3A_543 : vector<16xf32>
          %mul3A_545 = arith.mulf %mul3A_544, %get3A_471 : vector<16xf32>
          %add3A_546 = arith.addf %scan3A_455, %mul3A_545 : vector<16xf32>
          %add3A_547 = arith.constant 5 : i32
          %add3A_548 = arith.addi %mul3A_91, %add3A_547 : i32
          %get3A_549 = arith.index_cast %add3A_548 : i32 to index
          %get3A_550 = arith.index_cast %mul3A_468 : i32 to index
          %get3A_551 = tpu.vector_load %arg11[%get3A_549, %get3A_550] {strides = array<i32>} : memref<80x128xf32, #tpu.memory_space<vmem>>, vector<1x16xf32>,
          %get3A_552 = vector.shape_cast %get3A_551 : vector<1x16xf32> to vector<16xf32>
          %add3A_553 = arith.constant 5 : i32
          %add3A_554 = arith.addi %mul3A_91, %add3A_553 : i32
          %get3A_555 = arith.index_cast %add3A_554 : i32 to index
          %get3A_556 = arith.index_cast %mul3A_468 : i32 to index
          %get3A_557 = tpu.vector_load %arg12[%get3A_555, %get3A_556] {strides = array<i32>} : memref<80x128xf32, #tpu.memory_space<vmem>>, vector<1x16xf32>,
          %get3A_558 = vector.shape_cast %get3A_557 : vector<1x16xf32> to vector<16xf32>
          %mul3A_559 = arith.mulf %get3A_552, %get3A_558 : vector<16xf32>
          %mul3A_560 = arith.mulf %mul3A_559, %get3A_471 : vector<16xf32>
          %add3A_561 = arith.addf %scan3A_456, %mul3A_560 : vector<16xf32>
          %add3A_562 = arith.constant 6 : i32
          %add3A_563 = arith.addi %mul3A_91, %add3A_562 : i32
          %get3A_564 = arith.index_cast %add3A_563 : i32 to index
          %get3A_565 = arith.index_cast %mul3A_468 : i32 to index
          %get3A_566 = tpu.vector_load %arg11[%get3A_564, %get3A_565] {strides = array<i32>} : memref<80x128xf32, #tpu.memory_space<vmem>>, vector<1x16xf32>,
          %get3A_567 = vector.shape_cast %get3A_566 : vector<1x16xf32> to vector<16xf32>
          %add3A_568 = arith.constant 6 : i32
          %add3A_569 = arith.addi %mul3A_91, %add3A_568 : i32
          %get3A_570 = arith.index_cast %add3A_569 : i32 to index
          %get3A_571 = arith.index_cast %mul3A_468 : i32 to index
          %get3A_572 = tpu.vector_load %arg12[%get3A_570, %get3A_571] {strides = array<i32>} : memref<80x128xf32, #tpu.memory_space<vmem>>, vector<1x16xf32>,
          %get3A_573 = vector.shape_cast %get3A_572 : vector<1x16xf32> to vector<16xf32>
          %mul3A_574 = arith.mulf %get3A_567, %get3A_573 : vector<16xf32>
          %mul3A_575 = arith.mulf %mul3A_574, %get3A_471 : vector<16xf32>
          %add3A_576 = arith.addf %scan3A_457, %mul3A_575 : vector<16xf32>
          %add3A_577 = arith.constant 7 : i32
          %add3A_578 = arith.addi %mul3A_91, %add3A_577 : i32
          %get3A_579 = arith.index_cast %add3A_578 : i32 to index
          %get3A_580 = arith.index_cast %mul3A_468 : i32 to index
          %get3A_581 = tpu.vector_load %arg11[%get3A_579, %get3A_580] {strides = array<i32>} : memref<80x128xf32, #tpu.memory_space<vmem>>, vector<1x16xf32>,
          %get3A_582 = vector.shape_cast %get3A_581 : vector<1x16xf32> to vector<16xf32>
          %add3A_583 = arith.constant 7 : i32
          %add3A_584 = arith.addi %mul3A_91, %add3A_583 : i32
          %get3A_585 = arith.index_cast %add3A_584 : i32 to index
          %get3A_586 = arith.index_cast %mul3A_468 : i32 to index
          %get3A_587 = tpu.vector_load %arg12[%get3A_585, %get3A_586] {strides = array<i32>} : memref<80x128xf32, #tpu.memory_space<vmem>>, vector<1x16xf32>,
          %get3A_588 = vector.shape_cast %get3A_587 : vector<1x16xf32> to vector<16xf32>
          %mul3A_589 = arith.mulf %get3A_582, %get3A_588 : vector<16xf32>
          %mul3A_590 = arith.mulf %mul3A_589, %get3A_471 : vector<16xf32>
          %add3A_591 = arith.addf %scan3A_458, %mul3A_590 : vector<16xf32>
          %add3A_592 = arith.constant 8 : i32
          %add3A_593 = arith.addi %mul3A_91, %add3A_592 : i32
          %get3A_594 = arith.index_cast %add3A_593 : i32 to index
          %get3A_595 = arith.index_cast %mul3A_468 : i32 to index
          %get3A_596 = tpu.vector_load %arg11[%get3A_594, %get3A_595] {strides = array<i32>} : memref<80x128xf32, #tpu.memory_space<vmem>>, vector<1x16xf32>,
          %get3A_597 = vector.shape_cast %get3A_596 : vector<1x16xf32> to vector<16xf32>
          %add3A_598 = arith.constant 8 : i32
          %add3A_599 = arith.addi %mul3A_91, %add3A_598 : i32
          %get3A_600 = arith.index_cast %add3A_599 : i32 to index
          %get3A_601 = arith.index_cast %mul3A_468 : i32 to index
          %get3A_602 = tpu.vector_load %arg12[%get3A_600, %get3A_601] {strides = array<i32>} : memref<80x128xf32, #tpu.memory_space<vmem>>, vector<1x16xf32>,
          %get3A_603 = vector.shape_cast %get3A_602 : vector<1x16xf32> to vector<16xf32>
          %mul3A_604 = arith.mulf %get3A_597, %get3A_603 : vector<16xf32>
          %mul3A_605 = arith.mulf %mul3A_604, %get3A_471 : vector<16xf32>
          %add3A_606 = arith.addf %scan3A_459, %mul3A_605 : vector<16xf32>
          %add3A_607 = arith.constant 9 : i32
          %add3A_608 = arith.addi %mul3A_91, %add3A_607 : i32
          %get3A_609 = arith.index_cast %add3A_608 : i32 to index
          %get3A_610 = arith.index_cast %mul3A_468 : i32 to index
          %get3A_611 = tpu.vector_load %arg11[%get3A_609, %get3A_610] {strides = array<i32>} : memref<80x128xf32, #tpu.memory_space<vmem>>, vector<1x16xf32>,
          %get3A_612 = vector.shape_cast %get3A_611 : vector<1x16xf32> to vector<16xf32>
          %add3A_613 = arith.constant 9 : i32
          %add3A_614 = arith.addi %mul3A_91, %add3A_613 : i32
          %get3A_615 = arith.index_cast %add3A_614 : i32 to index
          %get3A_616 = arith.index_cast %mul3A_468 : i32 to index
          %get3A_617 = tpu.vector_load %arg12[%get3A_615, %get3A_616] {strides = array<i32>} : memref<80x128xf32, #tpu.memory_space<vmem>>, vector<1x16xf32>,
          %get3A_618 = vector.shape_cast %get3A_617 : vector<1x16xf32> to vector<16xf32>
          %mul3A_619 = arith.mulf %get3A_612, %get3A_618 : vector<16xf32>
          %mul3A_620 = arith.mulf %mul3A_619, %get3A_471 : vector<16xf32>
          %add3A_621 = arith.addf %scan3A_460, %mul3A_620 : vector<16xf32>
          %add3A_622 = arith.constant 10 : i32
          %add3A_623 = arith.addi %mul3A_91, %add3A_622 : i32
          %get3A_624 = arith.index_cast %add3A_623 : i32 to index
          %get3A_625 = arith.index_cast %mul3A_468 : i32 to index
          %get3A_626 = tpu.vector_load %arg11[%get3A_624, %get3A_625] {strides = array<i32>} : memref<80x128xf32, #tpu.memory_space<vmem>>, vector<1x16xf32>,
          %get3A_627 = vector.shape_cast %get3A_626 : vector<1x16xf32> to vector<16xf32>
          %add3A_628 = arith.constant 10 : i32
          %add3A_629 = arith.addi %mul3A_91, %add3A_628 : i32
          %get3A_630 = arith.index_cast %add3A_629 : i32 to index
          %get3A_631 = arith.index_cast %mul3A_468 : i32 to index
          %get3A_632 = tpu.vector_load %arg12[%get3A_630, %get3A_631] {strides = array<i32>} : memref<80x128xf32, #tpu.memory_space<vmem>>, vector<1x16xf32>,
          %get3A_633 = vector.shape_cast %get3A_632 : vector<1x16xf32> to vector<16xf32>
          %mul3A_634 = arith.mulf %get3A_627, %get3A_633 : vector<16xf32>
          %mul3A_635 = arith.mulf %mul3A_634, %get3A_471 : vector<16xf32>
          %add3A_636 = arith.addf %scan3A_461, %mul3A_635 : vector<16xf32>
          %add3A_637 = arith.constant 11 : i32
          %add3A_638 = arith.addi %mul3A_91, %add3A_637 : i32
          %get3A_639 = arith.index_cast %add3A_638 : i32 to index
          %get3A_640 = arith.index_cast %mul3A_468 : i32 to index
          %get3A_641 = tpu.vector_load %arg11[%get3A_639, %get3A_640] {strides = array<i32>} : memref<80x128xf32, #tpu.memory_space<vmem>>, vector<1x16xf32>,
          %get3A_642 = vector.shape_cast %get3A_641 : vector<1x16xf32> to vector<16xf32>
          %add3A_643 = arith.constant 11 : i32
          %add3A_644 = arith.addi %mul3A_91, %add3A_643 : i32
          %get3A_645 = arith.index_cast %add3A_644 : i32 to index
          %get3A_646 = arith.index_cast %mul3A_468 : i32 to index
          %get3A_647 = tpu.vector_load %arg12[%get3A_645, %get3A_646] {strides = array<i32>} : memref<80x128xf32, #tpu.memory_space<vmem>>, vector<1x16xf32>,
          %get3A_648 = vector.shape_cast %get3A_647 : vector<1x16xf32> to vector<16xf32>
          %mul3A_649 = arith.mulf %get3A_642, %get3A_648 : vector<16xf32>
          %mul3A_650 = arith.mulf %mul3A_649, %get3A_471 : vector<16xf32>
          %add3A_651 = arith.addf %scan3A_462, %mul3A_650 : vector<16xf32>
          %add3A_652 = arith.constant 12 : i32
          %add3A_653 = arith.addi %mul3A_91, %add3A_652 : i32
          %get3A_654 = arith.index_cast %add3A_653 : i32 to index
          %get3A_655 = arith.index_cast %mul3A_468 : i32 to index
          %get3A_656 = tpu.vector_load %arg11[%get3A_654, %get3A_655] {strides = array<i32>} : memref<80x128xf32, #tpu.memory_space<vmem>>, vector<1x16xf32>,
          %get3A_657 = vector.shape_cast %get3A_656 : vector<1x16xf32> to vector<16xf32>
          %add3A_658 = arith.constant 12 : i32
          %add3A_659 = arith.addi %mul3A_91, %add3A_658 : i32
          %get3A_660 = arith.index_cast %add3A_659 : i32 to index
          %get3A_661 = arith.index_cast %mul3A_468 : i32 to index
          %get3A_662 = tpu.vector_load %arg12[%get3A_660, %get3A_661] {strides = array<i32>} : memref<80x128xf32, #tpu.memory_space<vmem>>, vector<1x16xf32>,
          %get3A_663 = vector.shape_cast %get3A_662 : vector<1x16xf32> to vector<16xf32>
          %mul3A_664 = arith.mulf %get3A_657, %get3A_663 : vector<16xf32>
          %mul3A_665 = arith.mulf %mul3A_664, %get3A_471 : vector<16xf32>
          %add3A_666 = arith.addf %scan3A_463, %mul3A_665 : vector<16xf32>
          %add3A_667 = arith.constant 13 : i32
          %add3A_668 = arith.addi %mul3A_91, %add3A_667 : i32
          %get3A_669 = arith.index_cast %add3A_668 : i32 to index
          %get3A_670 = arith.index_cast %mul3A_468 : i32 to index
          %get3A_671 = tpu.vector_load %arg11[%get3A_669, %get3A_670] {strides = array<i32>} : memref<80x128xf32, #tpu.memory_space<vmem>>, vector<1x16xf32>,
          %get3A_672 = vector.shape_cast %get3A_671 : vector<1x16xf32> to vector<16xf32>
          %add3A_673 = arith.constant 13 : i32
          %add3A_674 = arith.addi %mul3A_91, %add3A_673 : i32
          %get3A_675 = arith.index_cast %add3A_674 : i32 to index
          %get3A_676 = arith.index_cast %mul3A_468 : i32 to index
          %get3A_677 = tpu.vector_load %arg12[%get3A_675, %get3A_676] {strides = array<i32>} : memref<80x128xf32, #tpu.memory_space<vmem>>, vector<1x16xf32>,
          %get3A_678 = vector.shape_cast %get3A_677 : vector<1x16xf32> to vector<16xf32>
          %mul3A_679 = arith.mulf %get3A_672, %get3A_678 : vector<16xf32>
          %mul3A_680 = arith.mulf %mul3A_679, %get3A_471 : vector<16xf32>
          %add3A_681 = arith.addf %scan3A_464, %mul3A_680 : vector<16xf32>
          %add3A_682 = arith.constant 14 : i32
          %add3A_683 = arith.addi %mul3A_91, %add3A_682 : i32
          %get3A_684 = arith.index_cast %add3A_683 : i32 to index
          %get3A_685 = arith.index_cast %mul3A_468 : i32 to index
          %get3A_686 = tpu.vector_load %arg11[%get3A_684, %get3A_685] {strides = array<i32>} : memref<80x128xf32, #tpu.memory_space<vmem>>, vector<1x16xf32>,
          %get3A_687 = vector.shape_cast %get3A_686 : vector<1x16xf32> to vector<16xf32>
          %add3A_688 = arith.constant 14 : i32
          %add3A_689 = arith.addi %mul3A_91, %add3A_688 : i32
          %get3A_690 = arith.index_cast %add3A_689 : i32 to index
          %get3A_691 = arith.index_cast %mul3A_468 : i32 to index
          %get3A_692 = tpu.vector_load %arg12[%get3A_690, %get3A_691] {strides = array<i32>} : memref<80x128xf32, #tpu.memory_space<vmem>>, vector<1x16xf32>,
          %get3A_693 = vector.shape_cast %get3A_692 : vector<1x16xf32> to vector<16xf32>
          %mul3A_694 = arith.mulf %get3A_687, %get3A_693 : vector<16xf32>
          %mul3A_695 = arith.mulf %mul3A_694, %get3A_471 : vector<16xf32>
          %add3A_696 = arith.addf %scan3A_465, %mul3A_695 : vector<16xf32>
          %add3A_697 = arith.constant 15 : i32
          %add3A_698 = arith.addi %mul3A_91, %add3A_697 : i32
          %get3A_699 = arith.index_cast %add3A_698 : i32 to index
          %get3A_700 = arith.index_cast %mul3A_468 : i32 to index
          %get3A_701 = tpu.vector_load %arg11[%get3A_699, %get3A_700] {strides = array<i32>} : memref<80x128xf32, #tpu.memory_space<vmem>>, vector<1x16xf32>,
          %get3A_702 = vector.shape_cast %get3A_701 : vector<1x16xf32> to vector<16xf32>
          %add3A_703 = arith.constant 15 : i32
          %add3A_704 = arith.addi %mul3A_91, %add3A_703 : i32
          %get3A_705 = arith.index_cast %add3A_704 : i32 to index
          %get3A_706 = arith.index_cast %mul3A_468 : i32 to index
          %get3A_707 = tpu.vector_load %arg12[%get3A_705, %get3A_706] {strides = array<i32>} : memref<80x128xf32, #tpu.memory_space<vmem>>, vector<1x16xf32>,
          %get3A_708 = vector.shape_cast %get3A_707 : vector<1x16xf32> to vector<16xf32>
          %mul3A_709 = arith.mulf %get3A_702, %get3A_708 : vector<16xf32>
          %mul3A_710 = arith.mulf %mul3A_709, %get3A_471 : vector<16xf32>
          %add3A_711 = arith.addf %scan3A_466, %mul3A_710 : vector<16xf32>
          scf.yield %add3A_486, %add3A_501, %add3A_516, %add3A_531, %add3A_546, %add3A_561, %add3A_576, %add3A_591, %add3A_606, %add3A_621, %add3A_636, %add3A_651, %add3A_666, %add3A_681, %add3A_696, %add3A_711 : vector<16xf32>, vector<16xf32>, vector<16xf32>, vector<16xf32>, vector<16xf32>, vector<16xf32>, vector<16xf32>, vector<16xf32>, vector<16xf32>, vector<16xf32>, vector<16xf32>, vector<16xf32>, vector<16xf32>, vector<16xf32>, vector<16xf32>, vector<16xf32>
        }
        %scan3A_324 = arith.constant 7 : i32
        %and3A = arith.constant 1 : i32
        %and3A_325 = vector.broadcast %and3A : i32 to vector<16xi32>
        %and3A_326 = arith.andi %iota3A, %and3A_325 : vector<16xi32>
        %ne3A = arith.constant 0 : i32
        %ne3A_327 = vector.broadcast %ne3A : i32 to vector<16xi32>
        %ne3A_328 = arith.cmpi ne, %and3A_326, %ne3A_327 : vector<16xi32>
        %xor3A = arith.constant 1 : i32
        %xor3A_329 = vector.broadcast %xor3A : i32 to vector<16xi32>
        %xor3A_330 = arith.xori %iota3A, %xor3A_329 : vector<16xi32>
        %select_n3A = arith.select %ne3A_328, %scan3A_323#1, %scan3A_323#0 : vector<16xi1>, vector<16xf32>
        %select_n3A_331 = arith.select %ne3A_328, %scan3A_323#0, %scan3A_323#1 : vector<16xi1>, vector<16xf32>
        %broadcast_in_dim3A = vector.shape_cast %xor3A_330 : vector<16xi32> to vector<16x1xi32>
        %gather3A = vector.shape_cast %broadcast_in_dim3A : vector<16x1xi32> to vector<16xi32>
        %gather3A_332 = tpu.dynamic_gather %select_n3A_331[%gather3A] in [0] : vector<16xf32>, vector<16xi32> -> vector<16xf32>
        %add3A_333 = arith.addf %select_n3A, %gather3A_332 : vector<16xf32>
        %select_n3A_334 = arith.select %ne3A_328, %scan3A_323#3, %scan3A_323#2 : vector<16xi1>, vector<16xf32>
        %select_n3A_335 = arith.select %ne3A_328, %scan3A_323#2, %scan3A_323#3 : vector<16xi1>, vector<16xf32>
        %broadcast_in_dim3A_336 = vector.shape_cast %xor3A_330 : vector<16xi32> to vector<16x1xi32>
        %gather3A_337 = vector.shape_cast %broadcast_in_dim3A_336 : vector<16x1xi32> to vector<16xi32>
        %gather3A_338 = tpu.dynamic_gather %select_n3A_335[%gather3A_337] in [0] : vector<16xf32>, vector<16xi32> -> vector<16xf32>
        %add3A_339 = arith.addf %select_n3A_334, %gather3A_338 : vector<16xf32>
        %select_n3A_340 = arith.select %ne3A_328, %scan3A_323#5, %scan3A_323#4 : vector<16xi1>, vector<16xf32>
        %select_n3A_341 = arith.select %ne3A_328, %scan3A_323#4, %scan3A_323#5 : vector<16xi1>, vector<16xf32>
        %broadcast_in_dim3A_342 = vector.shape_cast %xor3A_330 : vector<16xi32> to vector<16x1xi32>
        %gather3A_343 = vector.shape_cast %broadcast_in_dim3A_342 : vector<16x1xi32> to vector<16xi32>
        %gather3A_344 = tpu.dynamic_gather %select_n3A_341[%gather3A_343] in [0] : vector<16xf32>, vector<16xi32> -> vector<16xf32>
        %add3A_345 = arith.addf %select_n3A_340, %gather3A_344 : vector<16xf32>
        %select_n3A_346 = arith.select %ne3A_328, %scan3A_323#7, %scan3A_323#6 : vector<16xi1>, vector<16xf32>
        %select_n3A_347 = arith.select %ne3A_328, %scan3A_323#6, %scan3A_323#7 : vector<16xi1>, vector<16xf32>
        %broadcast_in_dim3A_348 = vector.shape_cast %xor3A_330 : vector<16xi32> to vector<16x1xi32>
        %gather3A_349 = vector.shape_cast %broadcast_in_dim3A_348 : vector<16x1xi32> to vector<16xi32>
        %gather3A_350 = tpu.dynamic_gather %select_n3A_347[%gather3A_349] in [0] : vector<16xf32>, vector<16xi32> -> vector<16xf32>
        %add3A_351 = arith.addf %select_n3A_346, %gather3A_350 : vector<16xf32>
        %select_n3A_352 = arith.select %ne3A_328, %scan3A_323#9, %scan3A_323#8 : vector<16xi1>, vector<16xf32>
        %select_n3A_353 = arith.select %ne3A_328, %scan3A_323#8, %scan3A_323#9 : vector<16xi1>, vector<16xf32>
        %broadcast_in_dim3A_354 = vector.shape_cast %xor3A_330 : vector<16xi32> to vector<16x1xi32>
        %gather3A_355 = vector.shape_cast %broadcast_in_dim3A_354 : vector<16x1xi32> to vector<16xi32>
        %gather3A_356 = tpu.dynamic_gather %select_n3A_353[%gather3A_355] in [0] : vector<16xf32>, vector<16xi32> -> vector<16xf32>
        %add3A_357 = arith.addf %select_n3A_352, %gather3A_356 : vector<16xf32>
        %select_n3A_358 = arith.select %ne3A_328, %scan3A_323#11, %scan3A_323#10 : vector<16xi1>, vector<16xf32>
        %select_n3A_359 = arith.select %ne3A_328, %scan3A_323#10, %scan3A_323#11 : vector<16xi1>, vector<16xf32>
        %broadcast_in_dim3A_360 = vector.shape_cast %xor3A_330 : vector<16xi32> to vector<16x1xi32>
        %gather3A_361 = vector.shape_cast %broadcast_in_dim3A_360 : vector<16x1xi32> to vector<16xi32>
        %gather3A_362 = tpu.dynamic_gather %select_n3A_359[%gather3A_361] in [0] : vector<16xf32>, vector<16xi32> -> vector<16xf32>
        %add3A_363 = arith.addf %select_n3A_358, %gather3A_362 : vector<16xf32>
        %select_n3A_364 = arith.select %ne3A_328, %scan3A_323#13, %scan3A_323#12 : vector<16xi1>, vector<16xf32>
        %select_n3A_365 = arith.select %ne3A_328, %scan3A_323#12, %scan3A_323#13 : vector<16xi1>, vector<16xf32>
        %broadcast_in_dim3A_366 = vector.shape_cast %xor3A_330 : vector<16xi32> to vector<16x1xi32>
        %gather3A_367 = vector.shape_cast %broadcast_in_dim3A_366 : vector<16x1xi32> to vector<16xi32>
        %gather3A_368 = tpu.dynamic_gather %select_n3A_365[%gather3A_367] in [0] : vector<16xf32>, vector<16xi32> -> vector<16xf32>
        %add3A_369 = arith.addf %select_n3A_364, %gather3A_368 : vector<16xf32>
        %select_n3A_370 = arith.select %ne3A_328, %scan3A_323#15, %scan3A_323#14 : vector<16xi1>, vector<16xf32>
        %select_n3A_371 = arith.select %ne3A_328, %scan3A_323#14, %scan3A_323#15 : vector<16xi1>, vector<16xf32>
        %broadcast_in_dim3A_372 = vector.shape_cast %xor3A_330 : vector<16xi32> to vector<16x1xi32>
        %gather3A_373 = vector.shape_cast %broadcast_in_dim3A_372 : vector<16x1xi32> to vector<16xi32>
        %gather3A_374 = tpu.dynamic_gather %select_n3A_371[%gather3A_373] in [0] : vector<16xf32>, vector<16xi32> -> vector<16xf32>
        %add3A_375 = arith.addf %select_n3A_370, %gather3A_374 : vector<16xf32>
        %and3A_376 = arith.constant 2 : i32
        %and3A_377 = vector.broadcast %and3A_376 : i32 to vector<16xi32>
        %and3A_378 = arith.andi %iota3A, %and3A_377 : vector<16xi32>
        %ne3A_379 = arith.constant 0 : i32
        %ne3A_380 = vector.broadcast %ne3A_379 : i32 to vector<16xi32>
        %ne3A_381 = arith.cmpi ne, %and3A_378, %ne3A_380 : vector<16xi32>
        %xor3A_382 = arith.constant 2 : i32
        %xor3A_383 = vector.broadcast %xor3A_382 : i32 to vector<16xi32>
        %xor3A_384 = arith.xori %iota3A, %xor3A_383 : vector<16xi32>
        %select_n3A_385 = arith.select %ne3A_381, %add3A_339, %add3A_333 : vector<16xi1>, vector<16xf32>
        %select_n3A_386 = arith.select %ne3A_381, %add3A_333, %add3A_339 : vector<16xi1>, vector<16xf32>
        %broadcast_in_dim3A_387 = vector.shape_cast %xor3A_384 : vector<16xi32> to vector<16x1xi32>
        %gather3A_388 = vector.shape_cast %broadcast_in_dim3A_387 : vector<16x1xi32> to vector<16xi32>
        %gather3A_389 = tpu.dynamic_gather %select_n3A_386[%gather3A_388] in [0] : vector<16xf32>, vector<16xi32> -> vector<16xf32>
        %add3A_390 = arith.addf %select_n3A_385, %gather3A_389 : vector<16xf32>
        %select_n3A_391 = arith.select %ne3A_381, %add3A_351, %add3A_345 : vector<16xi1>, vector<16xf32>
        %select_n3A_392 = arith.select %ne3A_381, %add3A_345, %add3A_351 : vector<16xi1>, vector<16xf32>
        %broadcast_in_dim3A_393 = vector.shape_cast %xor3A_384 : vector<16xi32> to vector<16x1xi32>
        %gather3A_394 = vector.shape_cast %broadcast_in_dim3A_393 : vector<16x1xi32> to vector<16xi32>
        %gather3A_395 = tpu.dynamic_gather %select_n3A_392[%gather3A_394] in [0] : vector<16xf32>, vector<16xi32> -> vector<16xf32>
        %add3A_396 = arith.addf %select_n3A_391, %gather3A_395 : vector<16xf32>
        %select_n3A_397 = arith.select %ne3A_381, %add3A_363, %add3A_357 : vector<16xi1>, vector<16xf32>
        %select_n3A_398 = arith.select %ne3A_381, %add3A_357, %add3A_363 : vector<16xi1>, vector<16xf32>
        %broadcast_in_dim3A_399 = vector.shape_cast %xor3A_384 : vector<16xi32> to vector<16x1xi32>
        %gather3A_400 = vector.shape_cast %broadcast_in_dim3A_399 : vector<16x1xi32> to vector<16xi32>
        %gather3A_401 = tpu.dynamic_gather %select_n3A_398[%gather3A_400] in [0] : vector<16xf32>, vector<16xi32> -> vector<16xf32>
        %add3A_402 = arith.addf %select_n3A_397, %gather3A_401 : vector<16xf32>
        %select_n3A_403 = arith.select %ne3A_381, %add3A_375, %add3A_369 : vector<16xi1>, vector<16xf32>
        %select_n3A_404 = arith.select %ne3A_381, %add3A_369, %add3A_375 : vector<16xi1>, vector<16xf32>
        %broadcast_in_dim3A_405 = vector.shape_cast %xor3A_384 : vector<16xi32> to vector<16x1xi32>
        %gather3A_406 = vector.shape_cast %broadcast_in_dim3A_405 : vector<16x1xi32> to vector<16xi32>
        %gather3A_407 = tpu.dynamic_gather %select_n3A_404[%gather3A_406] in [0] : vector<16xf32>, vector<16xi32> -> vector<16xf32>
        %add3A_408 = arith.addf %select_n3A_403, %gather3A_407 : vector<16xf32>
        %and3A_409 = arith.constant 4 : i32
        %and3A_410 = vector.broadcast %and3A_409 : i32 to vector<16xi32>
        %and3A_411 = arith.andi %iota3A, %and3A_410 : vector<16xi32>
        %ne3A_412 = arith.constant 0 : i32
        %ne3A_413 = vector.broadcast %ne3A_412 : i32 to vector<16xi32>
        %ne3A_414 = arith.cmpi ne, %and3A_411, %ne3A_413 : vector<16xi32>
        %xor3A_415 = arith.constant 4 : i32
        %xor3A_416 = vector.broadcast %xor3A_415 : i32 to vector<16xi32>
        %xor3A_417 = arith.xori %iota3A, %xor3A_416 : vector<16xi32>
        %select_n3A_418 = arith.select %ne3A_414, %add3A_396, %add3A_390 : vector<16xi1>, vector<16xf32>
        %select_n3A_419 = arith.select %ne3A_414, %add3A_390, %add3A_396 : vector<16xi1>, vector<16xf32>
        %broadcast_in_dim3A_420 = vector.shape_cast %xor3A_417 : vector<16xi32> to vector<16x1xi32>
        %gather3A_421 = vector.shape_cast %broadcast_in_dim3A_420 : vector<16x1xi32> to vector<16xi32>
        %gather3A_422 = tpu.dynamic_gather %select_n3A_419[%gather3A_421] in [0] : vector<16xf32>, vector<16xi32> -> vector<16xf32>
        %add3A_423 = arith.addf %select_n3A_418, %gather3A_422 : vector<16xf32>
        %select_n3A_424 = arith.select %ne3A_414, %add3A_408, %add3A_402 : vector<16xi1>, vector<16xf32>
        %select_n3A_425 = arith.select %ne3A_414, %add3A_402, %add3A_408 : vector<16xi1>, vector<16xf32>
        %broadcast_in_dim3A_426 = vector.shape_cast %xor3A_417 : vector<16xi32> to vector<16x1xi32>
        %gather3A_427 = vector.shape_cast %broadcast_in_dim3A_426 : vector<16x1xi32> to vector<16xi32>
        %gather3A_428 = tpu.dynamic_gather %select_n3A_425[%gather3A_427] in [0] : vector<16xf32>, vector<16xi32> -> vector<16xf32>
        %add3A_429 = arith.addf %select_n3A_424, %gather3A_428 : vector<16xf32>
        %and3A_430 = arith.constant 8 : i32
        %and3A_431 = vector.broadcast %and3A_430 : i32 to vector<16xi32>
        %and3A_432 = arith.andi %iota3A, %and3A_431 : vector<16xi32>
        %ne3A_433 = arith.constant 0 : i32
        %ne3A_434 = vector.broadcast %ne3A_433 : i32 to vector<16xi32>
        %ne3A_435 = arith.cmpi ne, %and3A_432, %ne3A_434 : vector<16xi32>
        %xor3A_436 = arith.constant 8 : i32
        %xor3A_437 = vector.broadcast %xor3A_436 : i32 to vector<16xi32>
        %xor3A_438 = arith.xori %iota3A, %xor3A_437 : vector<16xi32>
        %select_n3A_439 = arith.select %ne3A_435, %add3A_429, %add3A_423 : vector<16xi1>, vector<16xf32>
        %select_n3A_440 = arith.select %ne3A_435, %add3A_423, %add3A_429 : vector<16xi1>, vector<16xf32>
        %broadcast_in_dim3A_441 = vector.shape_cast %xor3A_438 : vector<16xi32> to vector<16x1xi32>
        %gather3A_442 = vector.shape_cast %broadcast_in_dim3A_441 : vector<16x1xi32> to vector<16xi32>
        %gather3A_443 = tpu.dynamic_gather %select_n3A_440[%gather3A_442] in [0] : vector<16xf32>, vector<16xi32> -> vector<16xf32>
        %add3A_444 = arith.addf %select_n3A_439, %gather3A_443 : vector<16xf32>
        %add3A_445 = arith.addf %add3A_444, %get3A_4 : vector<16xf32>
        %add3A_446 = arith.addi %mul3A_60, %mul3A_91 : i32
        %swap3A = arith.index_cast %add3A_446 : i32 to index
        %swap3A_447 = tpu.vector_load %arg10[%swap3A] {strides = array<i32>} : memref<10000xf32, #tpu.memory_space<vmem>>, vector<16xf32>,
        %swap3A_448 = vector.shape_cast %swap3A_447 : vector<16xf32> to vector<16xf32>
        %swap3A_449 = vector.shape_cast %add3A_445 : vector<16xf32> to vector<16xf32>
        tpu.vector_store %arg10[%swap3A], %swap3A_449 {strides = array<i32>} : memref<10000xf32, #tpu.memory_space<vmem>>, vector<16xf32>,
      }
      %scan3A_66 = arith.constant 5 : i32
      %add3A_67 = arith.constant 1 : i32
      %add3A_68 = arith.addi %add3A_38, %add3A_67 : i32
      %lt3A = arith.constant 125 : i32
      %lt3A_69 = arith.cmpi slt, %add3A_68, %lt3A : i32
      %convert_element_type3A = arith.extui %lt3A_69 : i1 to i32
      %cond3A = arith.constant 0 : i32
      %cond3A_70 = arith.cmpi ne, %convert_element_type3A, %cond3A : i32
      scf.if %cond3A_70 {
        %add3A_89 = arith.constant 1 : i32
        %add3A_90 = arith.addi %add3A_38, %add3A_89 : i32
        %mul3A_91 = arith.constant 80 : i32
        %mul3A_92 = arith.muli %add3A_90, %mul3A_91 : i32
        %dma_start3A_93 = tpu.memref_slice %arg8[%mul3A_92] : memref<10000xi32, #tpu.memory_space<vmem>> -> memref<80xi32, #tpu.memory_space<vmem>>
        %dma_start3A_94 = arith.constant 0 : i32
        %dma_start3A_95 = arith.constant 0 : i32
        %dma_start3A_96 = tpu.memref_slice %arg2[%dma_start3A_94, %dma_start3A_95] : memref<10000x128xf32, #tpu.memory_space<hbm>> -> memref<10000x128xf32, #tpu.memory_space<hbm>>
        tpu.enqueue_indirect_dma source(%dma_start3A_96 : memref<10000x128xf32, #tpu.memory_space<hbm>>) target(%arg11 : memref<80x128xf32, #tpu.memory_space<vmem>>) offsets(%dma_start3A_93 : memref<80xi32, #tpu.memory_space<vmem>>) semaphore(%arg15 : memref<!tpu.dma_semaphore, #tpu.memory_space<semaphore_mem>>)
        %dma_start3A_97 = tpu.memref_slice %arg9[%mul3A_92] : memref<10000xi32, #tpu.memory_space<vmem>> -> memref<80xi32, #tpu.memory_space<vmem>>
        %dma_start3A_98 = arith.constant 0 : i32
        %dma_start3A_99 = arith.constant 0 : i32
        %dma_start3A_100 = tpu.memref_slice %arg2[%dma_start3A_98, %dma_start3A_99] : memref<10000x128xf32, #tpu.memory_space<hbm>> -> memref<10000x128xf32, #tpu.memory_space<hbm>>
        tpu.enqueue_indirect_dma source(%dma_start3A_100 : memref<10000x128xf32, #tpu.memory_space<hbm>>) target(%arg12 : memref<80x128xf32, #tpu.memory_space<vmem>>) offsets(%dma_start3A_97 : memref<80xi32, #tpu.memory_space<vmem>>) semaphore(%arg15 : memref<!tpu.dma_semaphore, #tpu.memory_space<semaphore_mem>>)
      } else {
      }
      %mul3A_71 = arith.constant 80 : i32
      %mul3A_72 = arith.muli %add3A_38, %mul3A_71 : i32
      %dma_wait3A_73 = tpu.memref_slice %arg8[%mul3A_72] : memref<10000xi32, #tpu.memory_space<vmem>> -> memref<80xi32, #tpu.memory_space<vmem>>
      %dma_wait3A_74 = arith.constant 0 : i32
      %dma_wait3A_75 = arith.constant 0 : i32
      %dma_wait3A_76 = tpu.memref_slice %arg2[%dma_wait3A_74, %dma_wait3A_75] : memref<10000x128xf32, #tpu.memory_space<hbm>> -> memref<10000x128xf32, #tpu.memory_space<hbm>>
      tpu.wait_indirect_dma semaphore(%arg16 : memref<!tpu.dma_semaphore, #tpu.memory_space<semaphore_mem>>) src(%dma_wait3A_76 : memref<10000x128xf32, #tpu.memory_space<hbm>>) dst(%arg13 : memref<80x128xf32, #tpu.memory_space<vmem>>)
      %dma_wait3A_77 = tpu.memref_slice %arg9[%mul3A_72] : memref<10000xi32, #tpu.memory_space<vmem>> -> memref<80xi32, #tpu.memory_space<vmem>>
      %dma_wait3A_78 = arith.constant 0 : i32
      %dma_wait3A_79 = arith.constant 0 : i32
      %dma_wait3A_80 = tpu.memref_slice %arg2[%dma_wait3A_78, %dma_wait3A_79] : memref<10000x128xf32, #tpu.memory_space<hbm>> -> memref<10000x128xf32, #tpu.memory_space<hbm>>
      tpu.wait_indirect_dma semaphore(%arg16 : memref<!tpu.dma_semaphore, #tpu.memory_space<semaphore_mem>>) src(%dma_wait3A_80 : memref<10000x128xf32, #tpu.memory_space<hbm>>) dst(%arg14 : memref<80x128xf32, #tpu.memory_space<vmem>>)
      %mul3A_81 = arith.constant 80 : i32
      %mul3A_82 = arith.muli %add3A_38, %mul3A_81 : i32
      %scan3A_83 = arith.constant 0 : i32
      %scan3A_84 = arith.constant 0 : i32
      %scan3A_85 = arith.constant 5 : i32
      %scan3A_86 = arith.addi %scan3A_84, %scan3A_85 : i32
      %scan3A_87 = arith.constant 1 : i32
      scf.for %scan3A_89 = %scan3A_84 to %scan3A_86 step %scan3A_87  : i32 {
        %mul3A_90 = arith.constant 16 : i32
        %mul3A_91 = arith.muli %scan3A_89, %mul3A_90 : i32
        %get3A_92 = arith.constant 0 : index
        %get3A_93 = tpu.vector_load %arg7[%get3A_92] {strides = array<i32>} : memref<144xf32, #tpu.memory_space<vmem>>, vector<16xf32>,
        %get3A_94 = vector.shape_cast %get3A_93 : vector<16xf32> to vector<16xf32>
        %add3A_95 = arith.constant 0 : i32
        %add3A_96 = arith.addi %mul3A_91, %add3A_95 : i32
        %get3A_97 = arith.index_cast %add3A_96 : i32 to index
        %get3A_98 = arith.constant 0 : index
        %get3A_99 = tpu.vector_load %arg13[%get3A_97, %get3A_98] {strides = array<i32>} : memref<80x128xf32, #tpu.memory_space<vmem>>, vector<1x16xf32>,
        %get3A_100 = vector.shape_cast %get3A_99 : vector<1x16xf32> to vector<16xf32>
        %add3A_101 = arith.constant 0 : i32
        %add3A_102 = arith.addi %mul3A_91, %add3A_101 : i32
        %get3A_103 = arith.index_cast %add3A_102 : i32 to index
        %get3A_104 = arith.constant 0 : index
        %get3A_105 = tpu.vector_load %arg14[%get3A_103, %get3A_104] {strides = array<i32>} : memref<80x128xf32, #tpu.memory_space<vmem>>, vector<1x16xf32>,
        %get3A_106 = vector.shape_cast %get3A_105 : vector<1x16xf32> to vector<16xf32>
        %mul3A_107 = arith.mulf %get3A_100, %get3A_106 : vector<16xf32>
        %mul3A_108 = arith.mulf %mul3A_107, %get3A_94 : vector<16xf32>
        %add3A_109 = arith.constant 1 : i32
        %add3A_110 = arith.addi %mul3A_91, %add3A_109 : i32
        %get3A_111 = arith.index_cast %add3A_110 : i32 to index
        %get3A_112 = arith.constant 0 : index
        %get3A_113 = tpu.vector_load %arg13[%get3A_111, %get3A_112] {strides = array<i32>} : memref<80x128xf32, #tpu.memory_space<vmem>>, vector<1x16xf32>,
        %get3A_114 = vector.shape_cast %get3A_113 : vector<1x16xf32> to vector<16xf32>
        %add3A_115 = arith.constant 1 : i32
        %add3A_116 = arith.addi %mul3A_91, %add3A_115 : i32
        %get3A_117 = arith.index_cast %add3A_116 : i32 to index
        %get3A_118 = arith.constant 0 : index
        %get3A_119 = tpu.vector_load %arg14[%get3A_117, %get3A_118] {strides = array<i32>} : memref<80x128xf32, #tpu.memory_space<vmem>>, vector<1x16xf32>,
        %get3A_120 = vector.shape_cast %get3A_119 : vector<1x16xf32> to vector<16xf32>
        %mul3A_121 = arith.mulf %get3A_114, %get3A_120 : vector<16xf32>
        %mul3A_122 = arith.mulf %mul3A_121, %get3A_94 : vector<16xf32>
        %add3A_123 = arith.constant 2 : i32
        %add3A_124 = arith.addi %mul3A_91, %add3A_123 : i32
        %get3A_125 = arith.index_cast %add3A_124 : i32 to index
        %get3A_126 = arith.constant 0 : index
        %get3A_127 = tpu.vector_load %arg13[%get3A_125, %get3A_126] {strides = array<i32>} : memref<80x128xf32, #tpu.memory_space<vmem>>, vector<1x16xf32>,
        %get3A_128 = vector.shape_cast %get3A_127 : vector<1x16xf32> to vector<16xf32>
        %add3A_129 = arith.constant 2 : i32
        %add3A_130 = arith.addi %mul3A_91, %add3A_129 : i32
        %get3A_131 = arith.index_cast %add3A_130 : i32 to index
        %get3A_132 = arith.constant 0 : index
        %get3A_133 = tpu.vector_load %arg14[%get3A_131, %get3A_132] {strides = array<i32>} : memref<80x128xf32, #tpu.memory_space<vmem>>, vector<1x16xf32>,
        %get3A_134 = vector.shape_cast %get3A_133 : vector<1x16xf32> to vector<16xf32>
        %mul3A_135 = arith.mulf %get3A_128, %get3A_134 : vector<16xf32>
        %mul3A_136 = arith.mulf %mul3A_135, %get3A_94 : vector<16xf32>
        %add3A_137 = arith.constant 3 : i32
        %add3A_138 = arith.addi %mul3A_91, %add3A_137 : i32
        %get3A_139 = arith.index_cast %add3A_138 : i32 to index
        %get3A_140 = arith.constant 0 : index
        %get3A_141 = tpu.vector_load %arg13[%get3A_139, %get3A_140] {strides = array<i32>} : memref<80x128xf32, #tpu.memory_space<vmem>>, vector<1x16xf32>,
        %get3A_142 = vector.shape_cast %get3A_141 : vector<1x16xf32> to vector<16xf32>
        %add3A_143 = arith.constant 3 : i32
        %add3A_144 = arith.addi %mul3A_91, %add3A_143 : i32
        %get3A_145 = arith.index_cast %add3A_144 : i32 to index
        %get3A_146 = arith.constant 0 : index
        %get3A_147 = tpu.vector_load %arg14[%get3A_145, %get3A_146] {strides = array<i32>} : memref<80x128xf32, #tpu.memory_space<vmem>>, vector<1x16xf32>,
        %get3A_148 = vector.shape_cast %get3A_147 : vector<1x16xf32> to vector<16xf32>
        %mul3A_149 = arith.mulf %get3A_142, %get3A_148 : vector<16xf32>
        %mul3A_150 = arith.mulf %mul3A_149, %get3A_94 : vector<16xf32>
        %add3A_151 = arith.constant 4 : i32
        %add3A_152 = arith.addi %mul3A_91, %add3A_151 : i32
        %get3A_153 = arith.index_cast %add3A_152 : i32 to index
        %get3A_154 = arith.constant 0 : index
        %get3A_155 = tpu.vector_load %arg13[%get3A_153, %get3A_154] {strides = array<i32>} : memref<80x128xf32, #tpu.memory_space<vmem>>, vector<1x16xf32>,
        %get3A_156 = vector.shape_cast %get3A_155 : vector<1x16xf32> to vector<16xf32>
        %add3A_157 = arith.constant 4 : i32
        %add3A_158 = arith.addi %mul3A_91, %add3A_157 : i32
        %get3A_159 = arith.index_cast %add3A_158 : i32 to index
        %get3A_160 = arith.constant 0 : index
        %get3A_161 = tpu.vector_load %arg14[%get3A_159, %get3A_160] {strides = array<i32>} : memref<80x128xf32, #tpu.memory_space<vmem>>, vector<1x16xf32>,
        %get3A_162 = vector.shape_cast %get3A_161 : vector<1x16xf32> to vector<16xf32>
        %mul3A_163 = arith.mulf %get3A_156, %get3A_162 : vector<16xf32>
        %mul3A_164 = arith.mulf %mul3A_163, %get3A_94 : vector<16xf32>
        %add3A_165 = arith.constant 5 : i32
        %add3A_166 = arith.addi %mul3A_91, %add3A_165 : i32
        %get3A_167 = arith.index_cast %add3A_166 : i32 to index
        %get3A_168 = arith.constant 0 : index
        %get3A_169 = tpu.vector_load %arg13[%get3A_167, %get3A_168] {strides = array<i32>} : memref<80x128xf32, #tpu.memory_space<vmem>>, vector<1x16xf32>,
        %get3A_170 = vector.shape_cast %get3A_169 : vector<1x16xf32> to vector<16xf32>
        %add3A_171 = arith.constant 5 : i32
        %add3A_172 = arith.addi %mul3A_91, %add3A_171 : i32
        %get3A_173 = arith.index_cast %add3A_172 : i32 to index
        %get3A_174 = arith.constant 0 : index
        %get3A_175 = tpu.vector_load %arg14[%get3A_173, %get3A_174] {strides = array<i32>} : memref<80x128xf32, #tpu.memory_space<vmem>>, vector<1x16xf32>,
        %get3A_176 = vector.shape_cast %get3A_175 : vector<1x16xf32> to vector<16xf32>
        %mul3A_177 = arith.mulf %get3A_170, %get3A_176 : vector<16xf32>
        %mul3A_178 = arith.mulf %mul3A_177, %get3A_94 : vector<16xf32>
        %add3A_179 = arith.constant 6 : i32
        %add3A_180 = arith.addi %mul3A_91, %add3A_179 : i32
        %get3A_181 = arith.index_cast %add3A_180 : i32 to index
        %get3A_182 = arith.constant 0 : index
        %get3A_183 = tpu.vector_load %arg13[%get3A_181, %get3A_182] {strides = array<i32>} : memref<80x128xf32, #tpu.memory_space<vmem>>, vector<1x16xf32>,
        %get3A_184 = vector.shape_cast %get3A_183 : vector<1x16xf32> to vector<16xf32>
        %add3A_185 = arith.constant 6 : i32
        %add3A_186 = arith.addi %mul3A_91, %add3A_185 : i32
        %get3A_187 = arith.index_cast %add3A_186 : i32 to index
        %get3A_188 = arith.constant 0 : index
        %get3A_189 = tpu.vector_load %arg14[%get3A_187, %get3A_188] {strides = array<i32>} : memref<80x128xf32, #tpu.memory_space<vmem>>, vector<1x16xf32>,
        %get3A_190 = vector.shape_cast %get3A_189 : vector<1x16xf32> to vector<16xf32>
        %mul3A_191 = arith.mulf %get3A_184, %get3A_190 : vector<16xf32>
        %mul3A_192 = arith.mulf %mul3A_191, %get3A_94 : vector<16xf32>
        %add3A_193 = arith.constant 7 : i32
        %add3A_194 = arith.addi %mul3A_91, %add3A_193 : i32
        %get3A_195 = arith.index_cast %add3A_194 : i32 to index
        %get3A_196 = arith.constant 0 : index
        %get3A_197 = tpu.vector_load %arg13[%get3A_195, %get3A_196] {strides = array<i32>} : memref<80x128xf32, #tpu.memory_space<vmem>>, vector<1x16xf32>,
        %get3A_198 = vector.shape_cast %get3A_197 : vector<1x16xf32> to vector<16xf32>
        %add3A_199 = arith.constant 7 : i32
        %add3A_200 = arith.addi %mul3A_91, %add3A_199 : i32
        %get3A_201 = arith.index_cast %add3A_200 : i32 to index
        %get3A_202 = arith.constant 0 : index
        %get3A_203 = tpu.vector_load %arg14[%get3A_201, %get3A_202] {strides = array<i32>} : memref<80x128xf32, #tpu.memory_space<vmem>>, vector<1x16xf32>,
        %get3A_204 = vector.shape_cast %get3A_203 : vector<1x16xf32> to vector<16xf32>
        %mul3A_205 = arith.mulf %get3A_198, %get3A_204 : vector<16xf32>
        %mul3A_206 = arith.mulf %mul3A_205, %get3A_94 : vector<16xf32>
        %add3A_207 = arith.constant 8 : i32
        %add3A_208 = arith.addi %mul3A_91, %add3A_207 : i32
        %get3A_209 = arith.index_cast %add3A_208 : i32 to index
        %get3A_210 = arith.constant 0 : index
        %get3A_211 = tpu.vector_load %arg13[%get3A_209, %get3A_210] {strides = array<i32>} : memref<80x128xf32, #tpu.memory_space<vmem>>, vector<1x16xf32>,
        %get3A_212 = vector.shape_cast %get3A_211 : vector<1x16xf32> to vector<16xf32>
        %add3A_213 = arith.constant 8 : i32
        %add3A_214 = arith.addi %mul3A_91, %add3A_213 : i32
        %get3A_215 = arith.index_cast %add3A_214 : i32 to index
        %get3A_216 = arith.constant 0 : index
        %get3A_217 = tpu.vector_load %arg14[%get3A_215, %get3A_216] {strides = array<i32>} : memref<80x128xf32, #tpu.memory_space<vmem>>, vector<1x16xf32>,
        %get3A_218 = vector.shape_cast %get3A_217 : vector<1x16xf32> to vector<16xf32>
        %mul3A_219 = arith.mulf %get3A_212, %get3A_218 : vector<16xf32>
        %mul3A_220 = arith.mulf %mul3A_219, %get3A_94 : vector<16xf32>
        %add3A_221 = arith.constant 9 : i32
        %add3A_222 = arith.addi %mul3A_91, %add3A_221 : i32
        %get3A_223 = arith.index_cast %add3A_222 : i32 to index
        %get3A_224 = arith.constant 0 : index
        %get3A_225 = tpu.vector_load %arg13[%get3A_223, %get3A_224] {strides = array<i32>} : memref<80x128xf32, #tpu.memory_space<vmem>>, vector<1x16xf32>,
        %get3A_226 = vector.shape_cast %get3A_225 : vector<1x16xf32> to vector<16xf32>
        %add3A_227 = arith.constant 9 : i32
        %add3A_228 = arith.addi %mul3A_91, %add3A_227 : i32
        %get3A_229 = arith.index_cast %add3A_228 : i32 to index
        %get3A_230 = arith.constant 0 : index
        %get3A_231 = tpu.vector_load %arg14[%get3A_229, %get3A_230] {strides = array<i32>} : memref<80x128xf32, #tpu.memory_space<vmem>>, vector<1x16xf32>,
        %get3A_232 = vector.shape_cast %get3A_231 : vector<1x16xf32> to vector<16xf32>
        %mul3A_233 = arith.mulf %get3A_226, %get3A_232 : vector<16xf32>
        %mul3A_234 = arith.mulf %mul3A_233, %get3A_94 : vector<16xf32>
        %add3A_235 = arith.constant 10 : i32
        %add3A_236 = arith.addi %mul3A_91, %add3A_235 : i32
        %get3A_237 = arith.index_cast %add3A_236 : i32 to index
        %get3A_238 = arith.constant 0 : index
        %get3A_239 = tpu.vector_load %arg13[%get3A_237, %get3A_238] {strides = array<i32>} : memref<80x128xf32, #tpu.memory_space<vmem>>, vector<1x16xf32>,
        %get3A_240 = vector.shape_cast %get3A_239 : vector<1x16xf32> to vector<16xf32>
        %add3A_241 = arith.constant 10 : i32
        %add3A_242 = arith.addi %mul3A_91, %add3A_241 : i32
        %get3A_243 = arith.index_cast %add3A_242 : i32 to index
        %get3A_244 = arith.constant 0 : index
        %get3A_245 = tpu.vector_load %arg14[%get3A_243, %get3A_244] {strides = array<i32>} : memref<80x128xf32, #tpu.memory_space<vmem>>, vector<1x16xf32>,
        %get3A_246 = vector.shape_cast %get3A_245 : vector<1x16xf32> to vector<16xf32>
        %mul3A_247 = arith.mulf %get3A_240, %get3A_246 : vector<16xf32>
        %mul3A_248 = arith.mulf %mul3A_247, %get3A_94 : vector<16xf32>
        %add3A_249 = arith.constant 11 : i32
        %add3A_250 = arith.addi %mul3A_91, %add3A_249 : i32
        %get3A_251 = arith.index_cast %add3A_250 : i32 to index
        %get3A_252 = arith.constant 0 : index
        %get3A_253 = tpu.vector_load %arg13[%get3A_251, %get3A_252] {strides = array<i32>} : memref<80x128xf32, #tpu.memory_space<vmem>>, vector<1x16xf32>,
        %get3A_254 = vector.shape_cast %get3A_253 : vector<1x16xf32> to vector<16xf32>
        %add3A_255 = arith.constant 11 : i32
        %add3A_256 = arith.addi %mul3A_91, %add3A_255 : i32
        %get3A_257 = arith.index_cast %add3A_256 : i32 to index
        %get3A_258 = arith.constant 0 : index
        %get3A_259 = tpu.vector_load %arg14[%get3A_257, %get3A_258] {strides = array<i32>} : memref<80x128xf32, #tpu.memory_space<vmem>>, vector<1x16xf32>,
        %get3A_260 = vector.shape_cast %get3A_259 : vector<1x16xf32> to vector<16xf32>
        %mul3A_261 = arith.mulf %get3A_254, %get3A_260 : vector<16xf32>
        %mul3A_262 = arith.mulf %mul3A_261, %get3A_94 : vector<16xf32>
        %add3A_263 = arith.constant 12 : i32
        %add3A_264 = arith.addi %mul3A_91, %add3A_263 : i32
        %get3A_265 = arith.index_cast %add3A_264 : i32 to index
        %get3A_266 = arith.constant 0 : index
        %get3A_267 = tpu.vector_load %arg13[%get3A_265, %get3A_266] {strides = array<i32>} : memref<80x128xf32, #tpu.memory_space<vmem>>, vector<1x16xf32>,
        %get3A_268 = vector.shape_cast %get3A_267 : vector<1x16xf32> to vector<16xf32>
        %add3A_269 = arith.constant 12 : i32
        %add3A_270 = arith.addi %mul3A_91, %add3A_269 : i32
        %get3A_271 = arith.index_cast %add3A_270 : i32 to index
        %get3A_272 = arith.constant 0 : index
        %get3A_273 = tpu.vector_load %arg14[%get3A_271, %get3A_272] {strides = array<i32>} : memref<80x128xf32, #tpu.memory_space<vmem>>, vector<1x16xf32>,
        %get3A_274 = vector.shape_cast %get3A_273 : vector<1x16xf32> to vector<16xf32>
        %mul3A_275 = arith.mulf %get3A_268, %get3A_274 : vector<16xf32>
        %mul3A_276 = arith.mulf %mul3A_275, %get3A_94 : vector<16xf32>
        %add3A_277 = arith.constant 13 : i32
        %add3A_278 = arith.addi %mul3A_91, %add3A_277 : i32
        %get3A_279 = arith.index_cast %add3A_278 : i32 to index
        %get3A_280 = arith.constant 0 : index
        %get3A_281 = tpu.vector_load %arg13[%get3A_279, %get3A_280] {strides = array<i32>} : memref<80x128xf32, #tpu.memory_space<vmem>>, vector<1x16xf32>,
        %get3A_282 = vector.shape_cast %get3A_281 : vector<1x16xf32> to vector<16xf32>
        %add3A_283 = arith.constant 13 : i32
        %add3A_284 = arith.addi %mul3A_91, %add3A_283 : i32
        %get3A_285 = arith.index_cast %add3A_284 : i32 to index
        %get3A_286 = arith.constant 0 : index
        %get3A_287 = tpu.vector_load %arg14[%get3A_285, %get3A_286] {strides = array<i32>} : memref<80x128xf32, #tpu.memory_space<vmem>>, vector<1x16xf32>,
        %get3A_288 = vector.shape_cast %get3A_287 : vector<1x16xf32> to vector<16xf32>
        %mul3A_289 = arith.mulf %get3A_282, %get3A_288 : vector<16xf32>
        %mul3A_290 = arith.mulf %mul3A_289, %get3A_94 : vector<16xf32>
        %add3A_291 = arith.constant 14 : i32
        %add3A_292 = arith.addi %mul3A_91, %add3A_291 : i32
        %get3A_293 = arith.index_cast %add3A_292 : i32 to index
        %get3A_294 = arith.constant 0 : index
        %get3A_295 = tpu.vector_load %arg13[%get3A_293, %get3A_294] {strides = array<i32>} : memref<80x128xf32, #tpu.memory_space<vmem>>, vector<1x16xf32>,
        %get3A_296 = vector.shape_cast %get3A_295 : vector<1x16xf32> to vector<16xf32>
        %add3A_297 = arith.constant 14 : i32
        %add3A_298 = arith.addi %mul3A_91, %add3A_297 : i32
        %get3A_299 = arith.index_cast %add3A_298 : i32 to index
        %get3A_300 = arith.constant 0 : index
        %get3A_301 = tpu.vector_load %arg14[%get3A_299, %get3A_300] {strides = array<i32>} : memref<80x128xf32, #tpu.memory_space<vmem>>, vector<1x16xf32>,
        %get3A_302 = vector.shape_cast %get3A_301 : vector<1x16xf32> to vector<16xf32>
        %mul3A_303 = arith.mulf %get3A_296, %get3A_302 : vector<16xf32>
        %mul3A_304 = arith.mulf %mul3A_303, %get3A_94 : vector<16xf32>
        %add3A_305 = arith.constant 15 : i32
        %add3A_306 = arith.addi %mul3A_91, %add3A_305 : i32
        %get3A_307 = arith.index_cast %add3A_306 : i32 to index
        %get3A_308 = arith.constant 0 : index
        %get3A_309 = tpu.vector_load %arg13[%get3A_307, %get3A_308] {strides = array<i32>} : memref<80x128xf32, #tpu.memory_space<vmem>>, vector<1x16xf32>,
        %get3A_310 = vector.shape_cast %get3A_309 : vector<1x16xf32> to vector<16xf32>
        %add3A_311 = arith.constant 15 : i32
        %add3A_312 = arith.addi %mul3A_91, %add3A_311 : i32
        %get3A_313 = arith.index_cast %add3A_312 : i32 to index
        %get3A_314 = arith.constant 0 : index
        %get3A_315 = tpu.vector_load %arg14[%get3A_313, %get3A_314] {strides = array<i32>} : memref<80x128xf32, #tpu.memory_space<vmem>>, vector<1x16xf32>,
        %get3A_316 = vector.shape_cast %get3A_315 : vector<1x16xf32> to vector<16xf32>
        %mul3A_317 = arith.mulf %get3A_310, %get3A_316 : vector<16xf32>
        %mul3A_318 = arith.mulf %mul3A_317, %get3A_94 : vector<16xf32>
        %scan3A_319 = arith.constant 1 : i32
        %scan3A_320 = arith.constant 7 : i32
        %scan3A_321 = arith.addi %scan3A_319, %scan3A_320 : i32
        %scan3A_322 = arith.constant 1 : i32
        %scan3A_323:16 = scf.for %scan3A_450 = %scan3A_319 to %scan3A_321 step %scan3A_322 iter_args(%scan3A_451 = %mul3A_108, %scan3A_452 = %mul3A_122, %scan3A_453 = %mul3A_136, %scan3A_454 = %mul3A_150, %scan3A_455 = %mul3A_164, %scan3A_456 = %mul3A_178, %scan3A_457 = %mul3A_192, %scan3A_458 = %mul3A_206, %scan3A_459 = %mul3A_220, %scan3A_460 = %mul3A_234, %scan3A_461 = %mul3A_248, %scan3A_462 = %mul3A_262, %scan3A_463 = %mul3A_276, %scan3A_464 = %mul3A_290, %scan3A_465 = %mul3A_304, %scan3A_466 = %mul3A_318) -> (vector<16xf32>, vector<16xf32>, vector<16xf32>, vector<16xf32>, vector<16xf32>, vector<16xf32>, vector<16xf32>, vector<16xf32>, vector<16xf32>, vector<16xf32>, vector<16xf32>, vector<16xf32>, vector<16xf32>, vector<16xf32>, vector<16xf32>, vector<16xf32>)  : i32 {
          %mul3A_467 = arith.constant 16 : i32
          %mul3A_468 = arith.muli %scan3A_450, %mul3A_467 : i32
          %get3A_469 = arith.index_cast %mul3A_468 : i32 to index
          %get3A_470 = tpu.vector_load %arg7[%get3A_469] {strides = array<i32>} : memref<144xf32, #tpu.memory_space<vmem>>, vector<16xf32>,
          %get3A_471 = vector.shape_cast %get3A_470 : vector<16xf32> to vector<16xf32>
          %add3A_472 = arith.constant 0 : i32
          %add3A_473 = arith.addi %mul3A_91, %add3A_472 : i32
          %get3A_474 = arith.index_cast %add3A_473 : i32 to index
          %get3A_475 = arith.index_cast %mul3A_468 : i32 to index
          %get3A_476 = tpu.vector_load %arg13[%get3A_474, %get3A_475] {strides = array<i32>} : memref<80x128xf32, #tpu.memory_space<vmem>>, vector<1x16xf32>,
          %get3A_477 = vector.shape_cast %get3A_476 : vector<1x16xf32> to vector<16xf32>
          %add3A_478 = arith.constant 0 : i32
          %add3A_479 = arith.addi %mul3A_91, %add3A_478 : i32
          %get3A_480 = arith.index_cast %add3A_479 : i32 to index
          %get3A_481 = arith.index_cast %mul3A_468 : i32 to index
          %get3A_482 = tpu.vector_load %arg14[%get3A_480, %get3A_481] {strides = array<i32>} : memref<80x128xf32, #tpu.memory_space<vmem>>, vector<1x16xf32>,
          %get3A_483 = vector.shape_cast %get3A_482 : vector<1x16xf32> to vector<16xf32>
          %mul3A_484 = arith.mulf %get3A_477, %get3A_483 : vector<16xf32>
          %mul3A_485 = arith.mulf %mul3A_484, %get3A_471 : vector<16xf32>
          %add3A_486 = arith.addf %scan3A_451, %mul3A_485 : vector<16xf32>
          %add3A_487 = arith.constant 1 : i32
          %add3A_488 = arith.addi %mul3A_91, %add3A_487 : i32
          %get3A_489 = arith.index_cast %add3A_488 : i32 to index
          %get3A_490 = arith.index_cast %mul3A_468 : i32 to index
          %get3A_491 = tpu.vector_load %arg13[%get3A_489, %get3A_490] {strides = array<i32>} : memref<80x128xf32, #tpu.memory_space<vmem>>, vector<1x16xf32>,
          %get3A_492 = vector.shape_cast %get3A_491 : vector<1x16xf32> to vector<16xf32>
          %add3A_493 = arith.constant 1 : i32
          %add3A_494 = arith.addi %mul3A_91, %add3A_493 : i32
          %get3A_495 = arith.index_cast %add3A_494 : i32 to index
          %get3A_496 = arith.index_cast %mul3A_468 : i32 to index
          %get3A_497 = tpu.vector_load %arg14[%get3A_495, %get3A_496] {strides = array<i32>} : memref<80x128xf32, #tpu.memory_space<vmem>>, vector<1x16xf32>,
          %get3A_498 = vector.shape_cast %get3A_497 : vector<1x16xf32> to vector<16xf32>
          %mul3A_499 = arith.mulf %get3A_492, %get3A_498 : vector<16xf32>
          %mul3A_500 = arith.mulf %mul3A_499, %get3A_471 : vector<16xf32>
          %add3A_501 = arith.addf %scan3A_452, %mul3A_500 : vector<16xf32>
          %add3A_502 = arith.constant 2 : i32
          %add3A_503 = arith.addi %mul3A_91, %add3A_502 : i32
          %get3A_504 = arith.index_cast %add3A_503 : i32 to index
          %get3A_505 = arith.index_cast %mul3A_468 : i32 to index
          %get3A_506 = tpu.vector_load %arg13[%get3A_504, %get3A_505] {strides = array<i32>} : memref<80x128xf32, #tpu.memory_space<vmem>>, vector<1x16xf32>,
          %get3A_507 = vector.shape_cast %get3A_506 : vector<1x16xf32> to vector<16xf32>
          %add3A_508 = arith.constant 2 : i32
          %add3A_509 = arith.addi %mul3A_91, %add3A_508 : i32
          %get3A_510 = arith.index_cast %add3A_509 : i32 to index
          %get3A_511 = arith.index_cast %mul3A_468 : i32 to index
          %get3A_512 = tpu.vector_load %arg14[%get3A_510, %get3A_511] {strides = array<i32>} : memref<80x128xf32, #tpu.memory_space<vmem>>, vector<1x16xf32>,
          %get3A_513 = vector.shape_cast %get3A_512 : vector<1x16xf32> to vector<16xf32>
          %mul3A_514 = arith.mulf %get3A_507, %get3A_513 : vector<16xf32>
          %mul3A_515 = arith.mulf %mul3A_514, %get3A_471 : vector<16xf32>
          %add3A_516 = arith.addf %scan3A_453, %mul3A_515 : vector<16xf32>
          %add3A_517 = arith.constant 3 : i32
          %add3A_518 = arith.addi %mul3A_91, %add3A_517 : i32
          %get3A_519 = arith.index_cast %add3A_518 : i32 to index
          %get3A_520 = arith.index_cast %mul3A_468 : i32 to index
          %get3A_521 = tpu.vector_load %arg13[%get3A_519, %get3A_520] {strides = array<i32>} : memref<80x128xf32, #tpu.memory_space<vmem>>, vector<1x16xf32>,
          %get3A_522 = vector.shape_cast %get3A_521 : vector<1x16xf32> to vector<16xf32>
          %add3A_523 = arith.constant 3 : i32
          %add3A_524 = arith.addi %mul3A_91, %add3A_523 : i32
          %get3A_525 = arith.index_cast %add3A_524 : i32 to index
          %get3A_526 = arith.index_cast %mul3A_468 : i32 to index
          %get3A_527 = tpu.vector_load %arg14[%get3A_525, %get3A_526] {strides = array<i32>} : memref<80x128xf32, #tpu.memory_space<vmem>>, vector<1x16xf32>,
          %get3A_528 = vector.shape_cast %get3A_527 : vector<1x16xf32> to vector<16xf32>
          %mul3A_529 = arith.mulf %get3A_522, %get3A_528 : vector<16xf32>
          %mul3A_530 = arith.mulf %mul3A_529, %get3A_471 : vector<16xf32>
          %add3A_531 = arith.addf %scan3A_454, %mul3A_530 : vector<16xf32>
          %add3A_532 = arith.constant 4 : i32
          %add3A_533 = arith.addi %mul3A_91, %add3A_532 : i32
          %get3A_534 = arith.index_cast %add3A_533 : i32 to index
          %get3A_535 = arith.index_cast %mul3A_468 : i32 to index
          %get3A_536 = tpu.vector_load %arg13[%get3A_534, %get3A_535] {strides = array<i32>} : memref<80x128xf32, #tpu.memory_space<vmem>>, vector<1x16xf32>,
          %get3A_537 = vector.shape_cast %get3A_536 : vector<1x16xf32> to vector<16xf32>
          %add3A_538 = arith.constant 4 : i32
          %add3A_539 = arith.addi %mul3A_91, %add3A_538 : i32
          %get3A_540 = arith.index_cast %add3A_539 : i32 to index
          %get3A_541 = arith.index_cast %mul3A_468 : i32 to index
          %get3A_542 = tpu.vector_load %arg14[%get3A_540, %get3A_541] {strides = array<i32>} : memref<80x128xf32, #tpu.memory_space<vmem>>, vector<1x16xf32>,
          %get3A_543 = vector.shape_cast %get3A_542 : vector<1x16xf32> to vector<16xf32>
          %mul3A_544 = arith.mulf %get3A_537, %get3A_543 : vector<16xf32>
          %mul3A_545 = arith.mulf %mul3A_544, %get3A_471 : vector<16xf32>
          %add3A_546 = arith.addf %scan3A_455, %mul3A_545 : vector<16xf32>
          %add3A_547 = arith.constant 5 : i32
          %add3A_548 = arith.addi %mul3A_91, %add3A_547 : i32
          %get3A_549 = arith.index_cast %add3A_548 : i32 to index
          %get3A_550 = arith.index_cast %mul3A_468 : i32 to index
          %get3A_551 = tpu.vector_load %arg13[%get3A_549, %get3A_550] {strides = array<i32>} : memref<80x128xf32, #tpu.memory_space<vmem>>, vector<1x16xf32>,
          %get3A_552 = vector.shape_cast %get3A_551 : vector<1x16xf32> to vector<16xf32>
          %add3A_553 = arith.constant 5 : i32
          %add3A_554 = arith.addi %mul3A_91, %add3A_553 : i32
          %get3A_555 = arith.index_cast %add3A_554 : i32 to index
          %get3A_556 = arith.index_cast %mul3A_468 : i32 to index
          %get3A_557 = tpu.vector_load %arg14[%get3A_555, %get3A_556] {strides = array<i32>} : memref<80x128xf32, #tpu.memory_space<vmem>>, vector<1x16xf32>,
          %get3A_558 = vector.shape_cast %get3A_557 : vector<1x16xf32> to vector<16xf32>
          %mul3A_559 = arith.mulf %get3A_552, %get3A_558 : vector<16xf32>
          %mul3A_560 = arith.mulf %mul3A_559, %get3A_471 : vector<16xf32>
          %add3A_561 = arith.addf %scan3A_456, %mul3A_560 : vector<16xf32>
          %add3A_562 = arith.constant 6 : i32
          %add3A_563 = arith.addi %mul3A_91, %add3A_562 : i32
          %get3A_564 = arith.index_cast %add3A_563 : i32 to index
          %get3A_565 = arith.index_cast %mul3A_468 : i32 to index
          %get3A_566 = tpu.vector_load %arg13[%get3A_564, %get3A_565] {strides = array<i32>} : memref<80x128xf32, #tpu.memory_space<vmem>>, vector<1x16xf32>,
          %get3A_567 = vector.shape_cast %get3A_566 : vector<1x16xf32> to vector<16xf32>
          %add3A_568 = arith.constant 6 : i32
          %add3A_569 = arith.addi %mul3A_91, %add3A_568 : i32
          %get3A_570 = arith.index_cast %add3A_569 : i32 to index
          %get3A_571 = arith.index_cast %mul3A_468 : i32 to index
          %get3A_572 = tpu.vector_load %arg14[%get3A_570, %get3A_571] {strides = array<i32>} : memref<80x128xf32, #tpu.memory_space<vmem>>, vector<1x16xf32>,
          %get3A_573 = vector.shape_cast %get3A_572 : vector<1x16xf32> to vector<16xf32>
          %mul3A_574 = arith.mulf %get3A_567, %get3A_573 : vector<16xf32>
          %mul3A_575 = arith.mulf %mul3A_574, %get3A_471 : vector<16xf32>
          %add3A_576 = arith.addf %scan3A_457, %mul3A_575 : vector<16xf32>
          %add3A_577 = arith.constant 7 : i32
          %add3A_578 = arith.addi %mul3A_91, %add3A_577 : i32
          %get3A_579 = arith.index_cast %add3A_578 : i32 to index
          %get3A_580 = arith.index_cast %mul3A_468 : i32 to index
          %get3A_581 = tpu.vector_load %arg13[%get3A_579, %get3A_580] {strides = array<i32>} : memref<80x128xf32, #tpu.memory_space<vmem>>, vector<1x16xf32>,
          %get3A_582 = vector.shape_cast %get3A_581 : vector<1x16xf32> to vector<16xf32>
          %add3A_583 = arith.constant 7 : i32
          %add3A_584 = arith.addi %mul3A_91, %add3A_583 : i32
          %get3A_585 = arith.index_cast %add3A_584 : i32 to index
          %get3A_586 = arith.index_cast %mul3A_468 : i32 to index
          %get3A_587 = tpu.vector_load %arg14[%get3A_585, %get3A_586] {strides = array<i32>} : memref<80x128xf32, #tpu.memory_space<vmem>>, vector<1x16xf32>,
          %get3A_588 = vector.shape_cast %get3A_587 : vector<1x16xf32> to vector<16xf32>
          %mul3A_589 = arith.mulf %get3A_582, %get3A_588 : vector<16xf32>
          %mul3A_590 = arith.mulf %mul3A_589, %get3A_471 : vector<16xf32>
          %add3A_591 = arith.addf %scan3A_458, %mul3A_590 : vector<16xf32>
          %add3A_592 = arith.constant 8 : i32
          %add3A_593 = arith.addi %mul3A_91, %add3A_592 : i32
          %get3A_594 = arith.index_cast %add3A_593 : i32 to index
          %get3A_595 = arith.index_cast %mul3A_468 : i32 to index
          %get3A_596 = tpu.vector_load %arg13[%get3A_594, %get3A_595] {strides = array<i32>} : memref<80x128xf32, #tpu.memory_space<vmem>>, vector<1x16xf32>,
          %get3A_597 = vector.shape_cast %get3A_596 : vector<1x16xf32> to vector<16xf32>
          %add3A_598 = arith.constant 8 : i32
          %add3A_599 = arith.addi %mul3A_91, %add3A_598 : i32
          %get3A_600 = arith.index_cast %add3A_599 : i32 to index
          %get3A_601 = arith.index_cast %mul3A_468 : i32 to index
          %get3A_602 = tpu.vector_load %arg14[%get3A_600, %get3A_601] {strides = array<i32>} : memref<80x128xf32, #tpu.memory_space<vmem>>, vector<1x16xf32>,
          %get3A_603 = vector.shape_cast %get3A_602 : vector<1x16xf32> to vector<16xf32>
          %mul3A_604 = arith.mulf %get3A_597, %get3A_603 : vector<16xf32>
          %mul3A_605 = arith.mulf %mul3A_604, %get3A_471 : vector<16xf32>
          %add3A_606 = arith.addf %scan3A_459, %mul3A_605 : vector<16xf32>
          %add3A_607 = arith.constant 9 : i32
          %add3A_608 = arith.addi %mul3A_91, %add3A_607 : i32
          %get3A_609 = arith.index_cast %add3A_608 : i32 to index
          %get3A_610 = arith.index_cast %mul3A_468 : i32 to index
          %get3A_611 = tpu.vector_load %arg13[%get3A_609, %get3A_610] {strides = array<i32>} : memref<80x128xf32, #tpu.memory_space<vmem>>, vector<1x16xf32>,
          %get3A_612 = vector.shape_cast %get3A_611 : vector<1x16xf32> to vector<16xf32>
          %add3A_613 = arith.constant 9 : i32
          %add3A_614 = arith.addi %mul3A_91, %add3A_613 : i32
          %get3A_615 = arith.index_cast %add3A_614 : i32 to index
          %get3A_616 = arith.index_cast %mul3A_468 : i32 to index
          %get3A_617 = tpu.vector_load %arg14[%get3A_615, %get3A_616] {strides = array<i32>} : memref<80x128xf32, #tpu.memory_space<vmem>>, vector<1x16xf32>,
          %get3A_618 = vector.shape_cast %get3A_617 : vector<1x16xf32> to vector<16xf32>
          %mul3A_619 = arith.mulf %get3A_612, %get3A_618 : vector<16xf32>
          %mul3A_620 = arith.mulf %mul3A_619, %get3A_471 : vector<16xf32>
          %add3A_621 = arith.addf %scan3A_460, %mul3A_620 : vector<16xf32>
          %add3A_622 = arith.constant 10 : i32
          %add3A_623 = arith.addi %mul3A_91, %add3A_622 : i32
          %get3A_624 = arith.index_cast %add3A_623 : i32 to index
          %get3A_625 = arith.index_cast %mul3A_468 : i32 to index
          %get3A_626 = tpu.vector_load %arg13[%get3A_624, %get3A_625] {strides = array<i32>} : memref<80x128xf32, #tpu.memory_space<vmem>>, vector<1x16xf32>,
          %get3A_627 = vector.shape_cast %get3A_626 : vector<1x16xf32> to vector<16xf32>
          %add3A_628 = arith.constant 10 : i32
          %add3A_629 = arith.addi %mul3A_91, %add3A_628 : i32
          %get3A_630 = arith.index_cast %add3A_629 : i32 to index
          %get3A_631 = arith.index_cast %mul3A_468 : i32 to index
          %get3A_632 = tpu.vector_load %arg14[%get3A_630, %get3A_631] {strides = array<i32>} : memref<80x128xf32, #tpu.memory_space<vmem>>, vector<1x16xf32>,
          %get3A_633 = vector.shape_cast %get3A_632 : vector<1x16xf32> to vector<16xf32>
          %mul3A_634 = arith.mulf %get3A_627, %get3A_633 : vector<16xf32>
          %mul3A_635 = arith.mulf %mul3A_634, %get3A_471 : vector<16xf32>
          %add3A_636 = arith.addf %scan3A_461, %mul3A_635 : vector<16xf32>
          %add3A_637 = arith.constant 11 : i32
          %add3A_638 = arith.addi %mul3A_91, %add3A_637 : i32
          %get3A_639 = arith.index_cast %add3A_638 : i32 to index
          %get3A_640 = arith.index_cast %mul3A_468 : i32 to index
          %get3A_641 = tpu.vector_load %arg13[%get3A_639, %get3A_640] {strides = array<i32>} : memref<80x128xf32, #tpu.memory_space<vmem>>, vector<1x16xf32>,
          %get3A_642 = vector.shape_cast %get3A_641 : vector<1x16xf32> to vector<16xf32>
          %add3A_643 = arith.constant 11 : i32
          %add3A_644 = arith.addi %mul3A_91, %add3A_643 : i32
          %get3A_645 = arith.index_cast %add3A_644 : i32 to index
          %get3A_646 = arith.index_cast %mul3A_468 : i32 to index
          %get3A_647 = tpu.vector_load %arg14[%get3A_645, %get3A_646] {strides = array<i32>} : memref<80x128xf32, #tpu.memory_space<vmem>>, vector<1x16xf32>,
          %get3A_648 = vector.shape_cast %get3A_647 : vector<1x16xf32> to vector<16xf32>
          %mul3A_649 = arith.mulf %get3A_642, %get3A_648 : vector<16xf32>
          %mul3A_650 = arith.mulf %mul3A_649, %get3A_471 : vector<16xf32>
          %add3A_651 = arith.addf %scan3A_462, %mul3A_650 : vector<16xf32>
          %add3A_652 = arith.constant 12 : i32
          %add3A_653 = arith.addi %mul3A_91, %add3A_652 : i32
          %get3A_654 = arith.index_cast %add3A_653 : i32 to index
          %get3A_655 = arith.index_cast %mul3A_468 : i32 to index
          %get3A_656 = tpu.vector_load %arg13[%get3A_654, %get3A_655] {strides = array<i32>} : memref<80x128xf32, #tpu.memory_space<vmem>>, vector<1x16xf32>,
          %get3A_657 = vector.shape_cast %get3A_656 : vector<1x16xf32> to vector<16xf32>
          %add3A_658 = arith.constant 12 : i32
          %add3A_659 = arith.addi %mul3A_91, %add3A_658 : i32
          %get3A_660 = arith.index_cast %add3A_659 : i32 to index
          %get3A_661 = arith.index_cast %mul3A_468 : i32 to index
          %get3A_662 = tpu.vector_load %arg14[%get3A_660, %get3A_661] {strides = array<i32>} : memref<80x128xf32, #tpu.memory_space<vmem>>, vector<1x16xf32>,
          %get3A_663 = vector.shape_cast %get3A_662 : vector<1x16xf32> to vector<16xf32>
          %mul3A_664 = arith.mulf %get3A_657, %get3A_663 : vector<16xf32>
          %mul3A_665 = arith.mulf %mul3A_664, %get3A_471 : vector<16xf32>
          %add3A_666 = arith.addf %scan3A_463, %mul3A_665 : vector<16xf32>
          %add3A_667 = arith.constant 13 : i32
          %add3A_668 = arith.addi %mul3A_91, %add3A_667 : i32
          %get3A_669 = arith.index_cast %add3A_668 : i32 to index
          %get3A_670 = arith.index_cast %mul3A_468 : i32 to index
          %get3A_671 = tpu.vector_load %arg13[%get3A_669, %get3A_670] {strides = array<i32>} : memref<80x128xf32, #tpu.memory_space<vmem>>, vector<1x16xf32>,
          %get3A_672 = vector.shape_cast %get3A_671 : vector<1x16xf32> to vector<16xf32>
          %add3A_673 = arith.constant 13 : i32
          %add3A_674 = arith.addi %mul3A_91, %add3A_673 : i32
          %get3A_675 = arith.index_cast %add3A_674 : i32 to index
          %get3A_676 = arith.index_cast %mul3A_468 : i32 to index
          %get3A_677 = tpu.vector_load %arg14[%get3A_675, %get3A_676] {strides = array<i32>} : memref<80x128xf32, #tpu.memory_space<vmem>>, vector<1x16xf32>,
          %get3A_678 = vector.shape_cast %get3A_677 : vector<1x16xf32> to vector<16xf32>
          %mul3A_679 = arith.mulf %get3A_672, %get3A_678 : vector<16xf32>
          %mul3A_680 = arith.mulf %mul3A_679, %get3A_471 : vector<16xf32>
          %add3A_681 = arith.addf %scan3A_464, %mul3A_680 : vector<16xf32>
          %add3A_682 = arith.constant 14 : i32
          %add3A_683 = arith.addi %mul3A_91, %add3A_682 : i32
          %get3A_684 = arith.index_cast %add3A_683 : i32 to index
          %get3A_685 = arith.index_cast %mul3A_468 : i32 to index
          %get3A_686 = tpu.vector_load %arg13[%get3A_684, %get3A_685] {strides = array<i32>} : memref<80x128xf32, #tpu.memory_space<vmem>>, vector<1x16xf32>,
          %get3A_687 = vector.shape_cast %get3A_686 : vector<1x16xf32> to vector<16xf32>
          %add3A_688 = arith.constant 14 : i32
          %add3A_689 = arith.addi %mul3A_91, %add3A_688 : i32
          %get3A_690 = arith.index_cast %add3A_689 : i32 to index
          %get3A_691 = arith.index_cast %mul3A_468 : i32 to index
          %get3A_692 = tpu.vector_load %arg14[%get3A_690, %get3A_691] {strides = array<i32>} : memref<80x128xf32, #tpu.memory_space<vmem>>, vector<1x16xf32>,
          %get3A_693 = vector.shape_cast %get3A_692 : vector<1x16xf32> to vector<16xf32>
          %mul3A_694 = arith.mulf %get3A_687, %get3A_693 : vector<16xf32>
          %mul3A_695 = arith.mulf %mul3A_694, %get3A_471 : vector<16xf32>
          %add3A_696 = arith.addf %scan3A_465, %mul3A_695 : vector<16xf32>
          %add3A_697 = arith.constant 15 : i32
          %add3A_698 = arith.addi %mul3A_91, %add3A_697 : i32
          %get3A_699 = arith.index_cast %add3A_698 : i32 to index
          %get3A_700 = arith.index_cast %mul3A_468 : i32 to index
          %get3A_701 = tpu.vector_load %arg13[%get3A_699, %get3A_700] {strides = array<i32>} : memref<80x128xf32, #tpu.memory_space<vmem>>, vector<1x16xf32>,
          %get3A_702 = vector.shape_cast %get3A_701 : vector<1x16xf32> to vector<16xf32>
          %add3A_703 = arith.constant 15 : i32
          %add3A_704 = arith.addi %mul3A_91, %add3A_703 : i32
          %get3A_705 = arith.index_cast %add3A_704 : i32 to index
          %get3A_706 = arith.index_cast %mul3A_468 : i32 to index
          %get3A_707 = tpu.vector_load %arg14[%get3A_705, %get3A_706] {strides = array<i32>} : memref<80x128xf32, #tpu.memory_space<vmem>>, vector<1x16xf32>,
          %get3A_708 = vector.shape_cast %get3A_707 : vector<1x16xf32> to vector<16xf32>
          %mul3A_709 = arith.mulf %get3A_702, %get3A_708 : vector<16xf32>
          %mul3A_710 = arith.mulf %mul3A_709, %get3A_471 : vector<16xf32>
          %add3A_711 = arith.addf %scan3A_466, %mul3A_710 : vector<16xf32>
          scf.yield %add3A_486, %add3A_501, %add3A_516, %add3A_531, %add3A_546, %add3A_561, %add3A_576, %add3A_591, %add3A_606, %add3A_621, %add3A_636, %add3A_651, %add3A_666, %add3A_681, %add3A_696, %add3A_711 : vector<16xf32>, vector<16xf32>, vector<16xf32>, vector<16xf32>, vector<16xf32>, vector<16xf32>, vector<16xf32>, vector<16xf32>, vector<16xf32>, vector<16xf32>, vector<16xf32>, vector<16xf32>, vector<16xf32>, vector<16xf32>, vector<16xf32>, vector<16xf32>
        }
        %scan3A_324 = arith.constant 7 : i32
        %and3A = arith.constant 1 : i32
        %and3A_325 = vector.broadcast %and3A : i32 to vector<16xi32>
        %and3A_326 = arith.andi %iota3A, %and3A_325 : vector<16xi32>
        %ne3A = arith.constant 0 : i32
        %ne3A_327 = vector.broadcast %ne3A : i32 to vector<16xi32>
        %ne3A_328 = arith.cmpi ne, %and3A_326, %ne3A_327 : vector<16xi32>
        %xor3A = arith.constant 1 : i32
        %xor3A_329 = vector.broadcast %xor3A : i32 to vector<16xi32>
        %xor3A_330 = arith.xori %iota3A, %xor3A_329 : vector<16xi32>
        %select_n3A = arith.select %ne3A_328, %scan3A_323#1, %scan3A_323#0 : vector<16xi1>, vector<16xf32>
        %select_n3A_331 = arith.select %ne3A_328, %scan3A_323#0, %scan3A_323#1 : vector<16xi1>, vector<16xf32>
        %broadcast_in_dim3A = vector.shape_cast %xor3A_330 : vector<16xi32> to vector<16x1xi32>
        %gather3A = vector.shape_cast %broadcast_in_dim3A : vector<16x1xi32> to vector<16xi32>
        %gather3A_332 = tpu.dynamic_gather %select_n3A_331[%gather3A] in [0] : vector<16xf32>, vector<16xi32> -> vector<16xf32>
        %add3A_333 = arith.addf %select_n3A, %gather3A_332 : vector<16xf32>
        %select_n3A_334 = arith.select %ne3A_328, %scan3A_323#3, %scan3A_323#2 : vector<16xi1>, vector<16xf32>
        %select_n3A_335 = arith.select %ne3A_328, %scan3A_323#2, %scan3A_323#3 : vector<16xi1>, vector<16xf32>
        %broadcast_in_dim3A_336 = vector.shape_cast %xor3A_330 : vector<16xi32> to vector<16x1xi32>
        %gather3A_337 = vector.shape_cast %broadcast_in_dim3A_336 : vector<16x1xi32> to vector<16xi32>
        %gather3A_338 = tpu.dynamic_gather %select_n3A_335[%gather3A_337] in [0] : vector<16xf32>, vector<16xi32> -> vector<16xf32>
        %add3A_339 = arith.addf %select_n3A_334, %gather3A_338 : vector<16xf32>
        %select_n3A_340 = arith.select %ne3A_328, %scan3A_323#5, %scan3A_323#4 : vector<16xi1>, vector<16xf32>
        %select_n3A_341 = arith.select %ne3A_328, %scan3A_323#4, %scan3A_323#5 : vector<16xi1>, vector<16xf32>
        %broadcast_in_dim3A_342 = vector.shape_cast %xor3A_330 : vector<16xi32> to vector<16x1xi32>
        %gather3A_343 = vector.shape_cast %broadcast_in_dim3A_342 : vector<16x1xi32> to vector<16xi32>
        %gather3A_344 = tpu.dynamic_gather %select_n3A_341[%gather3A_343] in [0] : vector<16xf32>, vector<16xi32> -> vector<16xf32>
        %add3A_345 = arith.addf %select_n3A_340, %gather3A_344 : vector<16xf32>
        %select_n3A_346 = arith.select %ne3A_328, %scan3A_323#7, %scan3A_323#6 : vector<16xi1>, vector<16xf32>
        %select_n3A_347 = arith.select %ne3A_328, %scan3A_323#6, %scan3A_323#7 : vector<16xi1>, vector<16xf32>
        %broadcast_in_dim3A_348 = vector.shape_cast %xor3A_330 : vector<16xi32> to vector<16x1xi32>
        %gather3A_349 = vector.shape_cast %broadcast_in_dim3A_348 : vector<16x1xi32> to vector<16xi32>
        %gather3A_350 = tpu.dynamic_gather %select_n3A_347[%gather3A_349] in [0] : vector<16xf32>, vector<16xi32> -> vector<16xf32>
        %add3A_351 = arith.addf %select_n3A_346, %gather3A_350 : vector<16xf32>
        %select_n3A_352 = arith.select %ne3A_328, %scan3A_323#9, %scan3A_323#8 : vector<16xi1>, vector<16xf32>
        %select_n3A_353 = arith.select %ne3A_328, %scan3A_323#8, %scan3A_323#9 : vector<16xi1>, vector<16xf32>
        %broadcast_in_dim3A_354 = vector.shape_cast %xor3A_330 : vector<16xi32> to vector<16x1xi32>
        %gather3A_355 = vector.shape_cast %broadcast_in_dim3A_354 : vector<16x1xi32> to vector<16xi32>
        %gather3A_356 = tpu.dynamic_gather %select_n3A_353[%gather3A_355] in [0] : vector<16xf32>, vector<16xi32> -> vector<16xf32>
        %add3A_357 = arith.addf %select_n3A_352, %gather3A_356 : vector<16xf32>
        %select_n3A_358 = arith.select %ne3A_328, %scan3A_323#11, %scan3A_323#10 : vector<16xi1>, vector<16xf32>
        %select_n3A_359 = arith.select %ne3A_328, %scan3A_323#10, %scan3A_323#11 : vector<16xi1>, vector<16xf32>
        %broadcast_in_dim3A_360 = vector.shape_cast %xor3A_330 : vector<16xi32> to vector<16x1xi32>
        %gather3A_361 = vector.shape_cast %broadcast_in_dim3A_360 : vector<16x1xi32> to vector<16xi32>
        %gather3A_362 = tpu.dynamic_gather %select_n3A_359[%gather3A_361] in [0] : vector<16xf32>, vector<16xi32> -> vector<16xf32>
        %add3A_363 = arith.addf %select_n3A_358, %gather3A_362 : vector<16xf32>
        %select_n3A_364 = arith.select %ne3A_328, %scan3A_323#13, %scan3A_323#12 : vector<16xi1>, vector<16xf32>
        %select_n3A_365 = arith.select %ne3A_328, %scan3A_323#12, %scan3A_323#13 : vector<16xi1>, vector<16xf32>
        %broadcast_in_dim3A_366 = vector.shape_cast %xor3A_330 : vector<16xi32> to vector<16x1xi32>
        %gather3A_367 = vector.shape_cast %broadcast_in_dim3A_366 : vector<16x1xi32> to vector<16xi32>
        %gather3A_368 = tpu.dynamic_gather %select_n3A_365[%gather3A_367] in [0] : vector<16xf32>, vector<16xi32> -> vector<16xf32>
        %add3A_369 = arith.addf %select_n3A_364, %gather3A_368 : vector<16xf32>
        %select_n3A_370 = arith.select %ne3A_328, %scan3A_323#15, %scan3A_323#14 : vector<16xi1>, vector<16xf32>
        %select_n3A_371 = arith.select %ne3A_328, %scan3A_323#14, %scan3A_323#15 : vector<16xi1>, vector<16xf32>
        %broadcast_in_dim3A_372 = vector.shape_cast %xor3A_330 : vector<16xi32> to vector<16x1xi32>
        %gather3A_373 = vector.shape_cast %broadcast_in_dim3A_372 : vector<16x1xi32> to vector<16xi32>
        %gather3A_374 = tpu.dynamic_gather %select_n3A_371[%gather3A_373] in [0] : vector<16xf32>, vector<16xi32> -> vector<16xf32>
        %add3A_375 = arith.addf %select_n3A_370, %gather3A_374 : vector<16xf32>
        %and3A_376 = arith.constant 2 : i32
        %and3A_377 = vector.broadcast %and3A_376 : i32 to vector<16xi32>
        %and3A_378 = arith.andi %iota3A, %and3A_377 : vector<16xi32>
        %ne3A_379 = arith.constant 0 : i32
        %ne3A_380 = vector.broadcast %ne3A_379 : i32 to vector<16xi32>
        %ne3A_381 = arith.cmpi ne, %and3A_378, %ne3A_380 : vector<16xi32>
        %xor3A_382 = arith.constant 2 : i32
        %xor3A_383 = vector.broadcast %xor3A_382 : i32 to vector<16xi32>
        %xor3A_384 = arith.xori %iota3A, %xor3A_383 : vector<16xi32>
        %select_n3A_385 = arith.select %ne3A_381, %add3A_339, %add3A_333 : vector<16xi1>, vector<16xf32>
        %select_n3A_386 = arith.select %ne3A_381, %add3A_333, %add3A_339 : vector<16xi1>, vector<16xf32>
        %broadcast_in_dim3A_387 = vector.shape_cast %xor3A_384 : vector<16xi32> to vector<16x1xi32>
        %gather3A_388 = vector.shape_cast %broadcast_in_dim3A_387 : vector<16x1xi32> to vector<16xi32>
        %gather3A_389 = tpu.dynamic_gather %select_n3A_386[%gather3A_388] in [0] : vector<16xf32>, vector<16xi32> -> vector<16xf32>
        %add3A_390 = arith.addf %select_n3A_385, %gather3A_389 : vector<16xf32>
        %select_n3A_391 = arith.select %ne3A_381, %add3A_351, %add3A_345 : vector<16xi1>, vector<16xf32>
        %select_n3A_392 = arith.select %ne3A_381, %add3A_345, %add3A_351 : vector<16xi1>, vector<16xf32>
        %broadcast_in_dim3A_393 = vector.shape_cast %xor3A_384 : vector<16xi32> to vector<16x1xi32>
        %gather3A_394 = vector.shape_cast %broadcast_in_dim3A_393 : vector<16x1xi32> to vector<16xi32>
        %gather3A_395 = tpu.dynamic_gather %select_n3A_392[%gather3A_394] in [0] : vector<16xf32>, vector<16xi32> -> vector<16xf32>
        %add3A_396 = arith.addf %select_n3A_391, %gather3A_395 : vector<16xf32>
        %select_n3A_397 = arith.select %ne3A_381, %add3A_363, %add3A_357 : vector<16xi1>, vector<16xf32>
        %select_n3A_398 = arith.select %ne3A_381, %add3A_357, %add3A_363 : vector<16xi1>, vector<16xf32>
        %broadcast_in_dim3A_399 = vector.shape_cast %xor3A_384 : vector<16xi32> to vector<16x1xi32>
        %gather3A_400 = vector.shape_cast %broadcast_in_dim3A_399 : vector<16x1xi32> to vector<16xi32>
        %gather3A_401 = tpu.dynamic_gather %select_n3A_398[%gather3A_400] in [0] : vector<16xf32>, vector<16xi32> -> vector<16xf32>
        %add3A_402 = arith.addf %select_n3A_397, %gather3A_401 : vector<16xf32>
        %select_n3A_403 = arith.select %ne3A_381, %add3A_375, %add3A_369 : vector<16xi1>, vector<16xf32>
        %select_n3A_404 = arith.select %ne3A_381, %add3A_369, %add3A_375 : vector<16xi1>, vector<16xf32>
        %broadcast_in_dim3A_405 = vector.shape_cast %xor3A_384 : vector<16xi32> to vector<16x1xi32>
        %gather3A_406 = vector.shape_cast %broadcast_in_dim3A_405 : vector<16x1xi32> to vector<16xi32>
        %gather3A_407 = tpu.dynamic_gather %select_n3A_404[%gather3A_406] in [0] : vector<16xf32>, vector<16xi32> -> vector<16xf32>
        %add3A_408 = arith.addf %select_n3A_403, %gather3A_407 : vector<16xf32>
        %and3A_409 = arith.constant 4 : i32
        %and3A_410 = vector.broadcast %and3A_409 : i32 to vector<16xi32>
        %and3A_411 = arith.andi %iota3A, %and3A_410 : vector<16xi32>
        %ne3A_412 = arith.constant 0 : i32
        %ne3A_413 = vector.broadcast %ne3A_412 : i32 to vector<16xi32>
        %ne3A_414 = arith.cmpi ne, %and3A_411, %ne3A_413 : vector<16xi32>
        %xor3A_415 = arith.constant 4 : i32
        %xor3A_416 = vector.broadcast %xor3A_415 : i32 to vector<16xi32>
        %xor3A_417 = arith.xori %iota3A, %xor3A_416 : vector<16xi32>
        %select_n3A_418 = arith.select %ne3A_414, %add3A_396, %add3A_390 : vector<16xi1>, vector<16xf32>
        %select_n3A_419 = arith.select %ne3A_414, %add3A_390, %add3A_396 : vector<16xi1>, vector<16xf32>
        %broadcast_in_dim3A_420 = vector.shape_cast %xor3A_417 : vector<16xi32> to vector<16x1xi32>
        %gather3A_421 = vector.shape_cast %broadcast_in_dim3A_420 : vector<16x1xi32> to vector<16xi32>
        %gather3A_422 = tpu.dynamic_gather %select_n3A_419[%gather3A_421] in [0] : vector<16xf32>, vector<16xi32> -> vector<16xf32>
        %add3A_423 = arith.addf %select_n3A_418, %gather3A_422 : vector<16xf32>
        %select_n3A_424 = arith.select %ne3A_414, %add3A_408, %add3A_402 : vector<16xi1>, vector<16xf32>
        %select_n3A_425 = arith.select %ne3A_414, %add3A_402, %add3A_408 : vector<16xi1>, vector<16xf32>
        %broadcast_in_dim3A_426 = vector.shape_cast %xor3A_417 : vector<16xi32> to vector<16x1xi32>
        %gather3A_427 = vector.shape_cast %broadcast_in_dim3A_426 : vector<16x1xi32> to vector<16xi32>
        %gather3A_428 = tpu.dynamic_gather %select_n3A_425[%gather3A_427] in [0] : vector<16xf32>, vector<16xi32> -> vector<16xf32>
        %add3A_429 = arith.addf %select_n3A_424, %gather3A_428 : vector<16xf32>
        %and3A_430 = arith.constant 8 : i32
        %and3A_431 = vector.broadcast %and3A_430 : i32 to vector<16xi32>
        %and3A_432 = arith.andi %iota3A, %and3A_431 : vector<16xi32>
        %ne3A_433 = arith.constant 0 : i32
        %ne3A_434 = vector.broadcast %ne3A_433 : i32 to vector<16xi32>
        %ne3A_435 = arith.cmpi ne, %and3A_432, %ne3A_434 : vector<16xi32>
        %xor3A_436 = arith.constant 8 : i32
        %xor3A_437 = vector.broadcast %xor3A_436 : i32 to vector<16xi32>
        %xor3A_438 = arith.xori %iota3A, %xor3A_437 : vector<16xi32>
        %select_n3A_439 = arith.select %ne3A_435, %add3A_429, %add3A_423 : vector<16xi1>, vector<16xf32>
        %select_n3A_440 = arith.select %ne3A_435, %add3A_423, %add3A_429 : vector<16xi1>, vector<16xf32>
        %broadcast_in_dim3A_441 = vector.shape_cast %xor3A_438 : vector<16xi32> to vector<16x1xi32>
        %gather3A_442 = vector.shape_cast %broadcast_in_dim3A_441 : vector<16x1xi32> to vector<16xi32>
        %gather3A_443 = tpu.dynamic_gather %select_n3A_440[%gather3A_442] in [0] : vector<16xf32>, vector<16xi32> -> vector<16xf32>
        %add3A_444 = arith.addf %select_n3A_439, %gather3A_443 : vector<16xf32>
        %add3A_445 = arith.addf %add3A_444, %get3A_4 : vector<16xf32>
        %add3A_446 = arith.addi %mul3A_82, %mul3A_91 : i32
        %swap3A = arith.index_cast %add3A_446 : i32 to index
        %swap3A_447 = tpu.vector_load %arg10[%swap3A] {strides = array<i32>} : memref<10000xf32, #tpu.memory_space<vmem>>, vector<16xf32>,
        %swap3A_448 = vector.shape_cast %swap3A_447 : vector<16xf32> to vector<16xf32>
        %swap3A_449 = vector.shape_cast %add3A_445 : vector<16xf32> to vector<16xf32>
        tpu.vector_store %arg10[%swap3A], %swap3A_449 {strides = array<i32>} : memref<10000xf32, #tpu.memory_space<vmem>>, vector<16xf32>,
      }
      %scan3A_88 = arith.constant 5 : i32
    }
    %scan3A_18 = arith.constant 62 : i32
    %dma_wait3A = arith.constant 9920 : i32
    %dma_wait3A_19 = tpu.memref_slice %arg8[%dma_wait3A] : memref<10000xi32, #tpu.memory_space<vmem>> -> memref<80xi32, #tpu.memory_space<vmem>>
    %dma_wait3A_20 = arith.constant 0 : i32
    %dma_wait3A_21 = arith.constant 0 : i32
    %dma_wait3A_22 = tpu.memref_slice %arg2[%dma_wait3A_20, %dma_wait3A_21] : memref<10000x128xf32, #tpu.memory_space<hbm>> -> memref<10000x128xf32, #tpu.memory_space<hbm>>
    tpu.wait_indirect_dma semaphore(%arg15 : memref<!tpu.dma_semaphore, #tpu.memory_space<semaphore_mem>>) src(%dma_wait3A_22 : memref<10000x128xf32, #tpu.memory_space<hbm>>) dst(%arg11 : memref<80x128xf32, #tpu.memory_space<vmem>>)
    %dma_wait3A_23 = arith.constant 9920 : i32
    %dma_wait3A_24 = tpu.memref_slice %arg9[%dma_wait3A_23] : memref<10000xi32, #tpu.memory_space<vmem>> -> memref<80xi32, #tpu.memory_space<vmem>>
    %dma_wait3A_25 = arith.constant 0 : i32
    %dma_wait3A_26 = arith.constant 0 : i32
    %dma_wait3A_27 = tpu.memref_slice %arg2[%dma_wait3A_25, %dma_wait3A_26] : memref<10000x128xf32, #tpu.memory_space<hbm>> -> memref<10000x128xf32, #tpu.memory_space<hbm>>
    tpu.wait_indirect_dma semaphore(%arg15 : memref<!tpu.dma_semaphore, #tpu.memory_space<semaphore_mem>>) src(%dma_wait3A_27 : memref<10000x128xf32, #tpu.memory_space<hbm>>) dst(%arg12 : memref<80x128xf32, #tpu.memory_space<vmem>>)
    %scan3A_28 = arith.constant 0 : i32
    %scan3A_29 = arith.constant 0 : i32
    %scan3A_30 = arith.constant 5 : i32
    %scan3A_31 = arith.addi %scan3A_29, %scan3A_30 : i32
    %scan3A_32 = arith.constant 1 : i32
    scf.for %scan3A_34 = %scan3A_29 to %scan3A_31 step %scan3A_32  : i32 {
      %mul3A_35 = arith.constant 16 : i32
      %mul3A_36 = arith.muli %scan3A_34, %mul3A_35 : i32
      %get3A_37 = arith.constant 0 : index
      %get3A_38 = tpu.vector_load %arg7[%get3A_37] {strides = array<i32>} : memref<144xf32, #tpu.memory_space<vmem>>, vector<16xf32>,
      %get3A_39 = vector.shape_cast %get3A_38 : vector<16xf32> to vector<16xf32>
      %add3A_40 = arith.constant 0 : i32
      %add3A_41 = arith.addi %mul3A_36, %add3A_40 : i32
      %get3A_42 = arith.index_cast %add3A_41 : i32 to index
      %get3A_43 = arith.constant 0 : index
      %get3A_44 = tpu.vector_load %arg11[%get3A_42, %get3A_43] {strides = array<i32>} : memref<80x128xf32, #tpu.memory_space<vmem>>, vector<1x16xf32>,
      %get3A_45 = vector.shape_cast %get3A_44 : vector<1x16xf32> to vector<16xf32>
      %add3A_46 = arith.constant 0 : i32
      %add3A_47 = arith.addi %mul3A_36, %add3A_46 : i32
      %get3A_48 = arith.index_cast %add3A_47 : i32 to index
      %get3A_49 = arith.constant 0 : index
      %get3A_50 = tpu.vector_load %arg12[%get3A_48, %get3A_49] {strides = array<i32>} : memref<80x128xf32, #tpu.memory_space<vmem>>, vector<1x16xf32>,
      %get3A_51 = vector.shape_cast %get3A_50 : vector<1x16xf32> to vector<16xf32>
      %mul3A_52 = arith.mulf %get3A_45, %get3A_51 : vector<16xf32>
      %mul3A_53 = arith.mulf %mul3A_52, %get3A_39 : vector<16xf32>
      %add3A_54 = arith.constant 1 : i32
      %add3A_55 = arith.addi %mul3A_36, %add3A_54 : i32
      %get3A_56 = arith.index_cast %add3A_55 : i32 to index
      %get3A_57 = arith.constant 0 : index
      %get3A_58 = tpu.vector_load %arg11[%get3A_56, %get3A_57] {strides = array<i32>} : memref<80x128xf32, #tpu.memory_space<vmem>>, vector<1x16xf32>,
      %get3A_59 = vector.shape_cast %get3A_58 : vector<1x16xf32> to vector<16xf32>
      %add3A_60 = arith.constant 1 : i32
      %add3A_61 = arith.addi %mul3A_36, %add3A_60 : i32
      %get3A_62 = arith.index_cast %add3A_61 : i32 to index
      %get3A_63 = arith.constant 0 : index
      %get3A_64 = tpu.vector_load %arg12[%get3A_62, %get3A_63] {strides = array<i32>} : memref<80x128xf32, #tpu.memory_space<vmem>>, vector<1x16xf32>,
      %get3A_65 = vector.shape_cast %get3A_64 : vector<1x16xf32> to vector<16xf32>
      %mul3A_66 = arith.mulf %get3A_59, %get3A_65 : vector<16xf32>
      %mul3A_67 = arith.mulf %mul3A_66, %get3A_39 : vector<16xf32>
      %add3A_68 = arith.constant 2 : i32
      %add3A_69 = arith.addi %mul3A_36, %add3A_68 : i32
      %get3A_70 = arith.index_cast %add3A_69 : i32 to index
      %get3A_71 = arith.constant 0 : index
      %get3A_72 = tpu.vector_load %arg11[%get3A_70, %get3A_71] {strides = array<i32>} : memref<80x128xf32, #tpu.memory_space<vmem>>, vector<1x16xf32>,
      %get3A_73 = vector.shape_cast %get3A_72 : vector<1x16xf32> to vector<16xf32>
      %add3A_74 = arith.constant 2 : i32
      %add3A_75 = arith.addi %mul3A_36, %add3A_74 : i32
      %get3A_76 = arith.index_cast %add3A_75 : i32 to index
      %get3A_77 = arith.constant 0 : index
      %get3A_78 = tpu.vector_load %arg12[%get3A_76, %get3A_77] {strides = array<i32>} : memref<80x128xf32, #tpu.memory_space<vmem>>, vector<1x16xf32>,
      %get3A_79 = vector.shape_cast %get3A_78 : vector<1x16xf32> to vector<16xf32>
      %mul3A_80 = arith.mulf %get3A_73, %get3A_79 : vector<16xf32>
      %mul3A_81 = arith.mulf %mul3A_80, %get3A_39 : vector<16xf32>
      %add3A_82 = arith.constant 3 : i32
      %add3A_83 = arith.addi %mul3A_36, %add3A_82 : i32
      %get3A_84 = arith.index_cast %add3A_83 : i32 to index
      %get3A_85 = arith.constant 0 : index
      %get3A_86 = tpu.vector_load %arg11[%get3A_84, %get3A_85] {strides = array<i32>} : memref<80x128xf32, #tpu.memory_space<vmem>>, vector<1x16xf32>,
      %get3A_87 = vector.shape_cast %get3A_86 : vector<1x16xf32> to vector<16xf32>
      %add3A_88 = arith.constant 3 : i32
      %add3A_89 = arith.addi %mul3A_36, %add3A_88 : i32
      %get3A_90 = arith.index_cast %add3A_89 : i32 to index
      %get3A_91 = arith.constant 0 : index
      %get3A_92 = tpu.vector_load %arg12[%get3A_90, %get3A_91] {strides = array<i32>} : memref<80x128xf32, #tpu.memory_space<vmem>>, vector<1x16xf32>,
      %get3A_93 = vector.shape_cast %get3A_92 : vector<1x16xf32> to vector<16xf32>
      %mul3A_94 = arith.mulf %get3A_87, %get3A_93 : vector<16xf32>
      %mul3A_95 = arith.mulf %mul3A_94, %get3A_39 : vector<16xf32>
      %add3A_96 = arith.constant 4 : i32
      %add3A_97 = arith.addi %mul3A_36, %add3A_96 : i32
      %get3A_98 = arith.index_cast %add3A_97 : i32 to index
      %get3A_99 = arith.constant 0 : index
      %get3A_100 = tpu.vector_load %arg11[%get3A_98, %get3A_99] {strides = array<i32>} : memref<80x128xf32, #tpu.memory_space<vmem>>, vector<1x16xf32>,
      %get3A_101 = vector.shape_cast %get3A_100 : vector<1x16xf32> to vector<16xf32>
      %add3A_102 = arith.constant 4 : i32
      %add3A_103 = arith.addi %mul3A_36, %add3A_102 : i32
      %get3A_104 = arith.index_cast %add3A_103 : i32 to index
      %get3A_105 = arith.constant 0 : index
      %get3A_106 = tpu.vector_load %arg12[%get3A_104, %get3A_105] {strides = array<i32>} : memref<80x128xf32, #tpu.memory_space<vmem>>, vector<1x16xf32>,
      %get3A_107 = vector.shape_cast %get3A_106 : vector<1x16xf32> to vector<16xf32>
      %mul3A_108 = arith.mulf %get3A_101, %get3A_107 : vector<16xf32>
      %mul3A_109 = arith.mulf %mul3A_108, %get3A_39 : vector<16xf32>
      %add3A_110 = arith.constant 5 : i32
      %add3A_111 = arith.addi %mul3A_36, %add3A_110 : i32
      %get3A_112 = arith.index_cast %add3A_111 : i32 to index
      %get3A_113 = arith.constant 0 : index
      %get3A_114 = tpu.vector_load %arg11[%get3A_112, %get3A_113] {strides = array<i32>} : memref<80x128xf32, #tpu.memory_space<vmem>>, vector<1x16xf32>,
      %get3A_115 = vector.shape_cast %get3A_114 : vector<1x16xf32> to vector<16xf32>
      %add3A_116 = arith.constant 5 : i32
      %add3A_117 = arith.addi %mul3A_36, %add3A_116 : i32
      %get3A_118 = arith.index_cast %add3A_117 : i32 to index
      %get3A_119 = arith.constant 0 : index
      %get3A_120 = tpu.vector_load %arg12[%get3A_118, %get3A_119] {strides = array<i32>} : memref<80x128xf32, #tpu.memory_space<vmem>>, vector<1x16xf32>,
      %get3A_121 = vector.shape_cast %get3A_120 : vector<1x16xf32> to vector<16xf32>
      %mul3A_122 = arith.mulf %get3A_115, %get3A_121 : vector<16xf32>
      %mul3A_123 = arith.mulf %mul3A_122, %get3A_39 : vector<16xf32>
      %add3A_124 = arith.constant 6 : i32
      %add3A_125 = arith.addi %mul3A_36, %add3A_124 : i32
      %get3A_126 = arith.index_cast %add3A_125 : i32 to index
      %get3A_127 = arith.constant 0 : index
      %get3A_128 = tpu.vector_load %arg11[%get3A_126, %get3A_127] {strides = array<i32>} : memref<80x128xf32, #tpu.memory_space<vmem>>, vector<1x16xf32>,
      %get3A_129 = vector.shape_cast %get3A_128 : vector<1x16xf32> to vector<16xf32>
      %add3A_130 = arith.constant 6 : i32
      %add3A_131 = arith.addi %mul3A_36, %add3A_130 : i32
      %get3A_132 = arith.index_cast %add3A_131 : i32 to index
      %get3A_133 = arith.constant 0 : index
      %get3A_134 = tpu.vector_load %arg12[%get3A_132, %get3A_133] {strides = array<i32>} : memref<80x128xf32, #tpu.memory_space<vmem>>, vector<1x16xf32>,
      %get3A_135 = vector.shape_cast %get3A_134 : vector<1x16xf32> to vector<16xf32>
      %mul3A_136 = arith.mulf %get3A_129, %get3A_135 : vector<16xf32>
      %mul3A_137 = arith.mulf %mul3A_136, %get3A_39 : vector<16xf32>
      %add3A_138 = arith.constant 7 : i32
      %add3A_139 = arith.addi %mul3A_36, %add3A_138 : i32
      %get3A_140 = arith.index_cast %add3A_139 : i32 to index
      %get3A_141 = arith.constant 0 : index
      %get3A_142 = tpu.vector_load %arg11[%get3A_140, %get3A_141] {strides = array<i32>} : memref<80x128xf32, #tpu.memory_space<vmem>>, vector<1x16xf32>,
      %get3A_143 = vector.shape_cast %get3A_142 : vector<1x16xf32> to vector<16xf32>
      %add3A_144 = arith.constant 7 : i32
      %add3A_145 = arith.addi %mul3A_36, %add3A_144 : i32
      %get3A_146 = arith.index_cast %add3A_145 : i32 to index
      %get3A_147 = arith.constant 0 : index
      %get3A_148 = tpu.vector_load %arg12[%get3A_146, %get3A_147] {strides = array<i32>} : memref<80x128xf32, #tpu.memory_space<vmem>>, vector<1x16xf32>,
      %get3A_149 = vector.shape_cast %get3A_148 : vector<1x16xf32> to vector<16xf32>
      %mul3A_150 = arith.mulf %get3A_143, %get3A_149 : vector<16xf32>
      %mul3A_151 = arith.mulf %mul3A_150, %get3A_39 : vector<16xf32>
      %add3A_152 = arith.constant 8 : i32
      %add3A_153 = arith.addi %mul3A_36, %add3A_152 : i32
      %get3A_154 = arith.index_cast %add3A_153 : i32 to index
      %get3A_155 = arith.constant 0 : index
      %get3A_156 = tpu.vector_load %arg11[%get3A_154, %get3A_155] {strides = array<i32>} : memref<80x128xf32, #tpu.memory_space<vmem>>, vector<1x16xf32>,
      %get3A_157 = vector.shape_cast %get3A_156 : vector<1x16xf32> to vector<16xf32>
      %add3A_158 = arith.constant 8 : i32
      %add3A_159 = arith.addi %mul3A_36, %add3A_158 : i32
      %get3A_160 = arith.index_cast %add3A_159 : i32 to index
      %get3A_161 = arith.constant 0 : index
      %get3A_162 = tpu.vector_load %arg12[%get3A_160, %get3A_161] {strides = array<i32>} : memref<80x128xf32, #tpu.memory_space<vmem>>, vector<1x16xf32>,
      %get3A_163 = vector.shape_cast %get3A_162 : vector<1x16xf32> to vector<16xf32>
      %mul3A_164 = arith.mulf %get3A_157, %get3A_163 : vector<16xf32>
      %mul3A_165 = arith.mulf %mul3A_164, %get3A_39 : vector<16xf32>
      %add3A_166 = arith.constant 9 : i32
      %add3A_167 = arith.addi %mul3A_36, %add3A_166 : i32
      %get3A_168 = arith.index_cast %add3A_167 : i32 to index
      %get3A_169 = arith.constant 0 : index
      %get3A_170 = tpu.vector_load %arg11[%get3A_168, %get3A_169] {strides = array<i32>} : memref<80x128xf32, #tpu.memory_space<vmem>>, vector<1x16xf32>,
      %get3A_171 = vector.shape_cast %get3A_170 : vector<1x16xf32> to vector<16xf32>
      %add3A_172 = arith.constant 9 : i32
      %add3A_173 = arith.addi %mul3A_36, %add3A_172 : i32
      %get3A_174 = arith.index_cast %add3A_173 : i32 to index
      %get3A_175 = arith.constant 0 : index
      %get3A_176 = tpu.vector_load %arg12[%get3A_174, %get3A_175] {strides = array<i32>} : memref<80x128xf32, #tpu.memory_space<vmem>>, vector<1x16xf32>,
      %get3A_177 = vector.shape_cast %get3A_176 : vector<1x16xf32> to vector<16xf32>
      %mul3A_178 = arith.mulf %get3A_171, %get3A_177 : vector<16xf32>
      %mul3A_179 = arith.mulf %mul3A_178, %get3A_39 : vector<16xf32>
      %add3A_180 = arith.constant 10 : i32
      %add3A_181 = arith.addi %mul3A_36, %add3A_180 : i32
      %get3A_182 = arith.index_cast %add3A_181 : i32 to index
      %get3A_183 = arith.constant 0 : index
      %get3A_184 = tpu.vector_load %arg11[%get3A_182, %get3A_183] {strides = array<i32>} : memref<80x128xf32, #tpu.memory_space<vmem>>, vector<1x16xf32>,
      %get3A_185 = vector.shape_cast %get3A_184 : vector<1x16xf32> to vector<16xf32>
      %add3A_186 = arith.constant 10 : i32
      %add3A_187 = arith.addi %mul3A_36, %add3A_186 : i32
      %get3A_188 = arith.index_cast %add3A_187 : i32 to index
      %get3A_189 = arith.constant 0 : index
      %get3A_190 = tpu.vector_load %arg12[%get3A_188, %get3A_189] {strides = array<i32>} : memref<80x128xf32, #tpu.memory_space<vmem>>, vector<1x16xf32>,
      %get3A_191 = vector.shape_cast %get3A_190 : vector<1x16xf32> to vector<16xf32>
      %mul3A_192 = arith.mulf %get3A_185, %get3A_191 : vector<16xf32>
      %mul3A_193 = arith.mulf %mul3A_192, %get3A_39 : vector<16xf32>
      %add3A_194 = arith.constant 11 : i32
      %add3A_195 = arith.addi %mul3A_36, %add3A_194 : i32
      %get3A_196 = arith.index_cast %add3A_195 : i32 to index
      %get3A_197 = arith.constant 0 : index
      %get3A_198 = tpu.vector_load %arg11[%get3A_196, %get3A_197] {strides = array<i32>} : memref<80x128xf32, #tpu.memory_space<vmem>>, vector<1x16xf32>,
      %get3A_199 = vector.shape_cast %get3A_198 : vector<1x16xf32> to vector<16xf32>
      %add3A_200 = arith.constant 11 : i32
      %add3A_201 = arith.addi %mul3A_36, %add3A_200 : i32
      %get3A_202 = arith.index_cast %add3A_201 : i32 to index
      %get3A_203 = arith.constant 0 : index
      %get3A_204 = tpu.vector_load %arg12[%get3A_202, %get3A_203] {strides = array<i32>} : memref<80x128xf32, #tpu.memory_space<vmem>>, vector<1x16xf32>,
      %get3A_205 = vector.shape_cast %get3A_204 : vector<1x16xf32> to vector<16xf32>
      %mul3A_206 = arith.mulf %get3A_199, %get3A_205 : vector<16xf32>
      %mul3A_207 = arith.mulf %mul3A_206, %get3A_39 : vector<16xf32>
      %add3A_208 = arith.constant 12 : i32
      %add3A_209 = arith.addi %mul3A_36, %add3A_208 : i32
      %get3A_210 = arith.index_cast %add3A_209 : i32 to index
      %get3A_211 = arith.constant 0 : index
      %get3A_212 = tpu.vector_load %arg11[%get3A_210, %get3A_211] {strides = array<i32>} : memref<80x128xf32, #tpu.memory_space<vmem>>, vector<1x16xf32>,
      %get3A_213 = vector.shape_cast %get3A_212 : vector<1x16xf32> to vector<16xf32>
      %add3A_214 = arith.constant 12 : i32
      %add3A_215 = arith.addi %mul3A_36, %add3A_214 : i32
      %get3A_216 = arith.index_cast %add3A_215 : i32 to index
      %get3A_217 = arith.constant 0 : index
      %get3A_218 = tpu.vector_load %arg12[%get3A_216, %get3A_217] {strides = array<i32>} : memref<80x128xf32, #tpu.memory_space<vmem>>, vector<1x16xf32>,
      %get3A_219 = vector.shape_cast %get3A_218 : vector<1x16xf32> to vector<16xf32>
      %mul3A_220 = arith.mulf %get3A_213, %get3A_219 : vector<16xf32>
      %mul3A_221 = arith.mulf %mul3A_220, %get3A_39 : vector<16xf32>
      %add3A_222 = arith.constant 13 : i32
      %add3A_223 = arith.addi %mul3A_36, %add3A_222 : i32
      %get3A_224 = arith.index_cast %add3A_223 : i32 to index
      %get3A_225 = arith.constant 0 : index
      %get3A_226 = tpu.vector_load %arg11[%get3A_224, %get3A_225] {strides = array<i32>} : memref<80x128xf32, #tpu.memory_space<vmem>>, vector<1x16xf32>,
      %get3A_227 = vector.shape_cast %get3A_226 : vector<1x16xf32> to vector<16xf32>
      %add3A_228 = arith.constant 13 : i32
      %add3A_229 = arith.addi %mul3A_36, %add3A_228 : i32
      %get3A_230 = arith.index_cast %add3A_229 : i32 to index
      %get3A_231 = arith.constant 0 : index
      %get3A_232 = tpu.vector_load %arg12[%get3A_230, %get3A_231] {strides = array<i32>} : memref<80x128xf32, #tpu.memory_space<vmem>>, vector<1x16xf32>,
      %get3A_233 = vector.shape_cast %get3A_232 : vector<1x16xf32> to vector<16xf32>
      %mul3A_234 = arith.mulf %get3A_227, %get3A_233 : vector<16xf32>
      %mul3A_235 = arith.mulf %mul3A_234, %get3A_39 : vector<16xf32>
      %add3A_236 = arith.constant 14 : i32
      %add3A_237 = arith.addi %mul3A_36, %add3A_236 : i32
      %get3A_238 = arith.index_cast %add3A_237 : i32 to index
      %get3A_239 = arith.constant 0 : index
      %get3A_240 = tpu.vector_load %arg11[%get3A_238, %get3A_239] {strides = array<i32>} : memref<80x128xf32, #tpu.memory_space<vmem>>, vector<1x16xf32>,
      %get3A_241 = vector.shape_cast %get3A_240 : vector<1x16xf32> to vector<16xf32>
      %add3A_242 = arith.constant 14 : i32
      %add3A_243 = arith.addi %mul3A_36, %add3A_242 : i32
      %get3A_244 = arith.index_cast %add3A_243 : i32 to index
      %get3A_245 = arith.constant 0 : index
      %get3A_246 = tpu.vector_load %arg12[%get3A_244, %get3A_245] {strides = array<i32>} : memref<80x128xf32, #tpu.memory_space<vmem>>, vector<1x16xf32>,
      %get3A_247 = vector.shape_cast %get3A_246 : vector<1x16xf32> to vector<16xf32>
      %mul3A_248 = arith.mulf %get3A_241, %get3A_247 : vector<16xf32>
      %mul3A_249 = arith.mulf %mul3A_248, %get3A_39 : vector<16xf32>
      %add3A_250 = arith.constant 15 : i32
      %add3A_251 = arith.addi %mul3A_36, %add3A_250 : i32
      %get3A_252 = arith.index_cast %add3A_251 : i32 to index
      %get3A_253 = arith.constant 0 : index
      %get3A_254 = tpu.vector_load %arg11[%get3A_252, %get3A_253] {strides = array<i32>} : memref<80x128xf32, #tpu.memory_space<vmem>>, vector<1x16xf32>,
      %get3A_255 = vector.shape_cast %get3A_254 : vector<1x16xf32> to vector<16xf32>
      %add3A_256 = arith.constant 15 : i32
      %add3A_257 = arith.addi %mul3A_36, %add3A_256 : i32
      %get3A_258 = arith.index_cast %add3A_257 : i32 to index
      %get3A_259 = arith.constant 0 : index
      %get3A_260 = tpu.vector_load %arg12[%get3A_258, %get3A_259] {strides = array<i32>} : memref<80x128xf32, #tpu.memory_space<vmem>>, vector<1x16xf32>,
      %get3A_261 = vector.shape_cast %get3A_260 : vector<1x16xf32> to vector<16xf32>
      %mul3A_262 = arith.mulf %get3A_255, %get3A_261 : vector<16xf32>
      %mul3A_263 = arith.mulf %mul3A_262, %get3A_39 : vector<16xf32>
      %scan3A_264 = arith.constant 1 : i32
      %scan3A_265 = arith.constant 7 : i32
      %scan3A_266 = arith.addi %scan3A_264, %scan3A_265 : i32
      %scan3A_267 = arith.constant 1 : i32
      %scan3A_268:16 = scf.for %scan3A_396 = %scan3A_264 to %scan3A_266 step %scan3A_267 iter_args(%scan3A_397 = %mul3A_53, %scan3A_398 = %mul3A_67, %scan3A_399 = %mul3A_81, %scan3A_400 = %mul3A_95, %scan3A_401 = %mul3A_109, %scan3A_402 = %mul3A_123, %scan3A_403 = %mul3A_137, %scan3A_404 = %mul3A_151, %scan3A_405 = %mul3A_165, %scan3A_406 = %mul3A_179, %scan3A_407 = %mul3A_193, %scan3A_408 = %mul3A_207, %scan3A_409 = %mul3A_221, %scan3A_410 = %mul3A_235, %scan3A_411 = %mul3A_249, %scan3A_412 = %mul3A_263) -> (vector<16xf32>, vector<16xf32>, vector<16xf32>, vector<16xf32>, vector<16xf32>, vector<16xf32>, vector<16xf32>, vector<16xf32>, vector<16xf32>, vector<16xf32>, vector<16xf32>, vector<16xf32>, vector<16xf32>, vector<16xf32>, vector<16xf32>, vector<16xf32>)  : i32 {
        %mul3A_413 = arith.constant 16 : i32
        %mul3A_414 = arith.muli %scan3A_396, %mul3A_413 : i32
        %get3A_415 = arith.index_cast %mul3A_414 : i32 to index
        %get3A_416 = tpu.vector_load %arg7[%get3A_415] {strides = array<i32>} : memref<144xf32, #tpu.memory_space<vmem>>, vector<16xf32>,
        %get3A_417 = vector.shape_cast %get3A_416 : vector<16xf32> to vector<16xf32>
        %add3A_418 = arith.constant 0 : i32
        %add3A_419 = arith.addi %mul3A_36, %add3A_418 : i32
        %get3A_420 = arith.index_cast %add3A_419 : i32 to index
        %get3A_421 = arith.index_cast %mul3A_414 : i32 to index
        %get3A_422 = tpu.vector_load %arg11[%get3A_420, %get3A_421] {strides = array<i32>} : memref<80x128xf32, #tpu.memory_space<vmem>>, vector<1x16xf32>,
        %get3A_423 = vector.shape_cast %get3A_422 : vector<1x16xf32> to vector<16xf32>
        %add3A_424 = arith.constant 0 : i32
        %add3A_425 = arith.addi %mul3A_36, %add3A_424 : i32
        %get3A_426 = arith.index_cast %add3A_425 : i32 to index
        %get3A_427 = arith.index_cast %mul3A_414 : i32 to index
        %get3A_428 = tpu.vector_load %arg12[%get3A_426, %get3A_427] {strides = array<i32>} : memref<80x128xf32, #tpu.memory_space<vmem>>, vector<1x16xf32>,
        %get3A_429 = vector.shape_cast %get3A_428 : vector<1x16xf32> to vector<16xf32>
        %mul3A_430 = arith.mulf %get3A_423, %get3A_429 : vector<16xf32>
        %mul3A_431 = arith.mulf %mul3A_430, %get3A_417 : vector<16xf32>
        %add3A_432 = arith.addf %scan3A_397, %mul3A_431 : vector<16xf32>
        %add3A_433 = arith.constant 1 : i32
        %add3A_434 = arith.addi %mul3A_36, %add3A_433 : i32
        %get3A_435 = arith.index_cast %add3A_434 : i32 to index
        %get3A_436 = arith.index_cast %mul3A_414 : i32 to index
        %get3A_437 = tpu.vector_load %arg11[%get3A_435, %get3A_436] {strides = array<i32>} : memref<80x128xf32, #tpu.memory_space<vmem>>, vector<1x16xf32>,
        %get3A_438 = vector.shape_cast %get3A_437 : vector<1x16xf32> to vector<16xf32>
        %add3A_439 = arith.constant 1 : i32
        %add3A_440 = arith.addi %mul3A_36, %add3A_439 : i32
        %get3A_441 = arith.index_cast %add3A_440 : i32 to index
        %get3A_442 = arith.index_cast %mul3A_414 : i32 to index
        %get3A_443 = tpu.vector_load %arg12[%get3A_441, %get3A_442] {strides = array<i32>} : memref<80x128xf32, #tpu.memory_space<vmem>>, vector<1x16xf32>,
        %get3A_444 = vector.shape_cast %get3A_443 : vector<1x16xf32> to vector<16xf32>
        %mul3A_445 = arith.mulf %get3A_438, %get3A_444 : vector<16xf32>
        %mul3A_446 = arith.mulf %mul3A_445, %get3A_417 : vector<16xf32>
        %add3A_447 = arith.addf %scan3A_398, %mul3A_446 : vector<16xf32>
        %add3A_448 = arith.constant 2 : i32
        %add3A_449 = arith.addi %mul3A_36, %add3A_448 : i32
        %get3A_450 = arith.index_cast %add3A_449 : i32 to index
        %get3A_451 = arith.index_cast %mul3A_414 : i32 to index
        %get3A_452 = tpu.vector_load %arg11[%get3A_450, %get3A_451] {strides = array<i32>} : memref<80x128xf32, #tpu.memory_space<vmem>>, vector<1x16xf32>,
        %get3A_453 = vector.shape_cast %get3A_452 : vector<1x16xf32> to vector<16xf32>
        %add3A_454 = arith.constant 2 : i32
        %add3A_455 = arith.addi %mul3A_36, %add3A_454 : i32
        %get3A_456 = arith.index_cast %add3A_455 : i32 to index
        %get3A_457 = arith.index_cast %mul3A_414 : i32 to index
        %get3A_458 = tpu.vector_load %arg12[%get3A_456, %get3A_457] {strides = array<i32>} : memref<80x128xf32, #tpu.memory_space<vmem>>, vector<1x16xf32>,
        %get3A_459 = vector.shape_cast %get3A_458 : vector<1x16xf32> to vector<16xf32>
        %mul3A_460 = arith.mulf %get3A_453, %get3A_459 : vector<16xf32>
        %mul3A_461 = arith.mulf %mul3A_460, %get3A_417 : vector<16xf32>
        %add3A_462 = arith.addf %scan3A_399, %mul3A_461 : vector<16xf32>
        %add3A_463 = arith.constant 3 : i32
        %add3A_464 = arith.addi %mul3A_36, %add3A_463 : i32
        %get3A_465 = arith.index_cast %add3A_464 : i32 to index
        %get3A_466 = arith.index_cast %mul3A_414 : i32 to index
        %get3A_467 = tpu.vector_load %arg11[%get3A_465, %get3A_466] {strides = array<i32>} : memref<80x128xf32, #tpu.memory_space<vmem>>, vector<1x16xf32>,
        %get3A_468 = vector.shape_cast %get3A_467 : vector<1x16xf32> to vector<16xf32>
        %add3A_469 = arith.constant 3 : i32
        %add3A_470 = arith.addi %mul3A_36, %add3A_469 : i32
        %get3A_471 = arith.index_cast %add3A_470 : i32 to index
        %get3A_472 = arith.index_cast %mul3A_414 : i32 to index
        %get3A_473 = tpu.vector_load %arg12[%get3A_471, %get3A_472] {strides = array<i32>} : memref<80x128xf32, #tpu.memory_space<vmem>>, vector<1x16xf32>,
        %get3A_474 = vector.shape_cast %get3A_473 : vector<1x16xf32> to vector<16xf32>
        %mul3A_475 = arith.mulf %get3A_468, %get3A_474 : vector<16xf32>
        %mul3A_476 = arith.mulf %mul3A_475, %get3A_417 : vector<16xf32>
        %add3A_477 = arith.addf %scan3A_400, %mul3A_476 : vector<16xf32>
        %add3A_478 = arith.constant 4 : i32
        %add3A_479 = arith.addi %mul3A_36, %add3A_478 : i32
        %get3A_480 = arith.index_cast %add3A_479 : i32 to index
        %get3A_481 = arith.index_cast %mul3A_414 : i32 to index
        %get3A_482 = tpu.vector_load %arg11[%get3A_480, %get3A_481] {strides = array<i32>} : memref<80x128xf32, #tpu.memory_space<vmem>>, vector<1x16xf32>,
        %get3A_483 = vector.shape_cast %get3A_482 : vector<1x16xf32> to vector<16xf32>
        %add3A_484 = arith.constant 4 : i32
        %add3A_485 = arith.addi %mul3A_36, %add3A_484 : i32
        %get3A_486 = arith.index_cast %add3A_485 : i32 to index
        %get3A_487 = arith.index_cast %mul3A_414 : i32 to index
        %get3A_488 = tpu.vector_load %arg12[%get3A_486, %get3A_487] {strides = array<i32>} : memref<80x128xf32, #tpu.memory_space<vmem>>, vector<1x16xf32>,
        %get3A_489 = vector.shape_cast %get3A_488 : vector<1x16xf32> to vector<16xf32>
        %mul3A_490 = arith.mulf %get3A_483, %get3A_489 : vector<16xf32>
        %mul3A_491 = arith.mulf %mul3A_490, %get3A_417 : vector<16xf32>
        %add3A_492 = arith.addf %scan3A_401, %mul3A_491 : vector<16xf32>
        %add3A_493 = arith.constant 5 : i32
        %add3A_494 = arith.addi %mul3A_36, %add3A_493 : i32
        %get3A_495 = arith.index_cast %add3A_494 : i32 to index
        %get3A_496 = arith.index_cast %mul3A_414 : i32 to index
        %get3A_497 = tpu.vector_load %arg11[%get3A_495, %get3A_496] {strides = array<i32>} : memref<80x128xf32, #tpu.memory_space<vmem>>, vector<1x16xf32>,
        %get3A_498 = vector.shape_cast %get3A_497 : vector<1x16xf32> to vector<16xf32>
        %add3A_499 = arith.constant 5 : i32
        %add3A_500 = arith.addi %mul3A_36, %add3A_499 : i32
        %get3A_501 = arith.index_cast %add3A_500 : i32 to index
        %get3A_502 = arith.index_cast %mul3A_414 : i32 to index
        %get3A_503 = tpu.vector_load %arg12[%get3A_501, %get3A_502] {strides = array<i32>} : memref<80x128xf32, #tpu.memory_space<vmem>>, vector<1x16xf32>,
        %get3A_504 = vector.shape_cast %get3A_503 : vector<1x16xf32> to vector<16xf32>
        %mul3A_505 = arith.mulf %get3A_498, %get3A_504 : vector<16xf32>
        %mul3A_506 = arith.mulf %mul3A_505, %get3A_417 : vector<16xf32>
        %add3A_507 = arith.addf %scan3A_402, %mul3A_506 : vector<16xf32>
        %add3A_508 = arith.constant 6 : i32
        %add3A_509 = arith.addi %mul3A_36, %add3A_508 : i32
        %get3A_510 = arith.index_cast %add3A_509 : i32 to index
        %get3A_511 = arith.index_cast %mul3A_414 : i32 to index
        %get3A_512 = tpu.vector_load %arg11[%get3A_510, %get3A_511] {strides = array<i32>} : memref<80x128xf32, #tpu.memory_space<vmem>>, vector<1x16xf32>,
        %get3A_513 = vector.shape_cast %get3A_512 : vector<1x16xf32> to vector<16xf32>
        %add3A_514 = arith.constant 6 : i32
        %add3A_515 = arith.addi %mul3A_36, %add3A_514 : i32
        %get3A_516 = arith.index_cast %add3A_515 : i32 to index
        %get3A_517 = arith.index_cast %mul3A_414 : i32 to index
        %get3A_518 = tpu.vector_load %arg12[%get3A_516, %get3A_517] {strides = array<i32>} : memref<80x128xf32, #tpu.memory_space<vmem>>, vector<1x16xf32>,
        %get3A_519 = vector.shape_cast %get3A_518 : vector<1x16xf32> to vector<16xf32>
        %mul3A_520 = arith.mulf %get3A_513, %get3A_519 : vector<16xf32>
        %mul3A_521 = arith.mulf %mul3A_520, %get3A_417 : vector<16xf32>
        %add3A_522 = arith.addf %scan3A_403, %mul3A_521 : vector<16xf32>
        %add3A_523 = arith.constant 7 : i32
        %add3A_524 = arith.addi %mul3A_36, %add3A_523 : i32
        %get3A_525 = arith.index_cast %add3A_524 : i32 to index
        %get3A_526 = arith.index_cast %mul3A_414 : i32 to index
        %get3A_527 = tpu.vector_load %arg11[%get3A_525, %get3A_526] {strides = array<i32>} : memref<80x128xf32, #tpu.memory_space<vmem>>, vector<1x16xf32>,
        %get3A_528 = vector.shape_cast %get3A_527 : vector<1x16xf32> to vector<16xf32>
        %add3A_529 = arith.constant 7 : i32
        %add3A_530 = arith.addi %mul3A_36, %add3A_529 : i32
        %get3A_531 = arith.index_cast %add3A_530 : i32 to index
        %get3A_532 = arith.index_cast %mul3A_414 : i32 to index
        %get3A_533 = tpu.vector_load %arg12[%get3A_531, %get3A_532] {strides = array<i32>} : memref<80x128xf32, #tpu.memory_space<vmem>>, vector<1x16xf32>,
        %get3A_534 = vector.shape_cast %get3A_533 : vector<1x16xf32> to vector<16xf32>
        %mul3A_535 = arith.mulf %get3A_528, %get3A_534 : vector<16xf32>
        %mul3A_536 = arith.mulf %mul3A_535, %get3A_417 : vector<16xf32>
        %add3A_537 = arith.addf %scan3A_404, %mul3A_536 : vector<16xf32>
        %add3A_538 = arith.constant 8 : i32
        %add3A_539 = arith.addi %mul3A_36, %add3A_538 : i32
        %get3A_540 = arith.index_cast %add3A_539 : i32 to index
        %get3A_541 = arith.index_cast %mul3A_414 : i32 to index
        %get3A_542 = tpu.vector_load %arg11[%get3A_540, %get3A_541] {strides = array<i32>} : memref<80x128xf32, #tpu.memory_space<vmem>>, vector<1x16xf32>,
        %get3A_543 = vector.shape_cast %get3A_542 : vector<1x16xf32> to vector<16xf32>
        %add3A_544 = arith.constant 8 : i32
        %add3A_545 = arith.addi %mul3A_36, %add3A_544 : i32
        %get3A_546 = arith.index_cast %add3A_545 : i32 to index
        %get3A_547 = arith.index_cast %mul3A_414 : i32 to index
        %get3A_548 = tpu.vector_load %arg12[%get3A_546, %get3A_547] {strides = array<i32>} : memref<80x128xf32, #tpu.memory_space<vmem>>, vector<1x16xf32>,
        %get3A_549 = vector.shape_cast %get3A_548 : vector<1x16xf32> to vector<16xf32>
        %mul3A_550 = arith.mulf %get3A_543, %get3A_549 : vector<16xf32>
        %mul3A_551 = arith.mulf %mul3A_550, %get3A_417 : vector<16xf32>
        %add3A_552 = arith.addf %scan3A_405, %mul3A_551 : vector<16xf32>
        %add3A_553 = arith.constant 9 : i32
        %add3A_554 = arith.addi %mul3A_36, %add3A_553 : i32
        %get3A_555 = arith.index_cast %add3A_554 : i32 to index
        %get3A_556 = arith.index_cast %mul3A_414 : i32 to index
        %get3A_557 = tpu.vector_load %arg11[%get3A_555, %get3A_556] {strides = array<i32>} : memref<80x128xf32, #tpu.memory_space<vmem>>, vector<1x16xf32>,
        %get3A_558 = vector.shape_cast %get3A_557 : vector<1x16xf32> to vector<16xf32>
        %add3A_559 = arith.constant 9 : i32
        %add3A_560 = arith.addi %mul3A_36, %add3A_559 : i32
        %get3A_561 = arith.index_cast %add3A_560 : i32 to index
        %get3A_562 = arith.index_cast %mul3A_414 : i32 to index
        %get3A_563 = tpu.vector_load %arg12[%get3A_561, %get3A_562] {strides = array<i32>} : memref<80x128xf32, #tpu.memory_space<vmem>>, vector<1x16xf32>,
        %get3A_564 = vector.shape_cast %get3A_563 : vector<1x16xf32> to vector<16xf32>
        %mul3A_565 = arith.mulf %get3A_558, %get3A_564 : vector<16xf32>
        %mul3A_566 = arith.mulf %mul3A_565, %get3A_417 : vector<16xf32>
        %add3A_567 = arith.addf %scan3A_406, %mul3A_566 : vector<16xf32>
        %add3A_568 = arith.constant 10 : i32
        %add3A_569 = arith.addi %mul3A_36, %add3A_568 : i32
        %get3A_570 = arith.index_cast %add3A_569 : i32 to index
        %get3A_571 = arith.index_cast %mul3A_414 : i32 to index
        %get3A_572 = tpu.vector_load %arg11[%get3A_570, %get3A_571] {strides = array<i32>} : memref<80x128xf32, #tpu.memory_space<vmem>>, vector<1x16xf32>,
        %get3A_573 = vector.shape_cast %get3A_572 : vector<1x16xf32> to vector<16xf32>
        %add3A_574 = arith.constant 10 : i32
        %add3A_575 = arith.addi %mul3A_36, %add3A_574 : i32
        %get3A_576 = arith.index_cast %add3A_575 : i32 to index
        %get3A_577 = arith.index_cast %mul3A_414 : i32 to index
        %get3A_578 = tpu.vector_load %arg12[%get3A_576, %get3A_577] {strides = array<i32>} : memref<80x128xf32, #tpu.memory_space<vmem>>, vector<1x16xf32>,
        %get3A_579 = vector.shape_cast %get3A_578 : vector<1x16xf32> to vector<16xf32>
        %mul3A_580 = arith.mulf %get3A_573, %get3A_579 : vector<16xf32>
        %mul3A_581 = arith.mulf %mul3A_580, %get3A_417 : vector<16xf32>
        %add3A_582 = arith.addf %scan3A_407, %mul3A_581 : vector<16xf32>
        %add3A_583 = arith.constant 11 : i32
        %add3A_584 = arith.addi %mul3A_36, %add3A_583 : i32
        %get3A_585 = arith.index_cast %add3A_584 : i32 to index
        %get3A_586 = arith.index_cast %mul3A_414 : i32 to index
        %get3A_587 = tpu.vector_load %arg11[%get3A_585, %get3A_586] {strides = array<i32>} : memref<80x128xf32, #tpu.memory_space<vmem>>, vector<1x16xf32>,
        %get3A_588 = vector.shape_cast %get3A_587 : vector<1x16xf32> to vector<16xf32>
        %add3A_589 = arith.constant 11 : i32
        %add3A_590 = arith.addi %mul3A_36, %add3A_589 : i32
        %get3A_591 = arith.index_cast %add3A_590 : i32 to index
        %get3A_592 = arith.index_cast %mul3A_414 : i32 to index
        %get3A_593 = tpu.vector_load %arg12[%get3A_591, %get3A_592] {strides = array<i32>} : memref<80x128xf32, #tpu.memory_space<vmem>>, vector<1x16xf32>,
        %get3A_594 = vector.shape_cast %get3A_593 : vector<1x16xf32> to vector<16xf32>
        %mul3A_595 = arith.mulf %get3A_588, %get3A_594 : vector<16xf32>
        %mul3A_596 = arith.mulf %mul3A_595, %get3A_417 : vector<16xf32>
        %add3A_597 = arith.addf %scan3A_408, %mul3A_596 : vector<16xf32>
        %add3A_598 = arith.constant 12 : i32
        %add3A_599 = arith.addi %mul3A_36, %add3A_598 : i32
        %get3A_600 = arith.index_cast %add3A_599 : i32 to index
        %get3A_601 = arith.index_cast %mul3A_414 : i32 to index
        %get3A_602 = tpu.vector_load %arg11[%get3A_600, %get3A_601] {strides = array<i32>} : memref<80x128xf32, #tpu.memory_space<vmem>>, vector<1x16xf32>,
        %get3A_603 = vector.shape_cast %get3A_602 : vector<1x16xf32> to vector<16xf32>
        %add3A_604 = arith.constant 12 : i32
        %add3A_605 = arith.addi %mul3A_36, %add3A_604 : i32
        %get3A_606 = arith.index_cast %add3A_605 : i32 to index
        %get3A_607 = arith.index_cast %mul3A_414 : i32 to index
        %get3A_608 = tpu.vector_load %arg12[%get3A_606, %get3A_607] {strides = array<i32>} : memref<80x128xf32, #tpu.memory_space<vmem>>, vector<1x16xf32>,
        %get3A_609 = vector.shape_cast %get3A_608 : vector<1x16xf32> to vector<16xf32>
        %mul3A_610 = arith.mulf %get3A_603, %get3A_609 : vector<16xf32>
        %mul3A_611 = arith.mulf %mul3A_610, %get3A_417 : vector<16xf32>
        %add3A_612 = arith.addf %scan3A_409, %mul3A_611 : vector<16xf32>
        %add3A_613 = arith.constant 13 : i32
        %add3A_614 = arith.addi %mul3A_36, %add3A_613 : i32
        %get3A_615 = arith.index_cast %add3A_614 : i32 to index
        %get3A_616 = arith.index_cast %mul3A_414 : i32 to index
        %get3A_617 = tpu.vector_load %arg11[%get3A_615, %get3A_616] {strides = array<i32>} : memref<80x128xf32, #tpu.memory_space<vmem>>, vector<1x16xf32>,
        %get3A_618 = vector.shape_cast %get3A_617 : vector<1x16xf32> to vector<16xf32>
        %add3A_619 = arith.constant 13 : i32
        %add3A_620 = arith.addi %mul3A_36, %add3A_619 : i32
        %get3A_621 = arith.index_cast %add3A_620 : i32 to index
        %get3A_622 = arith.index_cast %mul3A_414 : i32 to index
        %get3A_623 = tpu.vector_load %arg12[%get3A_621, %get3A_622] {strides = array<i32>} : memref<80x128xf32, #tpu.memory_space<vmem>>, vector<1x16xf32>,
        %get3A_624 = vector.shape_cast %get3A_623 : vector<1x16xf32> to vector<16xf32>
        %mul3A_625 = arith.mulf %get3A_618, %get3A_624 : vector<16xf32>
        %mul3A_626 = arith.mulf %mul3A_625, %get3A_417 : vector<16xf32>
        %add3A_627 = arith.addf %scan3A_410, %mul3A_626 : vector<16xf32>
        %add3A_628 = arith.constant 14 : i32
        %add3A_629 = arith.addi %mul3A_36, %add3A_628 : i32
        %get3A_630 = arith.index_cast %add3A_629 : i32 to index
        %get3A_631 = arith.index_cast %mul3A_414 : i32 to index
        %get3A_632 = tpu.vector_load %arg11[%get3A_630, %get3A_631] {strides = array<i32>} : memref<80x128xf32, #tpu.memory_space<vmem>>, vector<1x16xf32>,
        %get3A_633 = vector.shape_cast %get3A_632 : vector<1x16xf32> to vector<16xf32>
        %add3A_634 = arith.constant 14 : i32
        %add3A_635 = arith.addi %mul3A_36, %add3A_634 : i32
        %get3A_636 = arith.index_cast %add3A_635 : i32 to index
        %get3A_637 = arith.index_cast %mul3A_414 : i32 to index
        %get3A_638 = tpu.vector_load %arg12[%get3A_636, %get3A_637] {strides = array<i32>} : memref<80x128xf32, #tpu.memory_space<vmem>>, vector<1x16xf32>,
        %get3A_639 = vector.shape_cast %get3A_638 : vector<1x16xf32> to vector<16xf32>
        %mul3A_640 = arith.mulf %get3A_633, %get3A_639 : vector<16xf32>
        %mul3A_641 = arith.mulf %mul3A_640, %get3A_417 : vector<16xf32>
        %add3A_642 = arith.addf %scan3A_411, %mul3A_641 : vector<16xf32>
        %add3A_643 = arith.constant 15 : i32
        %add3A_644 = arith.addi %mul3A_36, %add3A_643 : i32
        %get3A_645 = arith.index_cast %add3A_644 : i32 to index
        %get3A_646 = arith.index_cast %mul3A_414 : i32 to index
        %get3A_647 = tpu.vector_load %arg11[%get3A_645, %get3A_646] {strides = array<i32>} : memref<80x128xf32, #tpu.memory_space<vmem>>, vector<1x16xf32>,
        %get3A_648 = vector.shape_cast %get3A_647 : vector<1x16xf32> to vector<16xf32>
        %add3A_649 = arith.constant 15 : i32
        %add3A_650 = arith.addi %mul3A_36, %add3A_649 : i32
        %get3A_651 = arith.index_cast %add3A_650 : i32 to index
        %get3A_652 = arith.index_cast %mul3A_414 : i32 to index
        %get3A_653 = tpu.vector_load %arg12[%get3A_651, %get3A_652] {strides = array<i32>} : memref<80x128xf32, #tpu.memory_space<vmem>>, vector<1x16xf32>,
        %get3A_654 = vector.shape_cast %get3A_653 : vector<1x16xf32> to vector<16xf32>
        %mul3A_655 = arith.mulf %get3A_648, %get3A_654 : vector<16xf32>
        %mul3A_656 = arith.mulf %mul3A_655, %get3A_417 : vector<16xf32>
        %add3A_657 = arith.addf %scan3A_412, %mul3A_656 : vector<16xf32>
        scf.yield %add3A_432, %add3A_447, %add3A_462, %add3A_477, %add3A_492, %add3A_507, %add3A_522, %add3A_537, %add3A_552, %add3A_567, %add3A_582, %add3A_597, %add3A_612, %add3A_627, %add3A_642, %add3A_657 : vector<16xf32>, vector<16xf32>, vector<16xf32>, vector<16xf32>, vector<16xf32>, vector<16xf32>, vector<16xf32>, vector<16xf32>, vector<16xf32>, vector<16xf32>, vector<16xf32>, vector<16xf32>, vector<16xf32>, vector<16xf32>, vector<16xf32>, vector<16xf32>
      }
      %scan3A_269 = arith.constant 7 : i32
      %and3A = arith.constant 1 : i32
      %and3A_270 = vector.broadcast %and3A : i32 to vector<16xi32>
      %and3A_271 = arith.andi %iota3A, %and3A_270 : vector<16xi32>
      %ne3A = arith.constant 0 : i32
      %ne3A_272 = vector.broadcast %ne3A : i32 to vector<16xi32>
      %ne3A_273 = arith.cmpi ne, %and3A_271, %ne3A_272 : vector<16xi32>
      %xor3A = arith.constant 1 : i32
      %xor3A_274 = vector.broadcast %xor3A : i32 to vector<16xi32>
      %xor3A_275 = arith.xori %iota3A, %xor3A_274 : vector<16xi32>
      %select_n3A = arith.select %ne3A_273, %scan3A_268#1, %scan3A_268#0 : vector<16xi1>, vector<16xf32>
      %select_n3A_276 = arith.select %ne3A_273, %scan3A_268#0, %scan3A_268#1 : vector<16xi1>, vector<16xf32>
      %broadcast_in_dim3A = vector.shape_cast %xor3A_275 : vector<16xi32> to vector<16x1xi32>
      %gather3A = vector.shape_cast %broadcast_in_dim3A : vector<16x1xi32> to vector<16xi32>
      %gather3A_277 = tpu.dynamic_gather %select_n3A_276[%gather3A] in [0] : vector<16xf32>, vector<16xi32> -> vector<16xf32>
      %add3A_278 = arith.addf %select_n3A, %gather3A_277 : vector<16xf32>
      %select_n3A_279 = arith.select %ne3A_273, %scan3A_268#3, %scan3A_268#2 : vector<16xi1>, vector<16xf32>
      %select_n3A_280 = arith.select %ne3A_273, %scan3A_268#2, %scan3A_268#3 : vector<16xi1>, vector<16xf32>
      %broadcast_in_dim3A_281 = vector.shape_cast %xor3A_275 : vector<16xi32> to vector<16x1xi32>
      %gather3A_282 = vector.shape_cast %broadcast_in_dim3A_281 : vector<16x1xi32> to vector<16xi32>
      %gather3A_283 = tpu.dynamic_gather %select_n3A_280[%gather3A_282] in [0] : vector<16xf32>, vector<16xi32> -> vector<16xf32>
      %add3A_284 = arith.addf %select_n3A_279, %gather3A_283 : vector<16xf32>
      %select_n3A_285 = arith.select %ne3A_273, %scan3A_268#5, %scan3A_268#4 : vector<16xi1>, vector<16xf32>
      %select_n3A_286 = arith.select %ne3A_273, %scan3A_268#4, %scan3A_268#5 : vector<16xi1>, vector<16xf32>
      %broadcast_in_dim3A_287 = vector.shape_cast %xor3A_275 : vector<16xi32> to vector<16x1xi32>
      %gather3A_288 = vector.shape_cast %broadcast_in_dim3A_287 : vector<16x1xi32> to vector<16xi32>
      %gather3A_289 = tpu.dynamic_gather %select_n3A_286[%gather3A_288] in [0] : vector<16xf32>, vector<16xi32> -> vector<16xf32>
      %add3A_290 = arith.addf %select_n3A_285, %gather3A_289 : vector<16xf32>
      %select_n3A_291 = arith.select %ne3A_273, %scan3A_268#7, %scan3A_268#6 : vector<16xi1>, vector<16xf32>
      %select_n3A_292 = arith.select %ne3A_273, %scan3A_268#6, %scan3A_268#7 : vector<16xi1>, vector<16xf32>
      %broadcast_in_dim3A_293 = vector.shape_cast %xor3A_275 : vector<16xi32> to vector<16x1xi32>
      %gather3A_294 = vector.shape_cast %broadcast_in_dim3A_293 : vector<16x1xi32> to vector<16xi32>
      %gather3A_295 = tpu.dynamic_gather %select_n3A_292[%gather3A_294] in [0] : vector<16xf32>, vector<16xi32> -> vector<16xf32>
      %add3A_296 = arith.addf %select_n3A_291, %gather3A_295 : vector<16xf32>
      %select_n3A_297 = arith.select %ne3A_273, %scan3A_268#9, %scan3A_268#8 : vector<16xi1>, vector<16xf32>
      %select_n3A_298 = arith.select %ne3A_273, %scan3A_268#8, %scan3A_268#9 : vector<16xi1>, vector<16xf32>
      %broadcast_in_dim3A_299 = vector.shape_cast %xor3A_275 : vector<16xi32> to vector<16x1xi32>
      %gather3A_300 = vector.shape_cast %broadcast_in_dim3A_299 : vector<16x1xi32> to vector<16xi32>
      %gather3A_301 = tpu.dynamic_gather %select_n3A_298[%gather3A_300] in [0] : vector<16xf32>, vector<16xi32> -> vector<16xf32>
      %add3A_302 = arith.addf %select_n3A_297, %gather3A_301 : vector<16xf32>
      %select_n3A_303 = arith.select %ne3A_273, %scan3A_268#11, %scan3A_268#10 : vector<16xi1>, vector<16xf32>
      %select_n3A_304 = arith.select %ne3A_273, %scan3A_268#10, %scan3A_268#11 : vector<16xi1>, vector<16xf32>
      %broadcast_in_dim3A_305 = vector.shape_cast %xor3A_275 : vector<16xi32> to vector<16x1xi32>
      %gather3A_306 = vector.shape_cast %broadcast_in_dim3A_305 : vector<16x1xi32> to vector<16xi32>
      %gather3A_307 = tpu.dynamic_gather %select_n3A_304[%gather3A_306] in [0] : vector<16xf32>, vector<16xi32> -> vector<16xf32>
      %add3A_308 = arith.addf %select_n3A_303, %gather3A_307 : vector<16xf32>
      %select_n3A_309 = arith.select %ne3A_273, %scan3A_268#13, %scan3A_268#12 : vector<16xi1>, vector<16xf32>
      %select_n3A_310 = arith.select %ne3A_273, %scan3A_268#12, %scan3A_268#13 : vector<16xi1>, vector<16xf32>
      %broadcast_in_dim3A_311 = vector.shape_cast %xor3A_275 : vector<16xi32> to vector<16x1xi32>
      %gather3A_312 = vector.shape_cast %broadcast_in_dim3A_311 : vector<16x1xi32> to vector<16xi32>
      %gather3A_313 = tpu.dynamic_gather %select_n3A_310[%gather3A_312] in [0] : vector<16xf32>, vector<16xi32> -> vector<16xf32>
      %add3A_314 = arith.addf %select_n3A_309, %gather3A_313 : vector<16xf32>
      %select_n3A_315 = arith.select %ne3A_273, %scan3A_268#15, %scan3A_268#14 : vector<16xi1>, vector<16xf32>
      %select_n3A_316 = arith.select %ne3A_273, %scan3A_268#14, %scan3A_268#15 : vector<16xi1>, vector<16xf32>
      %broadcast_in_dim3A_317 = vector.shape_cast %xor3A_275 : vector<16xi32> to vector<16x1xi32>
      %gather3A_318 = vector.shape_cast %broadcast_in_dim3A_317 : vector<16x1xi32> to vector<16xi32>
      %gather3A_319 = tpu.dynamic_gather %select_n3A_316[%gather3A_318] in [0] : vector<16xf32>, vector<16xi32> -> vector<16xf32>
      %add3A_320 = arith.addf %select_n3A_315, %gather3A_319 : vector<16xf32>
      %and3A_321 = arith.constant 2 : i32
      %and3A_322 = vector.broadcast %and3A_321 : i32 to vector<16xi32>
      %and3A_323 = arith.andi %iota3A, %and3A_322 : vector<16xi32>
      %ne3A_324 = arith.constant 0 : i32
      %ne3A_325 = vector.broadcast %ne3A_324 : i32 to vector<16xi32>
      %ne3A_326 = arith.cmpi ne, %and3A_323, %ne3A_325 : vector<16xi32>
      %xor3A_327 = arith.constant 2 : i32
      %xor3A_328 = vector.broadcast %xor3A_327 : i32 to vector<16xi32>
      %xor3A_329 = arith.xori %iota3A, %xor3A_328 : vector<16xi32>
      %select_n3A_330 = arith.select %ne3A_326, %add3A_284, %add3A_278 : vector<16xi1>, vector<16xf32>
      %select_n3A_331 = arith.select %ne3A_326, %add3A_278, %add3A_284 : vector<16xi1>, vector<16xf32>
      %broadcast_in_dim3A_332 = vector.shape_cast %xor3A_329 : vector<16xi32> to vector<16x1xi32>
      %gather3A_333 = vector.shape_cast %broadcast_in_dim3A_332 : vector<16x1xi32> to vector<16xi32>
      %gather3A_334 = tpu.dynamic_gather %select_n3A_331[%gather3A_333] in [0] : vector<16xf32>, vector<16xi32> -> vector<16xf32>
      %add3A_335 = arith.addf %select_n3A_330, %gather3A_334 : vector<16xf32>
      %select_n3A_336 = arith.select %ne3A_326, %add3A_296, %add3A_290 : vector<16xi1>, vector<16xf32>
      %select_n3A_337 = arith.select %ne3A_326, %add3A_290, %add3A_296 : vector<16xi1>, vector<16xf32>
      %broadcast_in_dim3A_338 = vector.shape_cast %xor3A_329 : vector<16xi32> to vector<16x1xi32>
      %gather3A_339 = vector.shape_cast %broadcast_in_dim3A_338 : vector<16x1xi32> to vector<16xi32>
      %gather3A_340 = tpu.dynamic_gather %select_n3A_337[%gather3A_339] in [0] : vector<16xf32>, vector<16xi32> -> vector<16xf32>
      %add3A_341 = arith.addf %select_n3A_336, %gather3A_340 : vector<16xf32>
      %select_n3A_342 = arith.select %ne3A_326, %add3A_308, %add3A_302 : vector<16xi1>, vector<16xf32>
      %select_n3A_343 = arith.select %ne3A_326, %add3A_302, %add3A_308 : vector<16xi1>, vector<16xf32>
      %broadcast_in_dim3A_344 = vector.shape_cast %xor3A_329 : vector<16xi32> to vector<16x1xi32>
      %gather3A_345 = vector.shape_cast %broadcast_in_dim3A_344 : vector<16x1xi32> to vector<16xi32>
      %gather3A_346 = tpu.dynamic_gather %select_n3A_343[%gather3A_345] in [0] : vector<16xf32>, vector<16xi32> -> vector<16xf32>
      %add3A_347 = arith.addf %select_n3A_342, %gather3A_346 : vector<16xf32>
      %select_n3A_348 = arith.select %ne3A_326, %add3A_320, %add3A_314 : vector<16xi1>, vector<16xf32>
      %select_n3A_349 = arith.select %ne3A_326, %add3A_314, %add3A_320 : vector<16xi1>, vector<16xf32>
      %broadcast_in_dim3A_350 = vector.shape_cast %xor3A_329 : vector<16xi32> to vector<16x1xi32>
      %gather3A_351 = vector.shape_cast %broadcast_in_dim3A_350 : vector<16x1xi32> to vector<16xi32>
      %gather3A_352 = tpu.dynamic_gather %select_n3A_349[%gather3A_351] in [0] : vector<16xf32>, vector<16xi32> -> vector<16xf32>
      %add3A_353 = arith.addf %select_n3A_348, %gather3A_352 : vector<16xf32>
      %and3A_354 = arith.constant 4 : i32
      %and3A_355 = vector.broadcast %and3A_354 : i32 to vector<16xi32>
      %and3A_356 = arith.andi %iota3A, %and3A_355 : vector<16xi32>
      %ne3A_357 = arith.constant 0 : i32
      %ne3A_358 = vector.broadcast %ne3A_357 : i32 to vector<16xi32>
      %ne3A_359 = arith.cmpi ne, %and3A_356, %ne3A_358 : vector<16xi32>
      %xor3A_360 = arith.constant 4 : i32
      %xor3A_361 = vector.broadcast %xor3A_360 : i32 to vector<16xi32>
      %xor3A_362 = arith.xori %iota3A, %xor3A_361 : vector<16xi32>
      %select_n3A_363 = arith.select %ne3A_359, %add3A_341, %add3A_335 : vector<16xi1>, vector<16xf32>
      %select_n3A_364 = arith.select %ne3A_359, %add3A_335, %add3A_341 : vector<16xi1>, vector<16xf32>
      %broadcast_in_dim3A_365 = vector.shape_cast %xor3A_362 : vector<16xi32> to vector<16x1xi32>
      %gather3A_366 = vector.shape_cast %broadcast_in_dim3A_365 : vector<16x1xi32> to vector<16xi32>
      %gather3A_367 = tpu.dynamic_gather %select_n3A_364[%gather3A_366] in [0] : vector<16xf32>, vector<16xi32> -> vector<16xf32>
      %add3A_368 = arith.addf %select_n3A_363, %gather3A_367 : vector<16xf32>
      %select_n3A_369 = arith.select %ne3A_359, %add3A_353, %add3A_347 : vector<16xi1>, vector<16xf32>
      %select_n3A_370 = arith.select %ne3A_359, %add3A_347, %add3A_353 : vector<16xi1>, vector<16xf32>
      %broadcast_in_dim3A_371 = vector.shape_cast %xor3A_362 : vector<16xi32> to vector<16x1xi32>
      %gather3A_372 = vector.shape_cast %broadcast_in_dim3A_371 : vector<16x1xi32> to vector<16xi32>
      %gather3A_373 = tpu.dynamic_gather %select_n3A_370[%gather3A_372] in [0] : vector<16xf32>, vector<16xi32> -> vector<16xf32>
      %add3A_374 = arith.addf %select_n3A_369, %gather3A_373 : vector<16xf32>
      %and3A_375 = arith.constant 8 : i32
      %and3A_376 = vector.broadcast %and3A_375 : i32 to vector<16xi32>
      %and3A_377 = arith.andi %iota3A, %and3A_376 : vector<16xi32>
      %ne3A_378 = arith.constant 0 : i32
      %ne3A_379 = vector.broadcast %ne3A_378 : i32 to vector<16xi32>
      %ne3A_380 = arith.cmpi ne, %and3A_377, %ne3A_379 : vector<16xi32>
      %xor3A_381 = arith.constant 8 : i32
      %xor3A_382 = vector.broadcast %xor3A_381 : i32 to vector<16xi32>
      %xor3A_383 = arith.xori %iota3A, %xor3A_382 : vector<16xi32>
      %select_n3A_384 = arith.select %ne3A_380, %add3A_374, %add3A_368 : vector<16xi1>, vector<16xf32>
      %select_n3A_385 = arith.select %ne3A_380, %add3A_368, %add3A_374 : vector<16xi1>, vector<16xf32>
      %broadcast_in_dim3A_386 = vector.shape_cast %xor3A_383 : vector<16xi32> to vector<16x1xi32>
      %gather3A_387 = vector.shape_cast %broadcast_in_dim3A_386 : vector<16x1xi32> to vector<16xi32>
      %gather3A_388 = tpu.dynamic_gather %select_n3A_385[%gather3A_387] in [0] : vector<16xf32>, vector<16xi32> -> vector<16xf32>
      %add3A_389 = arith.addf %select_n3A_384, %gather3A_388 : vector<16xf32>
      %add3A_390 = arith.addf %add3A_389, %get3A_4 : vector<16xf32>
      %add3A_391 = arith.constant 9920 : i32
      %add3A_392 = arith.addi %add3A_391, %mul3A_36 : i32
      %swap3A = arith.index_cast %add3A_392 : i32 to index
      %swap3A_393 = tpu.vector_load %arg10[%swap3A] {strides = array<i32>} : memref<10000xf32, #tpu.memory_space<vmem>>, vector<16xf32>,
      %swap3A_394 = vector.shape_cast %swap3A_393 : vector<16xf32> to vector<16xf32>
      %swap3A_395 = vector.shape_cast %add3A_390 : vector<16xf32> to vector<16xf32>
      tpu.vector_store %arg10[%swap3A], %swap3A_395 {strides = array<i32>} : memref<10000xf32, #tpu.memory_space<vmem>>, vector<16xf32>,
    }
    %scan3A_33 = arith.constant 5 : i32
    "tpu.region"() ({
      %run_scoped3A = tpu.sem_alloc : memref<!tpu.dma_semaphore, #tpu.memory_space<semaphore_mem>>
      %dma_start3A_34 = tpu.memref_slice %arg6[%mul3A_2] : memref<320000xf32, #tpu.memory_space<hbm>> -> memref<10000xf32, #tpu.memory_space<hbm>>
      %dma_start3A_35 = tpu.memref_slice %arg6[%mul3A_2] : memref<320000xf32, #tpu.memory_space<hbm>> -> memref<10000xf32, #tpu.memory_space<hbm>>
      tpu.enqueue_dma source(%arg10 : memref<10000xf32, #tpu.memory_space<vmem>>) target(%dma_start3A_35 : memref<10000xf32, #tpu.memory_space<hbm>>) target_semaphore(%run_scoped3A : memref<!tpu.dma_semaphore, #tpu.memory_space<semaphore_mem>>)
      %dma_wait3A_36 = tpu.memref_slice %arg6[%mul3A_2] : memref<320000xf32, #tpu.memory_space<hbm>> -> memref<10000xf32, #tpu.memory_space<hbm>>
      %dma_wait3A_37 = tpu.memref_slice %arg6[%mul3A_2] : memref<320000xf32, #tpu.memory_space<hbm>> -> memref<10000xf32, #tpu.memory_space<hbm>>
      tpu.wait_dma2 semaphore(%run_scoped3A : memref<!tpu.dma_semaphore, #tpu.memory_space<semaphore_mem>>) src(%arg10 : memref<10000xf32, #tpu.memory_space<vmem>>) dst(%dma_wait3A_37 : memref<10000xf32, #tpu.memory_space<hbm>>)
      tpu.yield
    }) : () -> ()
    return
  }
}

</mosaic_0001>

<sc_bundles>
// kernel: kernel.3.cloned.1.call-start
scs
__scs_entry_jumppad:
0x0: {  	(pc) =	sbr.rel $0x88, $3  }
0x1: {  	(tag) =	ssettag $0x0;
	lr =	simm.s32 $0x1  }
0x2: {  	[smem:$0x3F9D] =	sst lr;
	_ =	strace $0xD0000000  }
0x3: {  	_ = 	snop  }
0x4: {  	_ = 	snop  }
0x5: {  	_ = 	snop  }
0x6: {  	_ = 	snop  }
0x7: {  	_ = 	snop  }
__scs_overlays_trampoline_lowered:
0x8: {  	[smem:$0x3FAC] =	sst s0  }
0x9: {  	[smem:$0x3FAD] =	sst s1  }
0xa: {  	[smem:$0x3FAE] =	sst s2  }
0xb: {  	[smem:$0x3FAF] =	sst s3  }
0xc: {  	[smem:$0x3FB0] =	sst s4  }
0xd: {  	[smem:$0x3FB1] =	sst s5  }
0xe: {  	[smem:$0x3FB2] =	sst s6  }
0xf: {  	[smem:$0x3FB3] =	sst s7  }
0x10: {  	[smem:$0x3FB4] =	sst s8  }
0x11: {  	[smem:$0x3FB5] =	sst s9;
	s0 =	simm.s32 @!p0 $0x0  }
0x12: {  	s1 =	sld [smem:$0x3F9B];
	s0 =	simm.s32 @p0 $0x1  }
0x13: {  	[smem:$0x3FB6] =	sst s0;
	s0 =	simm.s32 @!p1 $0x0  }
0x14: {  	s2 =	sld [smem:$0x3F9A];
	s0 =	simm.s32 @p1 $0x1  }
0x15: {  	[smem:$0x3FB7] =	sst s0;
	s0 =	simm.s32 @!p2 $0x0  }
0x16: {  	s3 =	sld [smem:$0x3FDB];
	s0 =	simm.s32 @p2 $0x1  }
0x17: {  	s4 =	simm.s32 $0x1BF5;
	[smem:$0x3FB9] =	sst s0  }
0x18: {  	s0 =	sld [smem:$0x3F9C];
	_ =	swait.ge [sflag:s4], $0x0  }
0x19: {  	s7 =	sld [smem:$0x3F9D]  }
0x1a: {  	s8 =	sadd.s32 $0xFFFFE003, lr  }
0x1b: {  	s9 =	sadd.s32 $0xFFFFFEF7, lr;
	s5 =	simm.s32 $0xFFFFFFFF;
	p2 =	slt.u32 s8, $0xFFFFF086  }
0x1c: {  	p1 =	slt.u32 s9, $0xF7A;
	s5 =	simm.s32 @!p2 $0x0  }
0x1d: {  	s5 =	simm.s32 @p1 $0x1;
	p0 =	seq.s32 s7, s2  }
0x1e: {  	s7 =	smul.u32 @!p0 $0xF7A, s2;
	p2 =	seq.s32 @!p0 s5, $0x0  }
0x1f: {  	s9 =	smul.u32 $0xF7A, s1;
	s8 =	simm.s32 @!p0 $0x1BF5;
	p2 =	por !p2, p0  }
0x20: {  	[sflag:s8] =	ssyncset.s32 @!p0 $0xFFFFF086;
	s6 =	sadd.s32 @!p0 s3, s7;
	s7 =	simm.s32 @!p0 $0x108  }
0x21: {  	s3 =	sadd.s32 s3, s9;
	s6 =	sadd.s32 @!p0 $0x88, s6;
	s7 =	simm.s32 @p2 $0x1082  }
0x22: {  	[simem:s7], [sflag:s8] =	dma.local @!p0 [hbm:s6], $0xF7A  }
0x23: {  	s9 =	sor.u32 $0xD0000000, s2;
	s6 =	simm.s32 $0x108;
	_ =	swait.ge @!p0 [sflag:s8], $0x0  }
0x24: {  	s3 =	sadd.s32 $0x88, s3;
	s6 =	simm.s32 @!p1 $0x1082;
	[sflag:s4] =	ssyncset.s32 $0xFFFFF086  }
0x25: {  	[simem:s6], [sflag:s4] =	dma.local [hbm:s3], $0xF7A  }
0x26: {  	[smem:$0x3F9D] =	sst s1;
	(tag) =	ssettag s2;
	_ =	strace s9  }
0x27: {  	s1 =	sld [smem:$0x3FAD]  }
0x28: {  	s2 =	sld [smem:$0x3FAE]  }
0x29: {  	s4 =	sld [smem:$0x3FB0]  }
0x2a: {  	p0 =	seq.s32 s5, $0x0;
	s5 =	sld [smem:$0x3FB1]  }
0x2b: {  	s6 =	sld [smem:$0x3FB2]  }
0x2c: {  	s7 =	sld [smem:$0x3FB3]  }
0x2d: {  	s3 =	simm.s32 $0x108;
	s8 =	sld [smem:$0x3FB4]  }
0x2e: {  	s3 =	simm.s32 @!p0 $0x1082;
	s9 =	sld [smem:$0x3FB5]  }
0x2f: {  	lr =	sadd.s32 s0, s3;
	s0 =	sld [smem:$0x3FAC]  }
0x30: {  	s3 =	sld [smem:$0x3FAF]  }
0x31: {  	[smem:$0x3FB8] =	sst s10  }
0x32: {  	s10 =	sld [smem:$0x3FB6];
	_ =	sdelay $0x3  }
0x33: {  	p0 =	seq.s32 s10, $0x1;
	s10 =	sld [smem:$0x3FB8];
	_ =	sdelay $0x3  }
0x34: {  	[smem:$0x3FB8] =	sst s10  }
0x35: {  	s10 =	sld [smem:$0x3FB7];
	_ =	sdelay $0x3  }
0x36: {  	p1 =	seq.s32 s10, $0x1;
	s10 =	sld [smem:$0x3FB8];
	_ =	sdelay $0x3  }
0x37: {  	[smem:$0x3FB8] =	sst s10  }
0x38: {  	s10 =	sld [smem:$0x3FB9]  }
0x39: {  	_ = 	snop;
	(pc) =	sbr.ind lr, $3  }
0x3a: {  	_ = 	snop  }
0x3b: {  	_ = 	snop  }
0x3c: {  	p2 =	seq.s32 s10, $0x1;
	s10 =	sld [smem:$0x3FB8]  }
0x3d: {  	_ =	shalt  }
0x3e: {  	_ =	shalt  }
0x3f: {  	_ =	shalt  }
0x40: {  	_ =	shalt  }
0x41: {  	_ =	shalt  }
0x42: {  	_ =	shalt  }
0x43: {  	_ =	shalt  }
0x44: {  	_ =	shalt  }
0x45: {  	_ =	shalt  }
0x46: {  	_ =	shalt  }
0x47: {  	_ =	shalt  }
0x48: {  	_ =	shalt  }
0x49: {  	_ =	shalt  }
0x4a: {  	_ =	shalt  }
0x4b: {  	_ =	shalt  }
0x4c: {  	_ =	shalt  }
0x4d: {  	_ =	shalt  }
0x4e: {  	_ =	shalt  }
0x4f: {  	_ =	shalt  }
0x50: {  	_ =	shalt  }
0x51: {  	_ =	shalt  }
0x52: {  	_ =	shalt  }
0x53: {  	_ =	shalt  }
0x54: {  	_ =	shalt  }
0x55: {  	_ =	shalt  }
0x56: {  	_ =	shalt  }
0x57: {  	_ =	shalt  }
0x58: {  	_ =	shalt  }
0x59: {  	_ =	shalt  }
0x5a: {  	_ =	shalt  }
0x5b: {  	_ =	shalt  }
0x5c: {  	_ =	shalt  }
0x5d: {  	_ =	shalt  }
0x5e: {  	_ =	shalt  }
0x5f: {  	_ =	shalt  }
0x60: {  	_ =	shalt  }
0x61: {  	_ =	shalt  }
0x62: {  	_ =	shalt  }
0x63: {  	_ =	shalt  }
0x64: {  	_ =	shalt  }
0x65: {  	_ =	shalt  }
0x66: {  	_ =	shalt  }
0x67: {  	_ =	shalt  }
0x68: {  	_ =	shalt  }
0x69: {  	_ =	shalt  }
0x6a: {  	_ =	shalt  }
0x6b: {  	_ =	shalt  }
0x6c: {  	_ =	shalt  }
0x6d: {  	_ =	shalt  }
0x6e: {  	_ =	shalt  }
0x6f: {  	_ =	shalt  }
0x70: {  	_ =	shalt  }
0x71: {  	_ =	shalt  }
0x72: {  	_ =	shalt  }
0x73: {  	_ =	shalt  }
0x74: {  	_ =	shalt  }
0x75: {  	_ =	shalt  }
0x76: {  	_ =	shalt  }
0x77: {  	_ =	shalt  }
0x78: {  	_ =	shalt  }
0x79: {  	_ =	shalt  }
0x7a: {  	_ =	shalt  }
0x7b: {  	_ =	shalt  }
0x7c: {  	_ =	shalt  }
0x7d: {  	_ =	shalt  }
0x7e: {  	_ =	shalt  }
0x7f: {  	_ =	shalt  }
0x80: {  	_ =	shalt  }
0x81: {  	_ =	shalt  }
0x82: {  	_ =	shalt  }
0x83: {  	_ =	shalt  }
0x84: {  	_ =	shalt  }
0x85: {  	_ =	shalt  }
0x86: {  	_ =	shalt  }
0x87: {  	_ =	shalt  }
.Lfunc_end0:
.L_simem_size_0:
called_computation_lowered:
.L_overlay_start_0:
0x88: {  	s2 =	sld [smem:$0x3FD9]  }
0x89: {  	s3 =	sld [smem:$0x3FFE];
	_ =	sdelay $0x1  }
0x8a: {  	s1 =	srdreg.scid  }
0x8b: {  	s0 =	sand.u32 $0x1, s1  }
0x8c: {  	s17 =	sshll.u32 s0, $0xA;
	s2 =	sadd.s32 s3, s2  }
0x8d: {  	s2 =	sadd.s32 s2, s17  }
0x8e: {  	[smem:$0x3FC4] =	sst s2  }
0x8f: {  	_ = 	snop  }
0x90: {  	s2 =	sld [smem:$0x3FC9]  }
0x91: {  	s18 =	sld [smem:$0x3FD0];
	(tm) =	ssettm $0x1  }
0x92: {  	s4 =	sld [smem:$0x3FFB];
	_ =	sdelay $0x3  }
0x93: {  	_ =	strace s4  }
0x94: {  	s4 =	sld [smem:$0x3FFC];
	_ =	sdelay $0x3  }
0x95: {  	_ =	strace s4  }
0x96: {  	s4 =	sld [smem:$0x3FFD];
	_ =	sdelay $0x3  }
0x97: {  	_ =	strace s4  }
0x98: {  	_ =	strace $0x8FFFFFFF  }
0x99: {  	s19 =	sld [smem:$0x3FDB];
	_ =	sdelay $0x1  }
0x9a: {  	s5 =	simm.s32 $_scs_section_size  }
0x9b: {  	s6 =	simm.s32 $_size__tile_overlayer_lowered;
	s7 =	simm.s32 $_tile_overlayer_lowered  }
0x9c: {  	s22 =	simm.s32 $0x1BFF;
	s21 =	sshll.u32 s7, $0x1;
	s4 =	sadd.s32 s5, s19  }
0x9d: {  	s8 =	simm.s32 $0x0;
	s20 =	sshll.u32 s6, $0x1;
	s6 =	sadd.s32 s21, s4  }
0x9e: {  	[timem:s8], [sflag:s22] =	dma.local [hbm:s6], s20  }
0x9f: {  	_ =	swait.ge [sflag:s22], s20  }
0xa0: {  	s5 =	ssub.s32 $0x0, s20;
	[sflag:s22] =	ssyncset.done $0x0  }
0xa1: {  	[sflag:s22] =	ssyncadd.s32 s5;
	_ =	sdelay $0x1  }
0xa2: {  	s23 =	simm.s32 $0x1B8B  }
0xa3: {  	_ =	swait.ge [sflag:s23], $0x1  }
0xa4: {  	[sflag:s23] =	ssyncset.done $0x0  }
0xa5: {  	s25 =	simm.s32 $0x1B8E;
	s24 =	sld [smem:$0x3FFE];
	[sflag:s23] =	ssyncadd.s32 $0xFFFFFFFF  }
0xa6: {  	s26 =	simm.s32 $execute0_lowered;
	[smem:$0x3FD2] =	sst s25  }
0xa7: {  	s6 =	sshll.u32 s26, $0x1;
	_ =	strace $0x80000046;
	[dreg:$0x1] =	wrdreg $0xFFFFFFFF  }
0xa8: {  	s28 =	simm.s32 $_size_execute0_lowered;
	s4 =	sadd.s32 s4, s6;
	[dreg:$0x0] =	wrdreg $0x0  }
0xa9: {  	s6 =	sshll.u32 s28, $0x1;
	[dreg:$0x2] =	wrdreg s4  }
0xaa: {  	[dreg:$0x3] =	wrdreg s6  }
0xab: {  	[dreg:$0x4] =	wrdreg $0xC0  }
0xac: {  	_ =	task [dreg:s8], $0x5FFFF  }
0xad: {  	[dreg:$0x1] =	wrdreg $0xFFFFFFFF  }
0xae: {  	[dreg:$0x0] =	wrdreg $0x60  }
0xaf: {  	[dreg:$0x2] =	wrdreg s2  }
0xb0: {  	[dreg:$0x3] =	wrdreg s24  }
0xb1: {  	[dreg:$0x4] =	wrdreg s18  }
0xb2: {  	[dreg:$0x5] =	wrdreg $0x9  }
0xb3: {  	_ =	task.clear_ibuf [dreg:s8], $0x6FFFF;
	_ =	strace $0x90000046  }
0xb4: {  	s29 =	simm.s32 $0x9;
	_ =	strace $0x80000048  }
0xb5: {  	_ =	swait.ge [sflag:s29], $0x1  }
0xb6: {  	[sflag:s29] =	ssyncadd.s32 $0xFFFFFFFF  }
0xb7: {  	_ =	strace $0x90000048  }
0xb8: {  	_ =	sfence  }
0xb9: {  	s30 =	sld [smem:$0x0];
	_ =	sdelay $0x2  }
0xba: {  	s31 =	sshll.u32 s1, $0xD;
	s1 =	sshrl.u32 s1, $0x2  }
0xbb: {  	s3 =	sand.u32 $0x4000, s31;
	s1 =	sadd.s32 s1, s30  }
0xbc: {  	s0 =	sor.u32 s3, s0;
	s1 =	sshll.u32 s1, $0x11  }
0xbd: {  	s0 =	sor.u32 s1, s0  }
0xbe: {  	s0 =	sadd.s32 $0x8F2B, s0  }
0xbf: {  	[sflag:s0] =	ssyncadd.remote.s32 $0x1  }
0xc0: {  	_ =	sfence.sel $0xFFFF  }
0xc1: {  	[dreg:$0x0] =	wrdreg $0xFFFFFFFF;
	(pc) =	sbr.abs _section_cstart, $3  }
0xc2: {  	[dreg:$0x1] =	wrdreg $0xFFFFFFFF  }
0xc3: {  	_ =	task.clear_ibuf [dreg:s8], $0x2FFFF;
	_ =	strace $0x9FFFFFFF  }
0xc4: {  	(tm) =	ssettm $0x7FFFFFFF  }
0xc5: {  	_ =	shalt  }
tec
execute0_lowered:
.L_overlay_start_1:
0x0: {  	(tag) =	ssettag $0x1  }
0x1: {  	vm0 =	vcmask $0xB08  }
0x2: {  	vm1 =	vcmask $0x300;
	v0 =	vimm.s32 $0xEFCDAB89;
	v1 =	vimm.s32 $0x67452301  }
0x3: {  	v2 =	vimm.s32 $0xDCFE98BA;
	v3 =	vimm.s32 $0xBA98FEDC;
	v4 =	vimm.s32 $0x32107654  }
0x4: {  	vm2 =	vcmask $0x700;
	vm0 =	vmor vm1, vm0;
	vm1 =	vcmask $0x1310  }
0x5: {  	v0 =	vunpack.c.l.s4.s8 v0;
	v1 =	vunpack.c.l.s4.s8 v1;
	v3 =	vunpack.c.l.s4.s8 v3  }
0x6: {  	v4 =	vunpack.c.l.s4.s8 v4;
	vm0 =	vmor vm0, vm1;
	vm1 =	vcmask $0x1B18  }
0x7: {  	vm0 =	vmor vm0, vm1;
	v0 =	vunpack.c.0.s8.s32 v0;
	v1 =	vunpack.c.0.s8.s32 v1  }
0x8: {  	vm1 =	vcmask $0x2320;
	v3 =	vunpack.c.0.s8.s32 v3;
	v4 =	vunpack.c.0.s8.s32 v4  }
0x9: {  	s1 =	rddreg [dreg:$0x0];
	v0 =	vcombine.low v1, v0;
	v1 =	vunpack.c.l.s4.s8 v2;
	v2 =	vimm.s32 $0x54761032  }
0xa: {  	s2 =	srdreg.scid;
	s6 =	rddreg [dreg:$0x1];
	vm0 =	vmor vm0, vm1;
	vm1 =	vcmask $0x2B28;
	v2 =	vunpack.c.l.s4.s8 v2  }
0xb: {  	s0 =	stileid.u32;
	s3 =	rddreg [dreg:$0x2];
	s4 =	simm.s32 $0x0;
	vm3 =	vcmask $0xF00;
	vm0 =	vmor vm0, vm1;
	vm1 =	vcmask $0x3330  }
0xc: {  	s9 =	simm.s32 $0x3;
	s11 =	simm.s32 $0x2880;
	s12 =	simm.s32 $0x50;
	v3 =	vcombine.low v4, v3;
	v1 =	vunpack.c.0.s8.s32 v1;
	v2 =	vunpack.c.0.s8.s32 v2  }
0xd: {  	s10 =	simm.s32 $0x100;
	s13 =	simm.s32 $0x7780;
	s14 =	simm.s32 $0x9F80;
	v4 =	vimm.s32 $0x76543210;
	vm0 =	vmor vm0, vm1;
	vm1 =	vcmask $0x3B38  }
0xe: {  	s15 =	simm.s32 $0xC780;
	s16 =	simm.s32 $0xEF80;
	s17 =	simm.s32 $0x1;
	v4 =	vunpack.c.l.s4.s8 v4;
	v1 =	vcombine.low v2, v1;
	v2 =	vimm.s32 $0xFEDCBA98  }
0xf: {  	s18 =	simm.s32 $0x2;
	s5 =	sand.u32 $0x1, s2;
	s30 =	sshll.u32 s0, $0x1;
	vm0 =	vmor vm0, vm1;
	vm1 =	vcmask $0x1710;
	v2 =	vunpack.c.l.s4.s8 v2  }
0x10: {  	s19 =	simm.s32 $0x5000;
	s2 =	sor.u32 s5, s30;
	s5 =	ssub.s32 $0x2, s5;
	v0 =	vand.u32 $0xF, v0;
	vm1 =	vmor vm2, vm1;
	vm2 =	vcmask $0x2720  }
0x11: {  	[smem:$0x7FF] =	sst s4;
	s7 =	smul.u32 $0x4E2, s2;
	s31 =	sshrl.u32 s5, $0x1;
	vm1 =	vmor vm1, vm2;
	vm2 =	vcmask $0x3730;
	v2 =	vunpack.c.0.s8.s32 v2  }
0x12: {  	s20 =	simm.s32 $0x0;
	s2 =	rddreg [dreg:$0x3];
	s8 =	ssub.s32 s5, s31;
	v4 =	vunpack.c.0.s8.s32 v4;
	vm1 =	vmor vm1, vm2;
	vm2 =	vcmask $0x2F20  }
0x13: {  	_ =	strace $0x80000047;
	s7 =	sadd.s32 s7, s6;
	s8 =	smax.u32 s8, $0x1;
	vm2 =	vmor vm3, vm2;
	vm3 =	vmmov $0xff;
	v5 =	vand.u32 $0xF, v2  }
0x14: {  	s5 =	sadd.s32 $0xA000, s7;
	s6 =	sadd.s32 $0x200, s7;
	s7 =	sadd.s32 $0x13E00, s7;
	v1 =	vand.u32 $0xF, v1;
	v2 =	vand.u32 $0xF, v3;
	v3 =	vcombine.low v5, v4  }
.LBB2_1:
0x15: {  	[tilespmem:s4], [sflag:$0x3] =	stream.linear.gather [hbm4b:s3+s4], $0x100, $0x38;
	[tilespmem:$0x11780] =	vst v63  }
0x16: {  	_ =	swait.ge [sflag:s9], $0x100  }
0x17: {  	[sflag:s9] =	ssyncset.done $0x0  }
0x18: {  	[sflag:s9] =	ssyncadd.s32 $0xFFFFFF00  }
0x19: {  	[tilespmem:s10], [sflag:$0x3] =	stream.linear.gather [hbm4b:s5+s4], $0x2710, $0x38;
	[tilespmem:$0x11780] =	vst v63  }
0x1a: {  	_ =	swait.ge [sflag:s9], $0x2710  }
0x1b: {  	[sflag:s9] =	ssyncset.done $0x0  }
0x1c: {  	[sflag:s9] =	ssyncadd.s32 $0xFFFFD8F0  }
0x1d: {  	[tilespmem:s11], [sflag:$0x3] =	stream.linear.gather [hbm4b:s6+s4], $0x2710, $0x38;
	[tilespmem:$0x11780] =	vst v63  }
0x1e: {  	_ =	swait.ge [sflag:s9], $0x2710  }
0x1f: {  	[sflag:s9] =	ssyncset.done $0x0  }
0x20: {  	[sflag:s9] =	ssyncadd.s32 $0xFFFFD8F0  }
0x21: {  	v4 =	vld [tilespmem:$0x80];
	[tilespmem:s13], [sflag:$0x1] =	stream.indirect.gather [hbm4b:s1+s12], $0x80, s10, s12, $0xb8  }
0x22: {  	s21 =	simm.s32 $0x0  }
0x23: {  	[tilespmem:s14], [sflag:$0x1] =	stream.indirect.gather [hbm4b:s1+s12], $0x80, s11, s12, $0xb8;
	[tilespmem:$0x11780] =	vst v63  }
.LBB2_2:
0x24: {  	s22 =	smul.u32 $0xA0, s21;
	_ =	sdelay $0x1  }
0x25: {  	s23 =	sadd.s32 $0x150, s22  }
0x26: {  	[tilespmem:s15], [sflag:$0x2] =	stream.indirect.gather [hbm4b:s1+s12], $0x80, s23, s12, $0xb8;
	[tilespmem:$0x11780] =	vst v63  }
0x27: {  	s30 =	sadd.s32 $0x28D0, s22  }
0x28: {  	[tilespmem:s16], [sflag:$0x2] =	stream.indirect.gather [hbm4b:s1+s12], $0x80, s30, s12, $0xb8;
	[tilespmem:$0x11780] =	vst v63  }
0x29: {  	_ =	swait.ge [sflag:s17], $0x2800  }
0x2a: {  	s31 =	smul.u32 $0x280, s21;
	[sflag:s17] =	ssyncset.done $0x0  }
0x2b: {  	[sflag:s17] =	ssyncadd.s32 $0xFFFFD800  }
0x2c: {  	s25 =	simm.s32 $0xA390;
	s24 =	sshra.s32 s31, $0x2;
	_ =	swait.ge [sflag:s17], $0x2800  }
0x2d: {  	s26 =	simm.s32 $0x7B90;
	s28 =	sadd.s32 $0x5000, s24;
	[sflag:s17] =	ssyncset.done $0x0  }
0x2e: {  	s23 =	sadd.s32 $0x50, s22;
	s24 =	simm.s32 $0x0;
	v5 =	vmov s28;
	[sflag:s17] =	ssyncadd.s32 $0xFFFFD800  }
.LBB2_3:
0x2f: {  	v21 =	vld [tilespmem:$0x0];
	s28 =	sshll.u32 s24, $0xB  }
0x30: {  	v9 =	vld [tilespmem:s28+$0x7780]  }
0x31: {  	v10 =	vld [tilespmem:s28+$0x9F80]  }
0x32: {  	v11 =	vld [tilespmem:s28+$0x7800]  }
0x33: {  	v12 =	vld [tilespmem:s28+$0xA000]  }
0x34: {  	v13 =	vld [tilespmem:s28+$0x7880]  }
0x35: {  	v14 =	vld [tilespmem:s28+$0xA080]  }
0x36: {  	v15 =	vld [tilespmem:s28+$0x7900]  }
0x37: {  	v16 =	vld [tilespmem:s28+$0xA100]  }
0x38: {  	v17 =	vld [tilespmem:s28+$0x7980]  }
0x39: {  	v18 =	vld [tilespmem:s28+$0xA180]  }
0x3a: {  	v19 =	vld [tilespmem:s28+$0x7A00]  }
0x3b: {  	v20 =	vld [tilespmem:s28+$0xA200]  }
0x3c: {  	v22 =	vld [tilespmem:s28+$0x7A80]  }
0x3d: {  	v23 =	vld [tilespmem:s28+$0xA280]  }
0x3e: {  	v24 =	vld [tilespmem:s28+$0x7B00]  }
0x3f: {  	v25 =	vld [tilespmem:s28+$0xA300]  }
0x40: {  	v26 =	vld [tilespmem:s28+$0x7B80]  }
0x41: {  	v27 =	vld [tilespmem:s28+$0xA380]  }
0x42: {  	v28 =	vld [tilespmem:s28+$0x7C00]  }
0x43: {  	v29 =	vld [tilespmem:s28+$0xA400]  }
0x44: {  	v30 =	vld [tilespmem:s28+$0x7C80]  }
0x45: {  	v31 =	vld [tilespmem:s28+$0xA480]  }
0x46: {  	v32 =	vld [tilespmem:s28+$0x7D00]  }
0x47: {  	v33 =	vld [tilespmem:s28+$0xA500]  }
0x48: {  	v34 =	vld [tilespmem:s28+$0x7D80]  }
0x49: {  	v35 =	vld [tilespmem:s28+$0xA580]  }
0x4a: {  	v36 =	vld [tilespmem:s28+$0x7E00]  }
0x4b: {  	v37 =	vld [tilespmem:s28+$0xA600]  }
0x4c: {  	v7 =	vmov s26;
	v38 =	vld [tilespmem:s28+$0x7E80]  }
0x4d: {  	v6 =	vmov s25;
	v39 =	vld [tilespmem:s28+$0xA680]  }
0x4e: {  	v40 =	vld [tilespmem:s28+$0x7F00]  }
0x4f: {  	s29 =	simm.s32 $0x0;
	v41 =	vld [tilespmem:s28+$0xA700]  }
0x50: {  	v8 =	vld [tilespmem:s29+$0x10]  }
0x51: {  	v42 =	vld.idx.msk [tilespmem:v7+s29+$0x380 ss:$0x1], $0xffff  }
0x52: {  	v43 =	vld.idx.msk [tilespmem:v6+s29+$0x380 ss:$0x1], $0xffff  }
0x53: {  	v44 =	vld.idx.msk [tilespmem:v7+s29+$0xFFFFFC00 ss:$0x1], $0xffff  }
0x54: {  	v45 =	vld.idx.msk [tilespmem:v6+s29+$0xFFFFFC00 ss:$0x1], $0xffff;
	v9 =	vmul.f32 v10, v9;
	v10 =	vmul.f32 v12, v11  }
0x55: {  	v46 =	vld.idx.msk [tilespmem:v7+s29+$0xFFFFFC80 ss:$0x1], $0xffff;
	v11 =	vmul.f32 v14, v13;
	v12 =	vmul.f32 v16, v15  }
0x56: {  	v62 =	vld.idx.msk [tilespmem:v7+s29+$0xFFFFFF00 ss:$0x1], $0xffff;
	v63 =	vmul.f32 v37, v36;
	v49 =	vmul.f32 v39, v38  }
0x57: {  	v48 =	vld.idx.msk [tilespmem:v6+s29+$0xFFFFFF00 ss:$0x1], $0xffff;
	v14 =	vmul.f32 v9, v21;
	v9 =	vmul.f32 v18, v17  }
0x58: {  	v50 =	vld.idx.msk [tilespmem:v7+s29+$0xFFFFFF80 ss:$0x1], $0xffff;
	v16 =	vmul.f32 v10, v21;
	v10 =	vmul.f32 v20, v19  }
0x59: {  	v57 =	vld.idx.msk [tilespmem:v7+s29+$0x80 ss:$0x1], $0xffff;
	v18 =	vmul.f32 v11, v21;
	v11 =	vmul.f32 v23, v22  }
0x5a: {  	v13 =	vld.idx.msk [tilespmem:v6+s29+$0xFFFFFC80 ss:$0x1], $0xffff;
	v20 =	vmul.f32 v12, v21;
	v12 =	vmul.f32 v25, v24  }
0x5b: {  	v15 =	vld.idx.msk [tilespmem:v7+s29+$0xFFFFFD00 ss:$0x1], $0xffff;
	v23 =	vmul.f32 v9, v21;
	v9 =	vmul.f32 v27, v26  }
0x5c: {  	v17 =	vld.idx.msk [tilespmem:v6+s29+$0xFFFFFD00 ss:$0x1], $0xffff;
	v47 =	vmul.f32 v10, v21;
	v10 =	vmul.f32 v29, v28  }
0x5d: {  	v19 =	vld.idx.msk [tilespmem:v7+s29+$0xFFFFFD80 ss:$0x1], $0xffff;
	v28 =	vmul.f32 v11, v21;
	v11 =	vmul.f32 v31, v30  }
0x5e: {  	v22 =	vld.idx.msk [tilespmem:v6+s29+$0xFFFFFD80 ss:$0x1], $0xffff;
	v30 =	vmul.f32 v12, v21;
	v27 =	vmul.f32 v33, v32  }
0x5f: {  	v24 =	vld.idx.msk [tilespmem:v7+s29+$0xFFFFFE00 ss:$0x1], $0xffff;
	v52 =	vmul.f32 v43, v42;
	v54 =	vmul.f32 v45, v44  }
0x60: {  	v25 =	vld.idx.msk [tilespmem:v6+s29+$0xFFFFFE00 ss:$0x1], $0xffff;
	v56 =	vmul.f32 v13, v46;
	v31 =	vmul.f32 v9, v21  }
0x61: {  	v26 =	vld.idx.msk [tilespmem:v7+s29+$0xFFFFFE80 ss:$0x1], $0xffff;
	v9 =	vmul.f32 v35, v34;
	v33 =	vmul.f32 v10, v21  }
0x62: {  	v29 =	vld.idx.msk [tilespmem:v6+s29+$0xFFFFFE80 ss:$0x1], $0xffff;
	v12 =	vmul.f32 v11, v21;
	v11 =	vmul.f32 v27, v21  }
0x63: {  	v58 =	vld.idx.msk [tilespmem:v6+s29+$0x80 ss:$0x1], $0xffff;
	v27 =	vmul.f32 v41, v40;
	v13 =	vmul.f32 v52, v8  }
0x64: {  	v51 =	vld.idx.msk [tilespmem:v6+s29+$0xFFFFFF80 ss:$0x1], $0xffff;
	v15 =	vmul.f32 v17, v15;
	v17 =	vmul.f32 v54, v8  }
0x65: {  	v53 =	vld.idx.msk [tilespmem:v7+s29+$0x0 ss:$0x1], $0xffff;
	v19 =	vmul.f32 v22, v19;
	v24 =	vmul.f32 v25, v24  }
0x66: {  	v55 =	vld.idx.msk [tilespmem:v6+s29+$0x0 ss:$0x1], $0xffff;
	v10 =	vmul.f32 v9, v21;
	v9 =	vmul.f32 v63, v21  }
0x67: {  	v59 =	vld.idx.msk [tilespmem:v6+s29+$0x100 ss:$0x1], $0xffff;
	v27 =	vmul.f32 v27, v21;
	v26 =	vmul.f32 v29, v26  }
0x68: {  	v60 =	vld.idx.msk [tilespmem:v7+s29+$0x180 ss:$0x1], $0xffff;
	v14 =	vadd.f32 v17, v14;
	v29 =	vmul.f32 v48, v62;
	v62 =	vmul.f32 v58, v57  }
0x69: {  	v22 =	vld.idx.msk [tilespmem:v7+s29+$0x100 ss:$0x1], $0xffff;
	v17 =	vmul.f32 v15, v8;
	v13 =	vadd.f32 v13, v27;
	v27 =	vmul.f32 v56, v8  }
0x6a: {  	v61 =	vld.idx.msk [tilespmem:v6+s29+$0x180 ss:$0x1], $0xffff;
	v19 =	vmul.f32 v19, v8;
	v32 =	vmul.f32 v62, v8  }
0x6b: {  	v25 =	vld.idx.msk [tilespmem:v7+s29+$0x200 ss:$0x1], $0xffff;
	v15 =	vadd.f32 v27, v16;
	v16 =	vadd.f32 v17, v18;
	v18 =	vmul.f32 v24, v8  }
0x6c: {  	v24 =	vmul.f32 v51, v50;
	v17 =	vadd.f32 v19, v20;
	v20 =	vmul.f32 v55, v53;
	v27 =	vld.idx.msk [tilespmem:v6+s29+$0x200 ss:$0x1], $0xffff  }
0x6d: {  	v19 =	vmul.f32 v26, v8;
	v26 =	vld.idx.msk [tilespmem:v7+s29+$0x280 ss:$0x1], $0xffff;
	v18 =	vadd.f32 v18, v23;
	v23 =	vmul.f32 v29, v8  }
0x6e: {  	v34 =	vmul.f32 v59, v22;
	v22 =	vadd.f32 v32, v33;
	v63 =	vmul.f32 v20, v8;
	v29 =	vld.idx.msk [tilespmem:v6+s29+$0x280 ss:$0x1], $0xffff  }
0x6f: {  	v33 =	vmul.f32 v61, v60;
	v37 =	vmul.f32 v24, v8;
	v20 =	vadd.f32 v23, v28;
	v28 =	vld.idx.msk [tilespmem:v7+s29+$0x300 ss:$0x1], $0xffff  }
0x70: {  	s28 =	simm.s32 $0x10;
	v24 =	vmul.f32 v49, v21;
	v32 =	vmul.f32 v34, v8;
	v21 =	vadd.f32 v63, v31;
	v31 =	vld.idx.msk [tilespmem:v6+s29+$0x300 ss:$0x1], $0xffff  }
0x71: {  	v19 =	vadd.f32 v19, v47;
	v23 =	vadd.f32 v37, v30;
	v30 =	vld.idx.msk [tilespmem:v7+s28+$0x380 ss:$0x1], $0xffff;
	s29 =	simm.s32 $0x80  }
.LBB2_4:
0x72: {  	p0 =	sne.s32 s29, $0x180;
	v34 =	vld.idx.msk [tilespmem:v6+s28+$0x380 ss:$0x1], $0xffff;
	v12 =	vadd.f32 v32, v12;
	v32 =	vmul.f32 v33, v8;
	v25 =	vmul.f32 v27, v25  }
0x73: {  	v27 =	vld.idx.msk [tilespmem:v7+s28+$0xFFFFFC00 ss:$0x1], $0xffff  }
0x74: {  	v26 =	vmul.f32 v29, v26;
	v33 =	vld.idx.msk [tilespmem:v6+s28+$0xFFFFFC00 ss:$0x1], $0xffff;
	v11 =	vadd.f32 v32, v11;
	v25 =	vmul.f32 v25, v8  }
0x75: {  	v29 =	vld [tilespmem:s28+$0x10]  }
0x76: {  	v32 =	vld.idx.msk [tilespmem:v7+s28+$0xFFFFFC80 ss:$0x1], $0xffff;
	v10 =	vadd.f32 v25, v10;
	v25 =	vmul.f32 v26, v8;
	v26 =	vmul.f32 v31, v28  }
0x77: {  	v28 =	vld.idx.msk [tilespmem:v6+s28+$0xFFFFFC80 ss:$0x1], $0xffff  }
0x78: {  	v30 =	vmul.f32 v34, v30;
	v31 =	vld.idx.msk [tilespmem:v7+s28+$0xFFFFFD00 ss:$0x1], $0xffff;
	v9 =	vadd.f32 v25, v9;
	v34 =	vmul.f32 v26, v8  }
0x79: {  	v25 =	vld.idx.msk [tilespmem:v6+s28+$0xFFFFFD00 ss:$0x1], $0xffff  }
0x7a: {  	v26 =	vmul.f32 v33, v27;
	v27 =	vld.idx.msk [tilespmem:v7+s28+$0xFFFFFD80 ss:$0x1], $0xffff;
	v30 =	vmul.f32 v30, v29;
	v24 =	vadd.f32 v34, v24  }
0x7b: {  	v8 =	vmov v29;
	v33 =	vld.idx.msk [tilespmem:v6+s28+$0xFFFFFD80 ss:$0x1], $0xffff  }
0x7c: {  	v26 =	vmul.f32 v26, v8;
	v29 =	vld.idx.msk [tilespmem:v7+s28+$0xFFFFFE00 ss:$0x1], $0xffff;
	v13 =	vadd.f32 v30, v13  }
0x7d: {  	v28 =	vmul.f32 v28, v32;
	v30 =	vld.idx.msk [tilespmem:v6+s28+$0xFFFFFE00 ss:$0x1], $0xffff  }
0x7e: {  	v14 =	vadd.f32 v26, v14;
	v26 =	vld.idx.msk [tilespmem:v7+s28+$0xFFFFFE80 ss:$0x1], $0xffff  }
0x7f: {  	v28 =	vmul.f32 v28, v8;
	v25 =	vmul.f32 v25, v31;
	v31 =	vld.idx.msk [tilespmem:v6+s28+$0xFFFFFE80 ss:$0x1], $0xffff  }
0x80: {  	v32 =	vld.idx.msk [tilespmem:v7+s28+$0xFFFFFF00 ss:$0x1], $0xffff  }
0x81: {  	v15 =	vadd.f32 v28, v15;
	v25 =	vmul.f32 v25, v8;
	v27 =	vmul.f32 v33, v27;
	v28 =	vld.idx.msk [tilespmem:v6+s28+$0xFFFFFF00 ss:$0x1], $0xffff  }
0x82: {  	v33 =	vld.idx.msk [tilespmem:v7+s28+$0xFFFFFF80 ss:$0x1], $0xffff  }
0x83: {  	v16 =	vadd.f32 v25, v16;
	v25 =	vmul.f32 v27, v8;
	v27 =	vmul.f32 v30, v29;
	v29 =	vld.idx.msk [tilespmem:v6+s28+$0xFFFFFF80 ss:$0x1], $0xffff  }
0x84: {  	v30 =	vld.idx.msk [tilespmem:v7+s28+$0x0 ss:$0x1], $0xffff  }
0x85: {  	v17 =	vadd.f32 v25, v17;
	v25 =	vmul.f32 v27, v8;
	v26 =	vmul.f32 v31, v26;
	v27 =	vld.idx.msk [tilespmem:v6+s28+$0x0 ss:$0x1], $0xffff  }
0x86: {  	v31 =	vld.idx.msk [tilespmem:v7+s28+$0x80 ss:$0x1], $0xffff  }
0x87: {  	v18 =	vadd.f32 v25, v18;
	v25 =	vmul.f32 v26, v8;
	v26 =	vmul.f32 v28, v32;
	v28 =	vld.idx.msk [tilespmem:v6+s28+$0x80 ss:$0x1], $0xffff  }
0x88: {  	v32 =	vld.idx.msk [tilespmem:v7+s28+$0x100 ss:$0x1], $0xffff  }
0x89: {  	v19 =	vadd.f32 v25, v19;
	v25 =	vmul.f32 v26, v8;
	v26 =	vmul.f32 v29, v33;
	v29 =	vld.idx.msk [tilespmem:v6+s28+$0x100 ss:$0x1], $0xffff  }
0x8a: {  	v33 =	vld.idx.msk [tilespmem:v7+s28+$0x180 ss:$0x1], $0xffff  }
0x8b: {  	v20 =	vadd.f32 v25, v20;
	v26 =	vmul.f32 v26, v8;
	v27 =	vmul.f32 v27, v30;
	v30 =	vld.idx.msk [tilespmem:v6+s28+$0x180 ss:$0x1], $0xffff  }
0x8c: {  	v25 =	vld.idx.msk [tilespmem:v7+s28+$0x200 ss:$0x1], $0xffff  }
0x8d: {  	v23 =	vadd.f32 v26, v23;
	v34 =	vmul.f32 v27, v8;
	v28 =	vmul.f32 v28, v31;
	v27 =	vld.idx.msk [tilespmem:v6+s28+$0x200 ss:$0x1], $0xffff  }
.Ltmp0:
0x8e: {  	v26 =	vld.idx.msk [tilespmem:v7+s28+$0x280 ss:$0x1], $0xffff;
	(pc) =	sbr.rel @p0 .LBB2_4-.Ltmp0, $4  }
0x8f: {  	v21 =	vadd.f32 v34, v21;
	v31 =	vmul.f32 v28, v8;
	v32 =	vmul.f32 v29, v32;
	v29 =	vld.idx.msk [tilespmem:v6+s28+$0x280 ss:$0x1], $0xffff  }
0x90: {  	v28 =	vld.idx.msk [tilespmem:v7+s28+$0x300 ss:$0x1], $0xffff  }
0x91: {  	v22 =	vadd.f32 v31, v22;
	v32 =	vmul.f32 v32, v8;
	v33 =	vmul.f32 v30, v33;
	v31 =	vld.idx.msk [tilespmem:v6+s28+$0x300 ss:$0x1], $0xffff;
	s28 =	sshra.s32 s29, $0x2  }
0x92: {  	s29 =	sadd.s32 $0x40, s29;
	v30 =	vld.idx.msk [tilespmem:v7+s28+$0x380 ss:$0x1], $0xffff  }
0x93: {  	_ =	sdelay $0x3  }
0x94: {  	v34 =	vld.idx.msk [tilespmem:v6+s28+$0x380 ss:$0x1], $0xffff  }
0x95: {  	v35 =	vld.idx.msk [tilespmem:v7+s28+$0xFFFFFC00 ss:$0x1], $0xffff  }
0x96: {  	v36 =	vld.idx.msk [tilespmem:v6+s28+$0xFFFFFC00 ss:$0x1], $0xffff  }
0x97: {  	v37 =	vld [tilespmem:s28+$0x10]  }
0x98: {  	v38 =	vld.idx.msk [tilespmem:v7+s28+$0xFFFFFC80 ss:$0x1], $0xffff  }
0x99: {  	v39 =	vld.idx.msk [tilespmem:v6+s28+$0xFFFFFC80 ss:$0x1], $0xffff  }
0x9a: {  	v40 =	vld.idx.msk [tilespmem:v7+s28+$0xFFFFFD00 ss:$0x1], $0xffff  }
0x9b: {  	v41 =	vld.idx.msk [tilespmem:v6+s28+$0xFFFFFD00 ss:$0x1], $0xffff  }
0x9c: {  	v42 =	vld.idx.msk [tilespmem:v7+s28+$0xFFFFFD80 ss:$0x1], $0xffff  }
0x9d: {  	v43 =	vld.idx.msk [tilespmem:v6+s28+$0xFFFFFD80 ss:$0x1], $0xffff  }
0x9e: {  	v44 =	vld.idx.msk [tilespmem:v7+s28+$0xFFFFFE00 ss:$0x1], $0xffff  }
0x9f: {  	v45 =	vld.idx.msk [tilespmem:v6+s28+$0xFFFFFE00 ss:$0x1], $0xffff  }
0xa0: {  	v46 =	vld.idx.msk [tilespmem:v7+s28+$0xFFFFFE80 ss:$0x1], $0xffff  }
0xa1: {  	v47 =	vld.idx.msk [tilespmem:v6+s28+$0xFFFFFE80 ss:$0x1], $0xffff  }
0xa2: {  	v48 =	vld.idx.msk [tilespmem:v7+s28+$0xFFFFFF00 ss:$0x1], $0xffff  }
0xa3: {  	v49 =	vld.idx.msk [tilespmem:v6+s28+$0xFFFFFF00 ss:$0x1], $0xffff;
	v25 =	vmul.f32 v27, v25  }
0xa4: {  	v50 =	vld.idx.msk [tilespmem:v7+s28+$0xFFFFFF80 ss:$0x1], $0xffff;
	v56 =	vmul.f32 v33, v8;
	v26 =	vmul.f32 v29, v26  }
0xa5: {  	v52 =	vld.idx.msk [tilespmem:v7+s28+$0x0 ss:$0x1], $0xffff;
	v25 =	vmul.f32 v25, v8;
	v28 =	vmul.f32 v31, v28  }
0xa6: {  	v27 =	vld.idx.msk [tilespmem:v6+s28+$0x0 ss:$0x1], $0xffff;
	v26 =	vmul.f32 v26, v8;
	v30 =	vmul.f32 v34, v30  }
0xa7: {  	v51 =	vld.idx.msk [tilespmem:v6+s28+$0xFFFFFF80 ss:$0x1], $0xffff;
	v57 =	vmul.f32 v28, v8;
	v58 =	vmul.f32 v36, v35  }
0xa8: {  	v33 =	vld.idx.msk [tilespmem:v6+s28+$0x80 ss:$0x1], $0xffff;
	v59 =	vmul.f32 v39, v38;
	v60 =	vmul.f32 v41, v40  }
0xa9: {  	v53 =	vld.idx.msk [tilespmem:v7+s28+$0x200 ss:$0x1], $0xffff;
	v61 =	vmul.f32 v43, v42;
	v63 =	vmul.f32 v45, v44  }
0xaa: {  	v11 =	vadd.f32 v56, v11;
	v56 =	vld.idx.msk [tilespmem:v6+s28+$0x200 ss:$0x1], $0xffff;
	v47 =	vmul.f32 v47, v46;
	v55 =	vmul.f32 v49, v48  }
0xab: {  	v12 =	vadd.f32 v32, v12;
	v31 =	vld.idx.msk [tilespmem:v7+s28+$0x80 ss:$0x1], $0xffff;
	v27 =	vmul.f32 v27, v52;
	v62 =	vmul.f32 v30, v37  }
0xac: {  	v10 =	vadd.f32 v25, v10;
	v28 =	vld.idx.msk [tilespmem:v7+s28+$0x100 ss:$0x1], $0xffff;
	v45 =	vmul.f32 v58, v37;
	v54 =	vmul.f32 v59, v37  }
0xad: {  	v34 =	vld.idx.msk [tilespmem:v6+s28+$0x100 ss:$0x1], $0xffff;
	v8 =	vadd.f32 v57, v24;
	v57 =	vmul.f32 v60, v37;
	v58 =	vmul.f32 v51, v50  }
0xae: {  	v36 =	vld.idx.msk [tilespmem:v7+s28+$0x180 ss:$0x1], $0xffff;
	v9 =	vadd.f32 v26, v9;
	v60 =	vmul.f32 v61, v37;
	v30 =	vmul.f32 v63, v37  }
0xaf: {  	v44 =	vld.idx.msk [tilespmem:v6+s28+$0x180 ss:$0x1], $0xffff;
	v27 =	vmul.f32 v27, v37;
	v13 =	vadd.f32 v62, v13;
	v14 =	vadd.f32 v45, v14  }
0xb0: {  	v59 =	vld.idx.msk [tilespmem:v7+s28+$0x280 ss:$0x1], $0xffff;
	v38 =	vmul.f32 v56, v53;
	v15 =	vadd.f32 v54, v15;
	v16 =	vadd.f32 v57, v16  }
0xb1: {  	v61 =	vld.idx.msk [tilespmem:v6+s28+$0x280 ss:$0x1], $0xffff;
	v62 =	vmul.f32 v33, v31;
	v17 =	vadd.f32 v60, v17;
	v33 =	vmul.f32 v47, v37  }
0xb2: {  	v7 =	vld.idx.msk [tilespmem:v7+s28+$0x300 ss:$0x1], $0xffff;
	v18 =	vadd.f32 v30, v18;
	v25 =	vmul.f32 v58, v37;
	v41 =	vmul.f32 v38, v37  }
0xb3: {  	v6 =	vld.idx.msk [tilespmem:v6+s28+$0x300 ss:$0x1], $0xffff;
	v21 =	vadd.f32 v27, v21;
	v63 =	vmul.f32 v34, v28;
	v34 =	vmul.f32 v55, v37  }
0xb4: {  	v36 =	vmul.f32 v44, v36;
	v19 =	vadd.f32 v33, v19;
	v24 =	vmul.f32 v62, v37  }
0xb5: {  	v23 =	vadd.f32 v25, v23;
	v10 =	vadd.f32 v41, v10;
	v43 =	vsel vm0, v15, v14  }
0xb6: {  	v44 =	vsel vm0, v17, v16;
	v14 =	vsel vm0, v14, v15;
	v46 =	vsel vm0, v16, v17  }
0xb7: {  	v20 =	vadd.f32 v34, v20;
	v26 =	vmul.f32 v63, v37;
	v39 =	vmul.f32 v61, v59  }
0xb8: {  	v40 =	vmul.f32 v36, v37;
	v6 =	vmul.f32 v6, v7;
	v7 =	vadd.f32 v24, v22  }
0xb9: {  	v22 =	vperm.xlane v44, v0;
	v45 =	vsel vm0, v19, v18;
	v49 =	vsel vm0, v18, v19  }
0xba: {  	v42 =	vmul.f32 v39, v37;
	v12 =	vadd.f32 v26, v12;
	v11 =	vadd.f32 v40, v11  }
0xbb: {  	v6 =	vmul.f32 v6, v37;
	v47 =	vperm.xlane v45, v0;
	v50 =	vsel vm0, v23, v20  }
0xbc: {  	v53 =	vsel vm0, v20, v23;
	v48 =	vadd.f32 v22, v46;
	v51 =	vsel vm0, v7, v21  }
0xbd: {  	v16 =	vperm.xlane v50, v0;
	v7 =	vsel vm0, v21, v7;
	v9 =	vadd.f32 v42, v9  }
0xbe: {  	v6 =	vadd.f32 v6, v8;
	v8 =	vperm.xlane v43, v0;
	v15 =	vadd.f32 v47, v49  }
0xbf: {  	v17 =	vperm.xlane v51, v0;
	v52 =	vsel vm0, v11, v12;
	v11 =	vsel vm0, v12, v11  }
0xc0: {  	v18 =	vperm.xlane v52, v0;
	v16 =	vadd.f32 v16, v53;
	v8 =	vadd.f32 v8, v14  }
0xc1: {  	v7 =	vadd.f32 v17, v7;
	v54 =	vsel vm0, v9, v10;
	v55 =	vsel vm0, v13, v6  }
0xc2: {  	v9 =	vsel vm0, v10, v9;
	v12 =	vperm.xlane v54, v0;
	v17 =	vperm.xlane v55, v0  }
0xc3: {  	v6 =	vsel vm0, v6, v13;
	v11 =	vadd.f32 v18, v11;
	v58 =	vsel vm1, v16, v15  }
0xc4: {  	v61 =	vsel vm1, v15, v16;
	v9 =	vadd.f32 v12, v9;
	v6 =	vadd.f32 v17, v6  }
0xc5: {  	v56 =	vsel vm1, v48, v8;
	v8 =	vsel vm1, v8, v48;
	v10 =	vperm.xlane v58, v1  }
0xc6: {  	v57 =	vperm.xlane v56, v1;
	v59 =	vsel vm1, v11, v7;
	v60 =	vsel vm1, v6, v9  }
0xc7: {  	v7 =	vsel vm1, v7, v11;
	v12 =	vperm.xlane v59, v1;
	v13 =	vperm.xlane v60, v1  }
0xc8: {  	v10 =	vadd.f32 v10, v61;
	v8 =	vadd.f32 v57, v8;
	v6 =	vsel vm1, v9, v6  }
0xc9: {  	v7 =	vadd.f32 v12, v7;
	v6 =	vadd.f32 v13, v6;
	_ =	sdelay $0x1  }
0xca: {  	v62 =	vsel vm2, v10, v8;
	v63 =	vsel vm2, v6, v7  }
0xcb: {  	v9 =	vperm.xlane v62, v2;
	v11 =	vperm.xlane v63, v2  }
0xcc: {  	v8 =	vsel vm2, v8, v10;
	v6 =	vsel vm2, v7, v6  }
0xcd: {  	v7 =	vadd.f32 v9, v8;
	v6 =	vadd.f32 v11, v6;
	_ =	sdelay $0x1  }
0xce: {  	v8 =	vsel vm3, v6, v7  }
0xcf: {  	s31 =	sshll.u32 s24, $0x4;
	s24 =	sadd.s32 $0x1, s24;
	v8 =	vperm.xlane v8, v3  }
0xd0: {  	p0 =	sne.s32 s24, $0x5;
	v6 =	vsel vm3, v7, v6  }
.Ltmp1:
0xd1: {  	v6 =	vadd.f32 v6, v8;
	(pc) =	sbr.rel @p0 .LBB2_3-.Ltmp1, $4  }
0xd2: {  	_ = 	snop  }
0xd3: {  	v6 =	vadd.f32 v6, v4  }
0xd4: {  	s28 =	sand.u32 $0x3FFFFFF0, s31  }
0xd5: {  	s25 =	sadd.s32 $0x800, s25;
	s26 =	sadd.s32 $0x800, s26;
	[tilespmem:v5+s28+$0x0 ss:$0x1] =	vst.idx.msk $0xffff, v6  }
0xd6: {  	s24 =	sadd.s32 $0x1A0, s22  }
0xd7: {  	[tilespmem:s13], [sflag:$0x1] =	stream.indirect.gather [hbm4b:s1+s12], $0x80, s24, s12, $0xb8;
	[tilespmem:$0x11780] =	vst v63  }
0xd8: {  	s31 =	sadd.s32 $0x2920, s22  }
0xd9: {  	[tilespmem:s14], [sflag:$0x1] =	stream.indirect.gather [hbm4b:s1+s12], $0x80, s31, s12, $0xb8;
	[tilespmem:$0x11780] =	vst v63  }
0xda: {  	_ =	swait.ge [sflag:s18], $0x2800  }
0xdb: {  	[sflag:s18] =	ssyncset.done $0x0  }
0xdc: {  	[sflag:s18] =	ssyncadd.s32 $0xFFFFD800  }
0xdd: {  	_ =	swait.ge [sflag:s18], $0x2800  }
0xde: {  	s25 =	sadd.s32 $0x5000, s23;
	s22 =	simm.s32 $0x0;
	[sflag:s18] =	ssyncset.done $0x0  }
0xdf: {  	s23 =	simm.s32 $0xF390;
	s24 =	simm.s32 $0xCB90;
	v5 =	vmov s25;
	[sflag:s18] =	ssyncadd.s32 $0xFFFFD800  }
.LBB2_7:
0xe0: {  	v21 =	vld [tilespmem:$0x0];
	s25 =	sshll.u32 s22, $0xB  }
0xe1: {  	v9 =	vld [tilespmem:s25+$0xC780]  }
0xe2: {  	v10 =	vld [tilespmem:s25+$0xEF80]  }
0xe3: {  	v11 =	vld [tilespmem:s25+$0xC800]  }
0xe4: {  	v12 =	vld [tilespmem:s25+$0xF000]  }
0xe5: {  	v13 =	vld [tilespmem:s25+$0xC880]  }
0xe6: {  	v14 =	vld [tilespmem:s25+$0xF080]  }
0xe7: {  	v15 =	vld [tilespmem:s25+$0xC900]  }
0xe8: {  	v16 =	vld [tilespmem:s25+$0xF100]  }
0xe9: {  	v17 =	vld [tilespmem:s25+$0xC980]  }
0xea: {  	v18 =	vld [tilespmem:s25+$0xF180]  }
0xeb: {  	v19 =	vld [tilespmem:s25+$0xCA00]  }
0xec: {  	v20 =	vld [tilespmem:s25+$0xF200]  }
0xed: {  	v22 =	vld [tilespmem:s25+$0xCA80]  }
0xee: {  	v23 =	vld [tilespmem:s25+$0xF280]  }
0xef: {  	v24 =	vld [tilespmem:s25+$0xCB00]  }
0xf0: {  	v25 =	vld [tilespmem:s25+$0xF300]  }
0xf1: {  	v26 =	vld [tilespmem:s25+$0xCB80]  }
0xf2: {  	v27 =	vld [tilespmem:s25+$0xF380]  }
0xf3: {  	v28 =	vld [tilespmem:s25+$0xCC00]  }
0xf4: {  	v29 =	vld [tilespmem:s25+$0xF400]  }
0xf5: {  	v30 =	vld [tilespmem:s25+$0xCC80]  }
0xf6: {  	v31 =	vld [tilespmem:s25+$0xF480]  }
0xf7: {  	v32 =	vld [tilespmem:s25+$0xCD00]  }
0xf8: {  	v33 =	vld [tilespmem:s25+$0xF500]  }
0xf9: {  	v34 =	vld [tilespmem:s25+$0xCD80]  }
0xfa: {  	v35 =	vld [tilespmem:s25+$0xF580]  }
0xfb: {  	v36 =	vld [tilespmem:s25+$0xCE00]  }
0xfc: {  	v37 =	vld [tilespmem:s25+$0xF600]  }
0xfd: {  	v7 =	vmov s24;
	v38 =	vld [tilespmem:s25+$0xCE80]  }
0xfe: {  	v6 =	vmov s23;
	v39 =	vld [tilespmem:s25+$0xF680]  }
0xff: {  	v40 =	vld [tilespmem:s25+$0xCF00]  }
0x100: {  	s26 =	simm.s32 $0x0;
	v41 =	vld [tilespmem:s25+$0xF700]  }
0x101: {  	v8 =	vld [tilespmem:s26+$0x10]  }
0x102: {  	v42 =	vld.idx.msk [tilespmem:v7+s26+$0x380 ss:$0x1], $0xffff  }
0x103: {  	v43 =	vld.idx.msk [tilespmem:v6+s26+$0x380 ss:$0x1], $0xffff  }
0x104: {  	v44 =	vld.idx.msk [tilespmem:v7+s26+$0xFFFFFC00 ss:$0x1], $0xffff  }
0x105: {  	v45 =	vld.idx.msk [tilespmem:v6+s26+$0xFFFFFC00 ss:$0x1], $0xffff;
	v9 =	vmul.f32 v10, v9;
	v10 =	vmul.f32 v12, v11  }
0x106: {  	v46 =	vld.idx.msk [tilespmem:v7+s26+$0xFFFFFC80 ss:$0x1], $0xffff;
	v11 =	vmul.f32 v14, v13;
	v12 =	vmul.f32 v16, v15  }
0x107: {  	v62 =	vld.idx.msk [tilespmem:v7+s26+$0xFFFFFF00 ss:$0x1], $0xffff;
	v63 =	vmul.f32 v37, v36;
	v49 =	vmul.f32 v39, v38  }
0x108: {  	v48 =	vld.idx.msk [tilespmem:v6+s26+$0xFFFFFF00 ss:$0x1], $0xffff;
	v14 =	vmul.f32 v9, v21;
	v9 =	vmul.f32 v18, v17  }
0x109: {  	v50 =	vld.idx.msk [tilespmem:v7+s26+$0xFFFFFF80 ss:$0x1], $0xffff;
	v16 =	vmul.f32 v10, v21;
	v10 =	vmul.f32 v20, v19  }
0x10a: {  	v57 =	vld.idx.msk [tilespmem:v7+s26+$0x80 ss:$0x1], $0xffff;
	v18 =	vmul.f32 v11, v21;
	v11 =	vmul.f32 v23, v22  }
0x10b: {  	v13 =	vld.idx.msk [tilespmem:v6+s26+$0xFFFFFC80 ss:$0x1], $0xffff;
	v20 =	vmul.f32 v12, v21;
	v12 =	vmul.f32 v25, v24  }
0x10c: {  	v15 =	vld.idx.msk [tilespmem:v7+s26+$0xFFFFFD00 ss:$0x1], $0xffff;
	v23 =	vmul.f32 v9, v21;
	v9 =	vmul.f32 v27, v26  }
0x10d: {  	v17 =	vld.idx.msk [tilespmem:v6+s26+$0xFFFFFD00 ss:$0x1], $0xffff;
	v47 =	vmul.f32 v10, v21;
	v10 =	vmul.f32 v29, v28  }
0x10e: {  	v19 =	vld.idx.msk [tilespmem:v7+s26+$0xFFFFFD80 ss:$0x1], $0xffff;
	v28 =	vmul.f32 v11, v21;
	v11 =	vmul.f32 v31, v30  }
0x10f: {  	v22 =	vld.idx.msk [tilespmem:v6+s26+$0xFFFFFD80 ss:$0x1], $0xffff;
	v30 =	vmul.f32 v12, v21;
	v27 =	vmul.f32 v33, v32  }
0x110: {  	v24 =	vld.idx.msk [tilespmem:v7+s26+$0xFFFFFE00 ss:$0x1], $0xffff;
	v52 =	vmul.f32 v43, v42;
	v54 =	vmul.f32 v45, v44  }
0x111: {  	v25 =	vld.idx.msk [tilespmem:v6+s26+$0xFFFFFE00 ss:$0x1], $0xffff;
	v56 =	vmul.f32 v13, v46;
	v31 =	vmul.f32 v9, v21  }
0x112: {  	v26 =	vld.idx.msk [tilespmem:v7+s26+$0xFFFFFE80 ss:$0x1], $0xffff;
	v9 =	vmul.f32 v35, v34;
	v33 =	vmul.f32 v10, v21  }
0x113: {  	v29 =	vld.idx.msk [tilespmem:v6+s26+$0xFFFFFE80 ss:$0x1], $0xffff;
	v12 =	vmul.f32 v11, v21;
	v11 =	vmul.f32 v27, v21  }
0x114: {  	v58 =	vld.idx.msk [tilespmem:v6+s26+$0x80 ss:$0x1], $0xffff;
	v27 =	vmul.f32 v41, v40;
	v13 =	vmul.f32 v52, v8  }
0x115: {  	v51 =	vld.idx.msk [tilespmem:v6+s26+$0xFFFFFF80 ss:$0x1], $0xffff;
	v15 =	vmul.f32 v17, v15;
	v17 =	vmul.f32 v54, v8  }
0x116: {  	v53 =	vld.idx.msk [tilespmem:v7+s26+$0x0 ss:$0x1], $0xffff;
	v19 =	vmul.f32 v22, v19;
	v24 =	vmul.f32 v25, v24  }
0x117: {  	v55 =	vld.idx.msk [tilespmem:v6+s26+$0x0 ss:$0x1], $0xffff;
	v10 =	vmul.f32 v9, v21;
	v9 =	vmul.f32 v63, v21  }
0x118: {  	v59 =	vld.idx.msk [tilespmem:v6+s26+$0x100 ss:$0x1], $0xffff;
	v27 =	vmul.f32 v27, v21;
	v26 =	vmul.f32 v29, v26  }
0x119: {  	v60 =	vld.idx.msk [tilespmem:v7+s26+$0x180 ss:$0x1], $0xffff;
	v14 =	vadd.f32 v17, v14;
	v29 =	vmul.f32 v48, v62;
	v62 =	vmul.f32 v58, v57  }
0x11a: {  	v22 =	vld.idx.msk [tilespmem:v7+s26+$0x100 ss:$0x1], $0xffff;
	v17 =	vmul.f32 v15, v8;
	v13 =	vadd.f32 v13, v27;
	v27 =	vmul.f32 v56, v8  }
0x11b: {  	v61 =	vld.idx.msk [tilespmem:v6+s26+$0x180 ss:$0x1], $0xffff;
	v19 =	vmul.f32 v19, v8;
	v32 =	vmul.f32 v62, v8  }
0x11c: {  	v25 =	vld.idx.msk [tilespmem:v7+s26+$0x200 ss:$0x1], $0xffff;
	v15 =	vadd.f32 v27, v16;
	v16 =	vadd.f32 v17, v18;
	v18 =	vmul.f32 v24, v8  }
0x11d: {  	v24 =	vmul.f32 v51, v50;
	v17 =	vadd.f32 v19, v20;
	v20 =	vmul.f32 v55, v53;
	v27 =	vld.idx.msk [tilespmem:v6+s26+$0x200 ss:$0x1], $0xffff  }
0x11e: {  	v19 =	vmul.f32 v26, v8;
	v26 =	vld.idx.msk [tilespmem:v7+s26+$0x280 ss:$0x1], $0xffff;
	v18 =	vadd.f32 v18, v23;
	v23 =	vmul.f32 v29, v8  }
0x11f: {  	v34 =	vmul.f32 v59, v22;
	v22 =	vadd.f32 v32, v33;
	v63 =	vmul.f32 v20, v8;
	v29 =	vld.idx.msk [tilespmem:v6+s26+$0x280 ss:$0x1], $0xffff  }
0x120: {  	v33 =	vmul.f32 v61, v60;
	v37 =	vmul.f32 v24, v8;
	v20 =	vadd.f32 v23, v28;
	v28 =	vld.idx.msk [tilespmem:v7+s26+$0x300 ss:$0x1], $0xffff  }
0x121: {  	s25 =	simm.s32 $0x10;
	v24 =	vmul.f32 v49, v21;
	v32 =	vmul.f32 v34, v8;
	v21 =	vadd.f32 v63, v31;
	v31 =	vld.idx.msk [tilespmem:v6+s26+$0x300 ss:$0x1], $0xffff  }
0x122: {  	v19 =	vadd.f32 v19, v47;
	v23 =	vadd.f32 v37, v30;
	v30 =	vld.idx.msk [tilespmem:v7+s25+$0x380 ss:$0x1], $0xffff;
	s26 =	simm.s32 $0x80  }
.LBB2_8:
0x123: {  	p0 =	sne.s32 s26, $0x180;
	v34 =	vld.idx.msk [tilespmem:v6+s25+$0x380 ss:$0x1], $0xffff;
	v12 =	vadd.f32 v32, v12;
	v32 =	vmul.f32 v33, v8;
	v25 =	vmul.f32 v27, v25  }
0x124: {  	v27 =	vld.idx.msk [tilespmem:v7+s25+$0xFFFFFC00 ss:$0x1], $0xffff  }
0x125: {  	v26 =	vmul.f32 v29, v26;
	v33 =	vld.idx.msk [tilespmem:v6+s25+$0xFFFFFC00 ss:$0x1], $0xffff;
	v11 =	vadd.f32 v32, v11;
	v25 =	vmul.f32 v25, v8  }
0x126: {  	v29 =	vld [tilespmem:s25+$0x10]  }
0x127: {  	v32 =	vld.idx.msk [tilespmem:v7+s25+$0xFFFFFC80 ss:$0x1], $0xffff;
	v10 =	vadd.f32 v25, v10;
	v25 =	vmul.f32 v26, v8;
	v26 =	vmul.f32 v31, v28  }
0x128: {  	v28 =	vld.idx.msk [tilespmem:v6+s25+$0xFFFFFC80 ss:$0x1], $0xffff  }
0x129: {  	v30 =	vmul.f32 v34, v30;
	v31 =	vld.idx.msk [tilespmem:v7+s25+$0xFFFFFD00 ss:$0x1], $0xffff;
	v9 =	vadd.f32 v25, v9;
	v34 =	vmul.f32 v26, v8  }
0x12a: {  	v25 =	vld.idx.msk [tilespmem:v6+s25+$0xFFFFFD00 ss:$0x1], $0xffff  }
0x12b: {  	v26 =	vmul.f32 v33, v27;
	v27 =	vld.idx.msk [tilespmem:v7+s25+$0xFFFFFD80 ss:$0x1], $0xffff;
	v30 =	vmul.f32 v30, v29;
	v24 =	vadd.f32 v34, v24  }
0x12c: {  	v8 =	vmov v29;
	v33 =	vld.idx.msk [tilespmem:v6+s25+$0xFFFFFD80 ss:$0x1], $0xffff  }
0x12d: {  	v26 =	vmul.f32 v26, v8;
	v29 =	vld.idx.msk [tilespmem:v7+s25+$0xFFFFFE00 ss:$0x1], $0xffff;
	v13 =	vadd.f32 v30, v13  }
0x12e: {  	v28 =	vmul.f32 v28, v32;
	v30 =	vld.idx.msk [tilespmem:v6+s25+$0xFFFFFE00 ss:$0x1], $0xffff  }
0x12f: {  	v14 =	vadd.f32 v26, v14;
	v26 =	vld.idx.msk [tilespmem:v7+s25+$0xFFFFFE80 ss:$0x1], $0xffff  }
0x130: {  	v28 =	vmul.f32 v28, v8;
	v25 =	vmul.f32 v25, v31;
	v31 =	vld.idx.msk [tilespmem:v6+s25+$0xFFFFFE80 ss:$0x1], $0xffff  }
0x131: {  	v32 =	vld.idx.msk [tilespmem:v7+s25+$0xFFFFFF00 ss:$0x1], $0xffff  }
0x132: {  	v15 =	vadd.f32 v28, v15;
	v25 =	vmul.f32 v25, v8;
	v27 =	vmul.f32 v33, v27;
	v28 =	vld.idx.msk [tilespmem:v6+s25+$0xFFFFFF00 ss:$0x1], $0xffff  }
0x133: {  	v33 =	vld.idx.msk [tilespmem:v7+s25+$0xFFFFFF80 ss:$0x1], $0xffff  }
0x134: {  	v16 =	vadd.f32 v25, v16;
	v25 =	vmul.f32 v27, v8;
	v27 =	vmul.f32 v30, v29;
	v29 =	vld.idx.msk [tilespmem:v6+s25+$0xFFFFFF80 ss:$0x1], $0xffff  }
0x135: {  	v30 =	vld.idx.msk [tilespmem:v7+s25+$0x0 ss:$0x1], $0xffff  }
0x136: {  	v17 =	vadd.f32 v25, v17;
	v25 =	vmul.f32 v27, v8;
	v26 =	vmul.f32 v31, v26;
	v27 =	vld.idx.msk [tilespmem:v6+s25+$0x0 ss:$0x1], $0xffff  }
0x137: {  	v31 =	vld.idx.msk [tilespmem:v7+s25+$0x80 ss:$0x1], $0xffff  }
0x138: {  	v18 =	vadd.f32 v25, v18;
	v25 =	vmul.f32 v26, v8;
	v26 =	vmul.f32 v28, v32;
	v28 =	vld.idx.msk [tilespmem:v6+s25+$0x80 ss:$0x1], $0xffff  }
0x139: {  	v32 =	vld.idx.msk [tilespmem:v7+s25+$0x100 ss:$0x1], $0xffff  }
0x13a: {  	v19 =	vadd.f32 v25, v19;
	v25 =	vmul.f32 v26, v8;
	v26 =	vmul.f32 v29, v33;
	v29 =	vld.idx.msk [tilespmem:v6+s25+$0x100 ss:$0x1], $0xffff  }
0x13b: {  	v33 =	vld.idx.msk [tilespmem:v7+s25+$0x180 ss:$0x1], $0xffff  }
0x13c: {  	v20 =	vadd.f32 v25, v20;
	v26 =	vmul.f32 v26, v8;
	v27 =	vmul.f32 v27, v30;
	v30 =	vld.idx.msk [tilespmem:v6+s25+$0x180 ss:$0x1], $0xffff  }
0x13d: {  	v25 =	vld.idx.msk [tilespmem:v7+s25+$0x200 ss:$0x1], $0xffff  }
0x13e: {  	v23 =	vadd.f32 v26, v23;
	v34 =	vmul.f32 v27, v8;
	v28 =	vmul.f32 v28, v31;
	v27 =	vld.idx.msk [tilespmem:v6+s25+$0x200 ss:$0x1], $0xffff  }
.Ltmp2:
0x13f: {  	v26 =	vld.idx.msk [tilespmem:v7+s25+$0x280 ss:$0x1], $0xffff;
	(pc) =	sbr.rel @p0 .LBB2_8-.Ltmp2, $4  }
0x140: {  	v21 =	vadd.f32 v34, v21;
	v31 =	vmul.f32 v28, v8;
	v32 =	vmul.f32 v29, v32;
	v29 =	vld.idx.msk [tilespmem:v6+s25+$0x280 ss:$0x1], $0xffff  }
0x141: {  	v28 =	vld.idx.msk [tilespmem:v7+s25+$0x300 ss:$0x1], $0xffff  }
0x142: {  	v22 =	vadd.f32 v31, v22;
	v32 =	vmul.f32 v32, v8;
	v33 =	vmul.f32 v30, v33;
	v31 =	vld.idx.msk [tilespmem:v6+s25+$0x300 ss:$0x1], $0xffff;
	s25 =	sshra.s32 s26, $0x2  }
0x143: {  	s26 =	sadd.s32 $0x40, s26;
	v30 =	vld.idx.msk [tilespmem:v7+s25+$0x380 ss:$0x1], $0xffff  }
0x144: {  	_ =	sdelay $0x3  }
0x145: {  	v34 =	vld.idx.msk [tilespmem:v6+s25+$0x380 ss:$0x1], $0xffff  }
0x146: {  	v35 =	vld.idx.msk [tilespmem:v7+s25+$0xFFFFFC00 ss:$0x1], $0xffff  }
0x147: {  	v36 =	vld.idx.msk [tilespmem:v6+s25+$0xFFFFFC00 ss:$0x1], $0xffff  }
0x148: {  	v37 =	vld [tilespmem:s25+$0x10]  }
0x149: {  	v38 =	vld.idx.msk [tilespmem:v7+s25+$0xFFFFFC80 ss:$0x1], $0xffff  }
0x14a: {  	v39 =	vld.idx.msk [tilespmem:v6+s25+$0xFFFFFC80 ss:$0x1], $0xffff  }
0x14b: {  	v40 =	vld.idx.msk [tilespmem:v7+s25+$0xFFFFFD00 ss:$0x1], $0xffff  }
0x14c: {  	v41 =	vld.idx.msk [tilespmem:v6+s25+$0xFFFFFD00 ss:$0x1], $0xffff  }
0x14d: {  	v42 =	vld.idx.msk [tilespmem:v7+s25+$0xFFFFFD80 ss:$0x1], $0xffff  }
0x14e: {  	v43 =	vld.idx.msk [tilespmem:v6+s25+$0xFFFFFD80 ss:$0x1], $0xffff  }
0x14f: {  	v44 =	vld.idx.msk [tilespmem:v7+s25+$0xFFFFFE00 ss:$0x1], $0xffff  }
0x150: {  	v45 =	vld.idx.msk [tilespmem:v6+s25+$0xFFFFFE00 ss:$0x1], $0xffff  }
0x151: {  	v46 =	vld.idx.msk [tilespmem:v7+s25+$0xFFFFFE80 ss:$0x1], $0xffff  }
0x152: {  	v47 =	vld.idx.msk [tilespmem:v6+s25+$0xFFFFFE80 ss:$0x1], $0xffff  }
0x153: {  	v48 =	vld.idx.msk [tilespmem:v7+s25+$0xFFFFFF00 ss:$0x1], $0xffff  }
0x154: {  	v49 =	vld.idx.msk [tilespmem:v6+s25+$0xFFFFFF00 ss:$0x1], $0xffff;
	v25 =	vmul.f32 v27, v25  }
0x155: {  	v50 =	vld.idx.msk [tilespmem:v7+s25+$0xFFFFFF80 ss:$0x1], $0xffff;
	v56 =	vmul.f32 v33, v8;
	v26 =	vmul.f32 v29, v26  }
0x156: {  	v52 =	vld.idx.msk [tilespmem:v7+s25+$0x0 ss:$0x1], $0xffff;
	v25 =	vmul.f32 v25, v8;
	v28 =	vmul.f32 v31, v28  }
0x157: {  	v27 =	vld.idx.msk [tilespmem:v6+s25+$0x0 ss:$0x1], $0xffff;
	v26 =	vmul.f32 v26, v8;
	v30 =	vmul.f32 v34, v30  }
0x158: {  	v51 =	vld.idx.msk [tilespmem:v6+s25+$0xFFFFFF80 ss:$0x1], $0xffff;
	v57 =	vmul.f32 v28, v8;
	v58 =	vmul.f32 v36, v35  }
0x159: {  	v33 =	vld.idx.msk [tilespmem:v6+s25+$0x80 ss:$0x1], $0xffff;
	v59 =	vmul.f32 v39, v38;
	v60 =	vmul.f32 v41, v40  }
0x15a: {  	v53 =	vld.idx.msk [tilespmem:v7+s25+$0x200 ss:$0x1], $0xffff;
	v61 =	vmul.f32 v43, v42;
	v63 =	vmul.f32 v45, v44  }
0x15b: {  	v11 =	vadd.f32 v56, v11;
	v56 =	vld.idx.msk [tilespmem:v6+s25+$0x200 ss:$0x1], $0xffff;
	v47 =	vmul.f32 v47, v46;
	v55 =	vmul.f32 v49, v48  }
0x15c: {  	v12 =	vadd.f32 v32, v12;
	v31 =	vld.idx.msk [tilespmem:v7+s25+$0x80 ss:$0x1], $0xffff;
	v27 =	vmul.f32 v27, v52;
	v62 =	vmul.f32 v30, v37  }
0x15d: {  	v10 =	vadd.f32 v25, v10;
	v28 =	vld.idx.msk [tilespmem:v7+s25+$0x100 ss:$0x1], $0xffff;
	v45 =	vmul.f32 v58, v37;
	v54 =	vmul.f32 v59, v37  }
0x15e: {  	v34 =	vld.idx.msk [tilespmem:v6+s25+$0x100 ss:$0x1], $0xffff;
	v8 =	vadd.f32 v57, v24;
	v57 =	vmul.f32 v60, v37;
	v58 =	vmul.f32 v51, v50  }
0x15f: {  	v36 =	vld.idx.msk [tilespmem:v7+s25+$0x180 ss:$0x1], $0xffff;
	v9 =	vadd.f32 v26, v9;
	v60 =	vmul.f32 v61, v37;
	v30 =	vmul.f32 v63, v37  }
0x160: {  	v44 =	vld.idx.msk [tilespmem:v6+s25+$0x180 ss:$0x1], $0xffff;
	v27 =	vmul.f32 v27, v37;
	v13 =	vadd.f32 v62, v13;
	v14 =	vadd.f32 v45, v14  }
0x161: {  	v59 =	vld.idx.msk [tilespmem:v7+s25+$0x280 ss:$0x1], $0xffff;
	v38 =	vmul.f32 v56, v53;
	v15 =	vadd.f32 v54, v15;
	v16 =	vadd.f32 v57, v16  }
0x162: {  	v61 =	vld.idx.msk [tilespmem:v6+s25+$0x280 ss:$0x1], $0xffff;
	v62 =	vmul.f32 v33, v31;
	v17 =	vadd.f32 v60, v17;
	v33 =	vmul.f32 v47, v37  }
0x163: {  	v7 =	vld.idx.msk [tilespmem:v7+s25+$0x300 ss:$0x1], $0xffff;
	v18 =	vadd.f32 v30, v18;
	v25 =	vmul.f32 v58, v37;
	v41 =	vmul.f32 v38, v37  }
0x164: {  	v6 =	vld.idx.msk [tilespmem:v6+s25+$0x300 ss:$0x1], $0xffff;
	v21 =	vadd.f32 v27, v21;
	v63 =	vmul.f32 v34, v28;
	v34 =	vmul.f32 v55, v37  }
0x165: {  	v36 =	vmul.f32 v44, v36;
	v19 =	vadd.f32 v33, v19;
	v24 =	vmul.f32 v62, v37  }
0x166: {  	v23 =	vadd.f32 v25, v23;
	v10 =	vadd.f32 v41, v10;
	v43 =	vsel vm0, v15, v14  }
0x167: {  	v44 =	vsel vm0, v17, v16;
	v14 =	vsel vm0, v14, v15;
	v46 =	vsel vm0, v16, v17  }
0x168: {  	v20 =	vadd.f32 v34, v20;
	v26 =	vmul.f32 v63, v37;
	v39 =	vmul.f32 v61, v59  }
0x169: {  	v40 =	vmul.f32 v36, v37;
	v6 =	vmul.f32 v6, v7;
	v7 =	vadd.f32 v24, v22  }
0x16a: {  	v22 =	vperm.xlane v44, v0;
	v45 =	vsel vm0, v19, v18;
	v49 =	vsel vm0, v18, v19  }
0x16b: {  	v42 =	vmul.f32 v39, v37;
	v12 =	vadd.f32 v26, v12;
	v11 =	vadd.f32 v40, v11  }
0x16c: {  	v6 =	vmul.f32 v6, v37;
	v47 =	vperm.xlane v45, v0;
	v50 =	vsel vm0, v23, v20  }
0x16d: {  	v53 =	vsel vm0, v20, v23;
	v48 =	vadd.f32 v22, v46;
	v51 =	vsel vm0, v7, v21  }
0x16e: {  	v16 =	vperm.xlane v50, v0;
	v7 =	vsel vm0, v21, v7;
	v9 =	vadd.f32 v42, v9  }
0x16f: {  	v6 =	vadd.f32 v6, v8;
	v8 =	vperm.xlane v43, v0;
	v15 =	vadd.f32 v47, v49  }
0x170: {  	v17 =	vperm.xlane v51, v0;
	v52 =	vsel vm0, v11, v12;
	v11 =	vsel vm0, v12, v11  }
0x171: {  	v18 =	vperm.xlane v52, v0;
	v16 =	vadd.f32 v16, v53;
	v8 =	vadd.f32 v8, v14  }
0x172: {  	v7 =	vadd.f32 v17, v7;
	v54 =	vsel vm0, v9, v10;
	v55 =	vsel vm0, v13, v6  }
0x173: {  	v9 =	vsel vm0, v10, v9;
	v12 =	vperm.xlane v54, v0;
	v17 =	vperm.xlane v55, v0  }
0x174: {  	v6 =	vsel vm0, v6, v13;
	v11 =	vadd.f32 v18, v11;
	v58 =	vsel vm1, v16, v15  }
0x175: {  	v61 =	vsel vm1, v15, v16;
	v9 =	vadd.f32 v12, v9;
	v6 =	vadd.f32 v17, v6  }
0x176: {  	v56 =	vsel vm1, v48, v8;
	v8 =	vsel vm1, v8, v48;
	v10 =	vperm.xlane v58, v1  }
0x177: {  	v57 =	vperm.xlane v56, v1;
	v59 =	vsel vm1, v11, v7;
	v60 =	vsel vm1, v6, v9  }
0x178: {  	v7 =	vsel vm1, v7, v11;
	v12 =	vperm.xlane v59, v1;
	v13 =	vperm.xlane v60, v1  }
0x179: {  	v10 =	vadd.f32 v10, v61;
	v8 =	vadd.f32 v57, v8;
	v6 =	vsel vm1, v9, v6  }
0x17a: {  	v7 =	vadd.f32 v12, v7;
	v6 =	vadd.f32 v13, v6;
	_ =	sdelay $0x1  }
0x17b: {  	v62 =	vsel vm2, v10, v8;
	v63 =	vsel vm2, v6, v7  }
0x17c: {  	v9 =	vperm.xlane v62, v2;
	v11 =	vperm.xlane v63, v2  }
0x17d: {  	v8 =	vsel vm2, v8, v10;
	v6 =	vsel vm2, v7, v6  }
0x17e: {  	v7 =	vadd.f32 v9, v8;
	v6 =	vadd.f32 v11, v6;
	_ =	sdelay $0x1  }
0x17f: {  	v8 =	vsel vm3, v6, v7  }
0x180: {  	s31 =	sshll.u32 s22, $0x4;
	s22 =	sadd.s32 $0x1, s22;
	v8 =	vperm.xlane v8, v3  }
0x181: {  	p0 =	sne.s32 s22, $0x5;
	v6 =	vsel vm3, v7, v6  }
.Ltmp3:
0x182: {  	v6 =	vadd.f32 v6, v8;
	(pc) =	sbr.rel @p0 .LBB2_7-.Ltmp3, $4  }
0x183: {  	_ = 	snop  }
0x184: {  	v6 =	vadd.f32 v6, v4  }
0x185: {  	s25 =	sand.u32 $0x3FFFFFF0, s31  }
0x186: {  	s23 =	sadd.s32 $0x800, s23;
	s24 =	sadd.s32 $0x800, s24;
	[tilespmem:v5+s25+$0x0 ss:$0x1] =	vst.idx.msk $0xffff, v6  }
0x187: {  	s21 =	sadd.s32 $0x1, s21  }
0x188: {  	p0 =	sne.s32 s21, $0x3E  }
.Ltmp4:
0x189: {  	_ = 	snop;
	(pc) =	sbr.rel @p0 .LBB2_2-.Ltmp4, $1  }
0x18a: {  	_ =	sdelay $0x3  }
0x18b: {  	_ =	swait.ge [sflag:s17], $0x2800  }
0x18c: {  	[sflag:s17] =	ssyncset.done $0x0  }
0x18d: {  	[sflag:s17] =	ssyncadd.s32 $0xFFFFD800  }
0x18e: {  	_ =	swait.ge [sflag:s17], $0x2800  }
0x18f: {  	s21 =	simm.s32 $0x0;
	[sflag:s17] =	ssyncset.done $0x0  }
0x190: {  	s22 =	simm.s32 $0xA390;
	s23 =	simm.s32 $0x7B90;
	[sflag:s17] =	ssyncadd.s32 $0xFFFFD800  }
.LBB2_12:
0x191: {  	v20 =	vld [tilespmem:$0x0];
	s24 =	sshll.u32 s21, $0xB  }
0x192: {  	v8 =	vld [tilespmem:s24+$0x7780]  }
0x193: {  	v9 =	vld [tilespmem:s24+$0x9F80]  }
0x194: {  	v10 =	vld [tilespmem:s24+$0x7800]  }
0x195: {  	v11 =	vld [tilespmem:s24+$0xA000]  }
0x196: {  	v12 =	vld [tilespmem:s24+$0x7880]  }
0x197: {  	v13 =	vld [tilespmem:s24+$0xA080]  }
0x198: {  	v14 =	vld [tilespmem:s24+$0x7900]  }
0x199: {  	v15 =	vld [tilespmem:s24+$0xA100]  }
0x19a: {  	v16 =	vld [tilespmem:s24+$0x7980]  }
0x19b: {  	v17 =	vld [tilespmem:s24+$0xA180]  }
0x19c: {  	v18 =	vld [tilespmem:s24+$0x7A00]  }
0x19d: {  	v19 =	vld [tilespmem:s24+$0xA200]  }
0x19e: {  	v21 =	vld [tilespmem:s24+$0x7A80]  }
0x19f: {  	v22 =	vld [tilespmem:s24+$0xA280]  }
0x1a0: {  	v23 =	vld [tilespmem:s24+$0x7B00]  }
0x1a1: {  	v24 =	vld [tilespmem:s24+$0xA300]  }
0x1a2: {  	v25 =	vld [tilespmem:s24+$0x7B80]  }
0x1a3: {  	v26 =	vld [tilespmem:s24+$0xA380]  }
0x1a4: {  	v27 =	vld [tilespmem:s24+$0x7C00]  }
0x1a5: {  	v28 =	vld [tilespmem:s24+$0xA400]  }
0x1a6: {  	v29 =	vld [tilespmem:s24+$0x7C80]  }
0x1a7: {  	v30 =	vld [tilespmem:s24+$0xA480]  }
0x1a8: {  	v31 =	vld [tilespmem:s24+$0x7D00]  }
0x1a9: {  	v32 =	vld [tilespmem:s24+$0xA500]  }
0x1aa: {  	v33 =	vld [tilespmem:s24+$0x7D80]  }
0x1ab: {  	v34 =	vld [tilespmem:s24+$0xA580]  }
0x1ac: {  	v35 =	vld [tilespmem:s24+$0x7E00]  }
0x1ad: {  	v36 =	vld [tilespmem:s24+$0xA600]  }
0x1ae: {  	v6 =	vmov s23;
	v37 =	vld [tilespmem:s24+$0x7E80]  }
0x1af: {  	v5 =	vmov s22;
	v38 =	vld [tilespmem:s24+$0xA680]  }
0x1b0: {  	v39 =	vld [tilespmem:s24+$0x7F00]  }
0x1b1: {  	s25 =	simm.s32 $0x0;
	v40 =	vld [tilespmem:s24+$0xA700]  }
0x1b2: {  	v7 =	vld [tilespmem:s25+$0x10]  }
0x1b3: {  	v41 =	vld.idx.msk [tilespmem:v6+s25+$0x380 ss:$0x1], $0xffff  }
0x1b4: {  	v42 =	vld.idx.msk [tilespmem:v5+s25+$0x380 ss:$0x1], $0xffff  }
0x1b5: {  	v43 =	vld.idx.msk [tilespmem:v6+s25+$0xFFFFFC00 ss:$0x1], $0xffff  }
0x1b6: {  	v44 =	vld.idx.msk [tilespmem:v5+s25+$0xFFFFFC00 ss:$0x1], $0xffff;
	v8 =	vmul.f32 v9, v8  }
0x1b7: {  	v45 =	vld.idx.msk [tilespmem:v6+s25+$0xFFFFFC80 ss:$0x1], $0xffff;
	v9 =	vmul.f32 v11, v10;
	v10 =	vmul.f32 v13, v12  }
0x1b8: {  	v49 =	vld.idx.msk [tilespmem:v5+s25+$0xFFFFFF00 ss:$0x1], $0xffff;
	v11 =	vmul.f32 v15, v14;
	v48 =	vmul.f32 v36, v35  }
0x1b9: {  	v58 =	vld.idx.msk [tilespmem:v6+s25+$0x80 ss:$0x1], $0xffff;
	v50 =	vmul.f32 v38, v37;
	v13 =	vmul.f32 v8, v20  }
0x1ba: {  	v59 =	vld.idx.msk [tilespmem:v5+s25+$0x80 ss:$0x1], $0xffff;
	v8 =	vmul.f32 v17, v16;
	v15 =	vmul.f32 v9, v20  }
0x1bb: {  	v61 =	vld.idx.msk [tilespmem:v6+s25+$0x180 ss:$0x1], $0xffff;
	v9 =	vmul.f32 v19, v18;
	v17 =	vmul.f32 v10, v20  }
0x1bc: {  	v62 =	vld.idx.msk [tilespmem:v5+s25+$0x180 ss:$0x1], $0xffff;
	v10 =	vmul.f32 v22, v21;
	v19 =	vmul.f32 v11, v20  }
0x1bd: {  	v12 =	vld.idx.msk [tilespmem:v5+s25+$0xFFFFFC80 ss:$0x1], $0xffff;
	v11 =	vmul.f32 v24, v23;
	v22 =	vmul.f32 v8, v20  }
0x1be: {  	v14 =	vld.idx.msk [tilespmem:v6+s25+$0xFFFFFD00 ss:$0x1], $0xffff;
	v8 =	vmul.f32 v26, v25;
	v46 =	vmul.f32 v9, v20  }
0x1bf: {  	v16 =	vld.idx.msk [tilespmem:v5+s25+$0xFFFFFD00 ss:$0x1], $0xffff;
	v9 =	vmul.f32 v28, v27;
	v27 =	vmul.f32 v10, v20  }
0x1c0: {  	v18 =	vld.idx.msk [tilespmem:v6+s25+$0xFFFFFD80 ss:$0x1], $0xffff;
	v10 =	vmul.f32 v30, v29;
	v29 =	vmul.f32 v11, v20  }
0x1c1: {  	v21 =	vld.idx.msk [tilespmem:v5+s25+$0xFFFFFD80 ss:$0x1], $0xffff;
	v26 =	vmul.f32 v32, v31;
	v53 =	vmul.f32 v42, v41  }
0x1c2: {  	v23 =	vld.idx.msk [tilespmem:v6+s25+$0xFFFFFE00 ss:$0x1], $0xffff;
	v55 =	vmul.f32 v44, v43;
	v32 =	vmul.f32 v62, v61  }
0x1c3: {  	v24 =	vld.idx.msk [tilespmem:v5+s25+$0xFFFFFE00 ss:$0x1], $0xffff;
	v57 =	vmul.f32 v12, v45;
	v30 =	vmul.f32 v8, v20  }
0x1c4: {  	v25 =	vld.idx.msk [tilespmem:v6+s25+$0xFFFFFE80 ss:$0x1], $0xffff;
	v8 =	vmul.f32 v34, v33;
	v47 =	vmul.f32 v9, v20  }
0x1c5: {  	v28 =	vld.idx.msk [tilespmem:v5+s25+$0xFFFFFE80 ss:$0x1], $0xffff;
	v11 =	vmul.f32 v10, v20;
	v10 =	vmul.f32 v26, v20  }
0x1c6: {  	v31 =	vld.idx.msk [tilespmem:v6+s25+$0xFFFFFF00 ss:$0x1], $0xffff;
	v26 =	vmul.f32 v40, v39;
	v12 =	vmul.f32 v53, v7  }
0x1c7: {  	v51 =	vld.idx.msk [tilespmem:v6+s25+$0xFFFFFF80 ss:$0x1], $0xffff;
	v14 =	vmul.f32 v16, v14;
	v16 =	vmul.f32 v55, v7  }
0x1c8: {  	v52 =	vld.idx.msk [tilespmem:v5+s25+$0xFFFFFF80 ss:$0x1], $0xffff;
	v18 =	vmul.f32 v21, v18;
	v23 =	vmul.f32 v24, v23  }
0x1c9: {  	v54 =	vld.idx.msk [tilespmem:v6+s25+$0x0 ss:$0x1], $0xffff;
	v9 =	vmul.f32 v8, v20;
	v8 =	vmul.f32 v48, v20  }
0x1ca: {  	v56 =	vld.idx.msk [tilespmem:v5+s25+$0x0 ss:$0x1], $0xffff;
	v26 =	vmul.f32 v26, v20;
	v25 =	vmul.f32 v28, v25  }
0x1cb: {  	v60 =	vld.idx.msk [tilespmem:v5+s25+$0x100 ss:$0x1], $0xffff;
	v13 =	vadd.f32 v16, v13;
	v28 =	vmul.f32 v49, v31;
	v31 =	vmul.f32 v59, v58  }
0x1cc: {  	v21 =	vld.idx.msk [tilespmem:v6+s25+$0x100 ss:$0x1], $0xffff;
	v16 =	vmul.f32 v14, v7;
	v12 =	vadd.f32 v12, v26;
	v26 =	vmul.f32 v57, v7  }
0x1cd: {  	v18 =	vmul.f32 v18, v7;
	v31 =	vmul.f32 v31, v7  }
0x1ce: {  	v24 =	vld.idx.msk [tilespmem:v6+s25+$0x200 ss:$0x1], $0xffff;
	v14 =	vadd.f32 v26, v15;
	v15 =	vadd.f32 v16, v17;
	v17 =	vmul.f32 v23, v7  }
0x1cf: {  	v23 =	vmul.f32 v52, v51;
	v16 =	vadd.f32 v18, v19;
	v19 =	vmul.f32 v56, v54;
	v26 =	vld.idx.msk [tilespmem:v5+s25+$0x200 ss:$0x1], $0xffff  }
0x1d0: {  	v18 =	vmul.f32 v25, v7;
	v25 =	vld.idx.msk [tilespmem:v6+s25+$0x280 ss:$0x1], $0xffff;
	v17 =	vadd.f32 v17, v22;
	v22 =	vmul.f32 v28, v7  }
0x1d1: {  	v33 =	vmul.f32 v60, v21;
	v63 =	vmul.f32 v19, v7;
	v28 =	vld.idx.msk [tilespmem:v5+s25+$0x280 ss:$0x1], $0xffff  }
0x1d2: {  	v21 =	vadd.f32 v31, v47;
	v36 =	vmul.f32 v23, v7;
	v19 =	vadd.f32 v22, v27;
	v27 =	vld.idx.msk [tilespmem:v6+s25+$0x300 ss:$0x1], $0xffff  }
0x1d3: {  	s24 =	simm.s32 $0x10;
	v23 =	vmul.f32 v50, v20;
	v31 =	vmul.f32 v33, v7;
	v20 =	vadd.f32 v63, v30;
	v30 =	vld.idx.msk [tilespmem:v5+s25+$0x300 ss:$0x1], $0xffff  }
0x1d4: {  	v18 =	vadd.f32 v18, v46;
	v22 =	vadd.f32 v36, v29;
	v29 =	vld.idx.msk [tilespmem:v6+s24+$0x380 ss:$0x1], $0xffff;
	s25 =	simm.s32 $0x80  }
.LBB2_13:
0x1d5: {  	p0 =	sne.s32 s25, $0x180;
	v33 =	vld.idx.msk [tilespmem:v5+s24+$0x380 ss:$0x1], $0xffff;
	v11 =	vadd.f32 v31, v11;
	v31 =	vmul.f32 v32, v7;
	v24 =	vmul.f32 v26, v24  }
0x1d6: {  	v26 =	vld.idx.msk [tilespmem:v6+s24+$0xFFFFFC00 ss:$0x1], $0xffff  }
0x1d7: {  	v25 =	vmul.f32 v28, v25;
	v32 =	vld.idx.msk [tilespmem:v5+s24+$0xFFFFFC00 ss:$0x1], $0xffff;
	v10 =	vadd.f32 v31, v10;
	v24 =	vmul.f32 v24, v7  }
0x1d8: {  	v28 =	vld [tilespmem:s24+$0x10]  }
0x1d9: {  	v31 =	vld.idx.msk [tilespmem:v6+s24+$0xFFFFFC80 ss:$0x1], $0xffff;
	v9 =	vadd.f32 v24, v9;
	v24 =	vmul.f32 v25, v7;
	v25 =	vmul.f32 v30, v27  }
0x1da: {  	v27 =	vld.idx.msk [tilespmem:v5+s24+$0xFFFFFC80 ss:$0x1], $0xffff  }
0x1db: {  	v29 =	vmul.f32 v33, v29;
	v30 =	vld.idx.msk [tilespmem:v6+s24+$0xFFFFFD00 ss:$0x1], $0xffff;
	v8 =	vadd.f32 v24, v8;
	v33 =	vmul.f32 v25, v7  }
0x1dc: {  	v24 =	vld.idx.msk [tilespmem:v5+s24+$0xFFFFFD00 ss:$0x1], $0xffff  }
0x1dd: {  	v25 =	vmul.f32 v32, v26;
	v26 =	vld.idx.msk [tilespmem:v6+s24+$0xFFFFFD80 ss:$0x1], $0xffff;
	v29 =	vmul.f32 v29, v28;
	v23 =	vadd.f32 v33, v23  }
0x1de: {  	v7 =	vmov v28;
	v32 =	vld.idx.msk [tilespmem:v5+s24+$0xFFFFFD80 ss:$0x1], $0xffff  }
0x1df: {  	v25 =	vmul.f32 v25, v7;
	v28 =	vld.idx.msk [tilespmem:v6+s24+$0xFFFFFE00 ss:$0x1], $0xffff;
	v12 =	vadd.f32 v29, v12  }
0x1e0: {  	v27 =	vmul.f32 v27, v31;
	v29 =	vld.idx.msk [tilespmem:v5+s24+$0xFFFFFE00 ss:$0x1], $0xffff  }
0x1e1: {  	v13 =	vadd.f32 v25, v13;
	v25 =	vld.idx.msk [tilespmem:v6+s24+$0xFFFFFE80 ss:$0x1], $0xffff  }
0x1e2: {  	v27 =	vmul.f32 v27, v7;
	v24 =	vmul.f32 v24, v30;
	v30 =	vld.idx.msk [tilespmem:v5+s24+$0xFFFFFE80 ss:$0x1], $0xffff  }
0x1e3: {  	v31 =	vld.idx.msk [tilespmem:v6+s24+$0xFFFFFF00 ss:$0x1], $0xffff  }
0x1e4: {  	v14 =	vadd.f32 v27, v14;
	v24 =	vmul.f32 v24, v7;
	v26 =	vmul.f32 v32, v26;
	v27 =	vld.idx.msk [tilespmem:v5+s24+$0xFFFFFF00 ss:$0x1], $0xffff  }
0x1e5: {  	v32 =	vld.idx.msk [tilespmem:v6+s24+$0xFFFFFF80 ss:$0x1], $0xffff  }
0x1e6: {  	v15 =	vadd.f32 v24, v15;
	v24 =	vmul.f32 v26, v7;
	v26 =	vmul.f32 v29, v28;
	v28 =	vld.idx.msk [tilespmem:v5+s24+$0xFFFFFF80 ss:$0x1], $0xffff  }
0x1e7: {  	v29 =	vld.idx.msk [tilespmem:v6+s24+$0x0 ss:$0x1], $0xffff  }
0x1e8: {  	v16 =	vadd.f32 v24, v16;
	v24 =	vmul.f32 v26, v7;
	v25 =	vmul.f32 v30, v25;
	v26 =	vld.idx.msk [tilespmem:v5+s24+$0x0 ss:$0x1], $0xffff  }
0x1e9: {  	v30 =	vld.idx.msk [tilespmem:v6+s24+$0x80 ss:$0x1], $0xffff  }
0x1ea: {  	v17 =	vadd.f32 v24, v17;
	v24 =	vmul.f32 v25, v7;
	v25 =	vmul.f32 v27, v31;
	v27 =	vld.idx.msk [tilespmem:v5+s24+$0x80 ss:$0x1], $0xffff  }
0x1eb: {  	v31 =	vld.idx.msk [tilespmem:v6+s24+$0x100 ss:$0x1], $0xffff  }
0x1ec: {  	v18 =	vadd.f32 v24, v18;
	v24 =	vmul.f32 v25, v7;
	v25 =	vmul.f32 v28, v32;
	v28 =	vld.idx.msk [tilespmem:v5+s24+$0x100 ss:$0x1], $0xffff  }
0x1ed: {  	v32 =	vld.idx.msk [tilespmem:v6+s24+$0x180 ss:$0x1], $0xffff  }
0x1ee: {  	v19 =	vadd.f32 v24, v19;
	v25 =	vmul.f32 v25, v7;
	v26 =	vmul.f32 v26, v29;
	v29 =	vld.idx.msk [tilespmem:v5+s24+$0x180 ss:$0x1], $0xffff  }
0x1ef: {  	v24 =	vld.idx.msk [tilespmem:v6+s24+$0x200 ss:$0x1], $0xffff  }
0x1f0: {  	v22 =	vadd.f32 v25, v22;
	v33 =	vmul.f32 v26, v7;
	v27 =	vmul.f32 v27, v30;
	v26 =	vld.idx.msk [tilespmem:v5+s24+$0x200 ss:$0x1], $0xffff  }
.Ltmp5:
0x1f1: {  	v25 =	vld.idx.msk [tilespmem:v6+s24+$0x280 ss:$0x1], $0xffff;
	(pc) =	sbr.rel @p0 .LBB2_13-.Ltmp5, $4  }
0x1f2: {  	v20 =	vadd.f32 v33, v20;
	v30 =	vmul.f32 v27, v7;
	v31 =	vmul.f32 v28, v31;
	v28 =	vld.idx.msk [tilespmem:v5+s24+$0x280 ss:$0x1], $0xffff  }
0x1f3: {  	v27 =	vld.idx.msk [tilespmem:v6+s24+$0x300 ss:$0x1], $0xffff  }
0x1f4: {  	v21 =	vadd.f32 v30, v21;
	v31 =	vmul.f32 v31, v7;
	v32 =	vmul.f32 v29, v32;
	v30 =	vld.idx.msk [tilespmem:v5+s24+$0x300 ss:$0x1], $0xffff;
	s24 =	sshra.s32 s25, $0x2  }
0x1f5: {  	s25 =	sadd.s32 $0x40, s25;
	v29 =	vld.idx.msk [tilespmem:v6+s24+$0x380 ss:$0x1], $0xffff  }
0x1f6: {  	_ =	sdelay $0x3  }
0x1f7: {  	v33 =	vld.idx.msk [tilespmem:v5+s24+$0x380 ss:$0x1], $0xffff  }
0x1f8: {  	v34 =	vld.idx.msk [tilespmem:v6+s24+$0xFFFFFC00 ss:$0x1], $0xffff  }
0x1f9: {  	v35 =	vld.idx.msk [tilespmem:v5+s24+$0xFFFFFC00 ss:$0x1], $0xffff  }
0x1fa: {  	v36 =	vld [tilespmem:s24+$0x10]  }
0x1fb: {  	v37 =	vld.idx.msk [tilespmem:v6+s24+$0xFFFFFC80 ss:$0x1], $0xffff  }
0x1fc: {  	v38 =	vld.idx.msk [tilespmem:v5+s24+$0xFFFFFC80 ss:$0x1], $0xffff  }
0x1fd: {  	v39 =	vld.idx.msk [tilespmem:v6+s24+$0xFFFFFD00 ss:$0x1], $0xffff  }
0x1fe: {  	v40 =	vld.idx.msk [tilespmem:v5+s24+$0xFFFFFD00 ss:$0x1], $0xffff  }
0x1ff: {  	v41 =	vld.idx.msk [tilespmem:v6+s24+$0xFFFFFD80 ss:$0x1], $0xffff  }
0x200: {  	v42 =	vld.idx.msk [tilespmem:v5+s24+$0xFFFFFD80 ss:$0x1], $0xffff  }
0x201: {  	v43 =	vld.idx.msk [tilespmem:v6+s24+$0xFFFFFE00 ss:$0x1], $0xffff  }
0x202: {  	v44 =	vld.idx.msk [tilespmem:v5+s24+$0xFFFFFE00 ss:$0x1], $0xffff  }
0x203: {  	v45 =	vld.idx.msk [tilespmem:v6+s24+$0xFFFFFE80 ss:$0x1], $0xffff  }
0x204: {  	v46 =	vld.idx.msk [tilespmem:v5+s24+$0xFFFFFE80 ss:$0x1], $0xffff  }
0x205: {  	v47 =	vld.idx.msk [tilespmem:v6+s24+$0xFFFFFF00 ss:$0x1], $0xffff  }
0x206: {  	v48 =	vld.idx.msk [tilespmem:v5+s24+$0xFFFFFF00 ss:$0x1], $0xffff  }
0x207: {  	v51 =	vld.idx.msk [tilespmem:v6+s24+$0x0 ss:$0x1], $0xffff;
	v24 =	vmul.f32 v26, v24  }
0x208: {  	v26 =	vld.idx.msk [tilespmem:v5+s24+$0x0 ss:$0x1], $0xffff;
	v57 =	vmul.f32 v32, v7;
	v25 =	vmul.f32 v28, v25  }
0x209: {  	v53 =	vld.idx.msk [tilespmem:v6+s24+$0x200 ss:$0x1], $0xffff;
	v24 =	vmul.f32 v24, v7;
	v27 =	vmul.f32 v30, v27  }
0x20a: {  	v56 =	vld.idx.msk [tilespmem:v5+s24+$0x200 ss:$0x1], $0xffff;
	v25 =	vmul.f32 v25, v7;
	v29 =	vmul.f32 v33, v29  }
0x20b: {  	v49 =	vld.idx.msk [tilespmem:v6+s24+$0xFFFFFF80 ss:$0x1], $0xffff;
	v7 =	vmul.f32 v27, v7;
	v58 =	vmul.f32 v35, v34  }
0x20c: {  	v50 =	vld.idx.msk [tilespmem:v5+s24+$0xFFFFFF80 ss:$0x1], $0xffff;
	v59 =	vmul.f32 v38, v37;
	v60 =	vmul.f32 v40, v39  }
0x20d: {  	v32 =	vld.idx.msk [tilespmem:v5+s24+$0x80 ss:$0x1], $0xffff;
	v61 =	vmul.f32 v42, v41;
	v63 =	vmul.f32 v44, v43  }
0x20e: {  	v11 =	vadd.f32 v31, v11;
	v30 =	vld.idx.msk [tilespmem:v6+s24+$0x80 ss:$0x1], $0xffff;
	v52 =	vmul.f32 v46, v45;
	v55 =	vmul.f32 v48, v47  }
0x20f: {  	v10 =	vadd.f32 v57, v10;
	v27 =	vld.idx.msk [tilespmem:v6+s24+$0x100 ss:$0x1], $0xffff;
	v26 =	vmul.f32 v26, v51;
	v39 =	vmul.f32 v56, v53  }
0x210: {  	v9 =	vadd.f32 v24, v9;
	v33 =	vld.idx.msk [tilespmem:v5+s24+$0x100 ss:$0x1], $0xffff;
	v62 =	vmul.f32 v29, v36;
	v44 =	vmul.f32 v58, v36  }
0x211: {  	v35 =	vld.idx.msk [tilespmem:v6+s24+$0x180 ss:$0x1], $0xffff;
	v8 =	vadd.f32 v25, v8;
	v54 =	vmul.f32 v59, v36;
	v57 =	vmul.f32 v60, v36  }
0x212: {  	v37 =	vld.idx.msk [tilespmem:v5+s24+$0x180 ss:$0x1], $0xffff;
	v7 =	vadd.f32 v7, v23;
	v58 =	vmul.f32 v50, v49;
	v60 =	vmul.f32 v61, v36  }
0x213: {  	v59 =	vld.idx.msk [tilespmem:v6+s24+$0x280 ss:$0x1], $0xffff;
	v29 =	vmul.f32 v63, v36;
	v26 =	vmul.f32 v26, v36;
	v12 =	vadd.f32 v62, v12  }
0x214: {  	v61 =	vld.idx.msk [tilespmem:v5+s24+$0x280 ss:$0x1], $0xffff;
	v42 =	vmul.f32 v39, v36;
	v13 =	vadd.f32 v44, v13;
	v14 =	vadd.f32 v54, v14  }
0x215: {  	v6 =	vld.idx.msk [tilespmem:v6+s24+$0x300 ss:$0x1], $0xffff;
	v15 =	vadd.f32 v57, v15;
	v62 =	vmul.f32 v32, v30;
	v16 =	vadd.f32 v60, v16  }
0x216: {  	v5 =	vld.idx.msk [tilespmem:v5+s24+$0x300 ss:$0x1], $0xffff;
	v32 =	vmul.f32 v52, v36;
	v17 =	vadd.f32 v29, v17;
	v24 =	vmul.f32 v58, v36  }
0x217: {  	v20 =	vadd.f32 v26, v20;
	v9 =	vadd.f32 v42, v9;
	v63 =	vmul.f32 v33, v27  }
0x218: {  	v33 =	vmul.f32 v55, v36;
	v37 =	vmul.f32 v37, v35;
	v18 =	vadd.f32 v32, v18  }
0x219: {  	v23 =	vmul.f32 v62, v36;
	v22 =	vadd.f32 v24, v22;
	v44 =	vsel vm0, v16, v15  }
0x21a: {  	v46 =	vsel vm0, v15, v16;
	v25 =	vmul.f32 v63, v36;
	v40 =	vmul.f32 v61, v59  }
0x21b: {  	v19 =	vadd.f32 v33, v19;
	v41 =	vmul.f32 v37, v36;
	v5 =	vmul.f32 v5, v6  }
0x21c: {  	v6 =	vadd.f32 v23, v21;
	v21 =	vperm.xlane v44, v0;
	v45 =	vsel vm0, v18, v17  }
0x21d: {  	v49 =	vsel vm0, v17, v18;
	v43 =	vmul.f32 v40, v36;
	v11 =	vadd.f32 v25, v11  }
0x21e: {  	v10 =	vadd.f32 v41, v10;
	v5 =	vmul.f32 v5, v36;
	v47 =	vperm.xlane v45, v0  }
0x21f: {  	v50 =	vsel vm0, v22, v19;
	v53 =	vsel vm0, v19, v22;
	v48 =	vadd.f32 v21, v46  }
0x220: {  	v51 =	vsel vm0, v6, v20;
	v15 =	vperm.xlane v50, v0;
	v6 =	vsel vm0, v20, v6  }
0x221: {  	v8 =	vadd.f32 v43, v8;
	v5 =	vadd.f32 v5, v7;
	v7 =	vsel vm0, v14, v13  }
0x222: {  	v13 =	vsel vm0, v13, v14;
	v14 =	vadd.f32 v47, v49;
	v16 =	vperm.xlane v51, v0  }
0x223: {  	v52 =	vsel vm0, v10, v11;
	v10 =	vsel vm0, v11, v10;
	v7 =	vperm.xlane v7, v0  }
0x224: {  	v17 =	vperm.xlane v52, v0;
	v15 =	vadd.f32 v15, v53;
	v6 =	vadd.f32 v16, v6  }
0x225: {  	v54 =	vsel vm0, v8, v9;
	v55 =	vsel vm0, v12, v5;
	v8 =	vsel vm0, v9, v8  }
0x226: {  	v5 =	vsel vm0, v5, v12;
	v11 =	vperm.xlane v54, v0;
	v16 =	vperm.xlane v55, v0  }
0x227: {  	v7 =	vadd.f32 v7, v13;
	v10 =	vadd.f32 v17, v10;
	v58 =	vsel vm1, v15, v14  }
0x228: {  	v61 =	vsel vm1, v14, v15;
	v8 =	vadd.f32 v11, v8;
	v5 =	vadd.f32 v16, v5  }
0x229: {  	v9 =	vperm.xlane v58, v1;
	v56 =	vsel vm1, v48, v7;
	v7 =	vsel vm1, v7, v48  }
0x22a: {  	v59 =	vsel vm1, v10, v6;
	v57 =	vperm.xlane v56, v1;
	v60 =	vsel vm1, v5, v8  }
0x22b: {  	v6 =	vsel vm1, v6, v10;
	v11 =	vperm.xlane v59, v1;
	v12 =	vperm.xlane v60, v1  }
0x22c: {  	v9 =	vadd.f32 v9, v61;
	v5 =	vsel vm1, v8, v5;
	v7 =	vadd.f32 v57, v7  }
0x22d: {  	v6 =	vadd.f32 v11, v6;
	v5 =	vadd.f32 v12, v5;
	_ =	sdelay $0x1  }
0x22e: {  	v62 =	vsel vm2, v9, v7;
	v63 =	vsel vm2, v5, v6  }
0x22f: {  	v8 =	vperm.xlane v62, v2;
	v10 =	vperm.xlane v63, v2  }
0x230: {  	v7 =	vsel vm2, v7, v9;
	v5 =	vsel vm2, v6, v5  }
0x231: {  	v6 =	vadd.f32 v8, v7;
	v5 =	vadd.f32 v10, v5;
	_ =	sdelay $0x1  }
0x232: {  	v7 =	vsel vm3, v5, v6  }
0x233: {  	s31 =	sshll.u32 s21, $0x4;
	s21 =	sadd.s32 $0x1, s21;
	v7 =	vperm.xlane v7, v3  }
0x234: {  	p0 =	sne.s32 s21, $0x5;
	v5 =	vsel vm3, v6, v5  }
.Ltmp6:
0x235: {  	v5 =	vadd.f32 v5, v7;
	(pc) =	sbr.rel @p0 .LBB2_12-.Ltmp6, $4  }
0x236: {  	_ = 	snop  }
0x237: {  	v5 =	vadd.f32 v5, v4  }
0x238: {  	s24 =	sand.u32 $0x3FFFFFF0, s31  }
0x239: {  	s22 =	sadd.s32 $0x800, s22;
	s23 =	sadd.s32 $0x800, s23;
	[tilespmem:s24+$0x76C0] =	vst v5  }
0x23a: {  	s20 =	sadd.s32 $0x1, s20  }
0x23b: {  	p0 =	sne.s32 s20, s8  }
.Ltmp7:
0x23c: {  	_ = 	snop;
	(pc) =	sbr.rel @p0 .LBB2_1-.Ltmp7, $4  }
0x23d: {  	[hbm4b:s7+s4] =	stream.linear.scatter [tilespmem:s19], [sflag:$0x3], $0x2710, $0x38;
	[tilespmem:$0x11780] =	vst v63  }
0x23e: {  	_ =	swait.ge [sflag:s9], $0x2710  }
0x23f: {  	[sflag:s9] =	ssyncset.done $0x0  }
0x240: {  	[sflag:s9] =	ssyncadd.s32 $0xFFFFD8F0  }
0x241: {  	_ =	sfence.sel $0x180000  }
0x242: {  	[bflag:$0x0] =	sbarrier.arrive $0xFFFF  }
0x243: {  	p0 =	sne.s32 s0, $0x0;
	_ =	strace $0x90000047  }
0x244: {  	s0 =	sadd.s32 @!p0 $0x100000, s2;
	[bflag:$0x2] =	sbarrier.arrive $0xFFFF  }
0x245: {  	[sflag:s0] =	ssyncadd.tile.s32 @!p0 $0x1;
	_ =	shalt  }
.Lfunc_end2:
_tile_overlayer_lowered:
.L_overlay_start_2:
0x246: {  	(tag) =	ssettag $0x2  }
0x247: {  	s0 =	rddreg [dreg:$0x0];
	s2 =	stileid.u32  }
0x248: {  	s1 =	rddreg [dreg:$0x1];
	p0 =	sne.s32 s2, $0x0  }
0x249: {  	s3 =	rddreg [dreg:$0x2];
	[bflag:$0x3] =	sbarrier.arrive $0xFFFF;
	s2 =	simm.s32 @!p0 $0x1C03  }
0x24a: {  	[timem:s3], [sflag:s2] =	dma.local @!p0 [hbm:s0], s1  }
0x24b: {  	s0 =	simm.s32 @!p0 $0x3  }
0x24c: {  	_ =	swait.ge @!p0 [sflag:s0], s1  }
0x24d: {  	s1 =	ssub.s32 @!p0 $0x0, s1;
	[sflag:s0] =	ssyncset.done @!p0 $0x0  }
0x24e: {  	[sflag:s0] =	ssyncadd.s32 @!p0 s1  }
0x24f: {  	[bflag:$0x3] =	sbarrier.arrive $0xFFFF  }
0x250: {  	_ =	shalt  }

</sc_bundles>
